<compile_context>
chip_gen: v7x
topology: tpu7x:2x2x1
jax: 0.10.2.dev20260603
libtpu: 0.0.44.dev20260713+nightly
codegen_flags: <defaults>
</compile_context>

<pallas_src>
import functools

import jax
import jax.numpy as jnp
from jax import lax
from jax.experimental import pallas as pl
from jax.experimental.pallas import tpu as pltpu
from jax.experimental.pallas import tpu_sc as plsc

N = 10000
E = 320000
F_IN = 128
H = 16

NC, NS, L = 2, 16, 16
NW = NC * NS
EW = E // NW
NSEG = 10
SEG = EW // NSEG
NBUF = 3
NP = 10240
SLC = NP // NS


def _mesh():
    return plsc.VectorSubcoreMesh(
        core_axis_name="c", subcore_axis_name="s",
        num_cores=NC, num_subcores=NS)


_SC_PARAMS = pltpu.CompilerParams(use_tc_tiling_on_sc=False,
                                  needs_layout_passes=False)


def _worker(c, s):
    return s * NC + c


def _sc_count(edge_index):
    @functools.partial(
        pl.kernel,
        out_type=jax.ShapeDtypeStruct((NC, NP), jnp.float32),
        mesh=_mesh(),
        compiler_params=_SC_PARAMS,
        scratch_types=[
            pltpu.VMEM((EW,), jnp.int32),
            pltpu.VMEM((EW,), jnp.float32),
            pltpu.VMEM((SLC,), jnp.float32),
            pltpu.VMEM_SHARED((NP,), jnp.float32),
            pltpu.SemaphoreType.DMA,
        ],
    )
    def k(edge_hbm, out_hbm, dst_v, ones_v, zero_v, acc, semi):
        c = lax.axis_index("c")
        s = lax.axis_index("s")
        w = _worker(c, s)

        cp = pltpu.async_copy(edge_hbm.at[1, pl.ds(w * EW, EW)], dst_v, semi)

        def fillo(i, _):
            ones_v[pl.ds(i * L, L)] = jnp.ones((L,), jnp.float32)
            return 0
        lax.fori_loop(0, EW // L, fillo, 0)

        def fillz(i, _):
            zero_v[pl.ds(i * L, L)] = jnp.zeros((L,), jnp.float32)
            return 0
        lax.fori_loop(0, SLC // L, fillz, 0)

        @pl.when(c == 0)
        def _():
            pltpu.sync_copy(ones_v.at[pl.ds(0, SLC)],
                            acc.at[pl.ds(s * SLC, SLC)])

        @pl.when(c != 0)
        def _():
            pltpu.sync_copy(zero_v, acc.at[pl.ds(s * SLC, SLC)])

        cp.wait()
        plsc.subcore_barrier()

        pltpu.sync_copy(ones_v, acc.at[dst_v], add=True)

        plsc.subcore_barrier()
        pltpu.sync_copy(acc.at[pl.ds(s * SLC, SLC)],
                        out_hbm.at[c, pl.ds(s * SLC, SLC)])

    return k(edge_index)


def _sc_agg16(edge_index, hs):
    @functools.partial(
        pl.kernel,
        out_type=jax.ShapeDtypeStruct((NC, NP, H), jnp.float32),
        mesh=_mesh(),
        compiler_params=_SC_PARAMS,
        scratch_types=[
            pltpu.VMEM((EW,), jnp.int32),
            pltpu.VMEM((NSEG, SEG), jnp.int32),
            pltpu.VMEM((SEG, H), jnp.float32),
            pltpu.VMEM((SEG, H), jnp.float32),
            pltpu.VMEM((SEG, H), jnp.float32),
            pltpu.VMEM((64, H), jnp.float32),
            pltpu.VMEM_SHARED((NP, H), jnp.float32),
            pltpu.SemaphoreType.DMA,
            pltpu.SemaphoreType.DMA,
            pltpu.SemaphoreType.DMA,
            pltpu.SemaphoreType.DMA,
        ],
    )
    def k(edge_hbm, hs_hbm, out_hbm,
          src_v, dst_v, buf0, buf1, buf2, zero_v, acc,
          semi, sg0, sg1, sg2):
        c = lax.axis_index("c")
        s = lax.axis_index("s")
        w = _worker(c, s)
        bufs = (buf0, buf1, buf2)
        semg = (sg0, sg1, sg2)

        idx_cps = [pltpu.async_copy(
            edge_hbm.at[0, pl.ds(w * EW, EW)], src_v, semi)]
        for j in range(NSEG):
            idx_cps.append(pltpu.async_copy(
                edge_hbm.at[1, pl.ds(w * EW + j * SEG, SEG)],
                dst_v.at[j], semi))

        @pl.when(c == 0)
        def _():
            pltpu.sync_copy(hs_hbm.at[pl.ds(s * SLC, SLC), :],
                            buf0.at[pl.ds(0, SLC), :])
            pltpu.sync_copy(buf0.at[pl.ds(0, SLC), :],
                            acc.at[pl.ds(s * SLC, SLC), :])

        @pl.when(c != 0)
        def _():
            def fillz(i, _):
                zero_v[i, :] = jnp.zeros((H,), jnp.float32)
                return 0
            lax.fori_loop(0, 64, fillz, 0)

            def zrow(i, _):
                pltpu.sync_copy(zero_v,
                                acc.at[pl.ds(s * SLC + i * 64, 64), :])
                return 0
            lax.fori_loop(0, SLC // 64, zrow, 0)

        for cp in idx_cps:
            cp.wait()
        plsc.subcore_barrier()

        gat = [None] * NSEG
        for j in range(NBUF):
            gat[j] = pltpu.async_copy(
                hs_hbm.at[src_v.at[pl.ds(j * SEG, SEG)]], bufs[j], semg[j])
        for j in range(NSEG):
            b = j % NBUF
            gat[j].wait()
            pltpu.sync_copy(bufs[b], acc.at[dst_v.at[j]], add=True)
            if j + NBUF < NSEG:
                gat[j + NBUF] = pltpu.async_copy(
                    hs_hbm.at[src_v.at[pl.ds((j + NBUF) * SEG, SEG)]],
                    bufs[b], semg[b])

        plsc.subcore_barrier()
        pltpu.sync_copy(acc.at[pl.ds(s * SLC, SLC), :],
                        out_hbm.at[c, pl.ds(s * SLC, SLC), :])

    return k(edge_index, hs)


def _sc_agg1(edge_index, gs):
    @functools.partial(
        pl.kernel,
        out_type=jax.ShapeDtypeStruct((NC, NP), jnp.float32),
        mesh=_mesh(),
        compiler_params=_SC_PARAMS,
        scratch_types=[
            pltpu.VMEM((EW,), jnp.int32),
            pltpu.VMEM((EW,), jnp.int32),
            pltpu.VMEM((EW,), jnp.float32),
            pltpu.VMEM((N,), jnp.float32),
            pltpu.VMEM((SLC,), jnp.float32),
            pltpu.VMEM_SHARED((NP,), jnp.float32),
            pltpu.SemaphoreType.DMA,
        ],
    )
    def k(edge_hbm, gs_hbm, out_hbm,
          src_v, dst_v, msg_v, gs_v, zero_v, acc, semi):
        c = lax.axis_index("c")
        s = lax.axis_index("s")
        w = _worker(c, s)

        cps = [
            pltpu.async_copy(edge_hbm.at[0, pl.ds(w * EW, EW)], src_v, semi),
            pltpu.async_copy(edge_hbm.at[1, pl.ds(w * EW, EW)], dst_v, semi),
            pltpu.async_copy(gs_hbm.at[pl.ds(0, N)], gs_v, semi),
        ]

        @pl.when(c == 0)
        def _():
            pltpu.sync_copy(gs_hbm.at[pl.ds(s * SLC, SLC)],
                            msg_v.at[pl.ds(0, SLC)])
            pltpu.sync_copy(msg_v.at[pl.ds(0, SLC)],
                            acc.at[pl.ds(s * SLC, SLC)])

        @pl.when(c != 0)
        def _():
            def fillz(i, _):
                zero_v[pl.ds(i * L, L)] = jnp.zeros((L,), jnp.float32)
                return 0
            lax.fori_loop(0, SLC // L, fillz, 0)
            pltpu.sync_copy(zero_v, acc.at[pl.ds(s * SLC, SLC)])

        for cp in cps:
            cp.wait()
        plsc.subcore_barrier()

        def gat(i, _):
            idx = src_v[pl.ds(i * L, L)]
            msg_v[pl.ds(i * L, L)] = plsc.load_gather(gs_v, [idx])
            return 0
        lax.fori_loop(0, EW // L, gat, 0)

        pltpu.sync_copy(msg_v, acc.at[dst_v], add=True)

        plsc.subcore_barrier()
        pltpu.sync_copy(acc.at[pl.ds(s * SLC, SLC)],
                        out_hbm.at[c, pl.ds(s * SLC, SLC)])

    return k(edge_index, gs)


def _tc_prep_body(cnt_ref, cnt80_ref, x_ref, w1_ref, dis80_ref, hs_ref):
    deg = cnt_ref[0:1, :] + cnt_ref[1:2, :]
    dis = jnp.transpose(lax.rsqrt(deg))
    h = jnp.dot(x_ref[...], w1_ref[...], preferred_element_type=jnp.float32)
    dis80_ref[...] = lax.rsqrt(cnt80_ref[0] + cnt80_ref[1])
    hs_ref[pl.ds(0, N), :] = h * dis[:N, :]
    hs_ref[pl.ds(N, NP - N), :] = jnp.zeros((NP - N, H), jnp.float32)


def _tc_prep(cnt, cnt80, x, W1):
    return pl.pallas_call(
        _tc_prep_body,
        out_shape=[
            jax.ShapeDtypeStruct((80, 128), jnp.float32),
            jax.ShapeDtypeStruct((NP, H), jnp.float32),
        ],
    )(cnt, cnt80, x, W1)


def _tc_mid_body(aggw_ref, dis80_ref, b1_ref, w2_ref, gs80_ref):
    lane2k = lax.broadcasted_iota(jnp.int32, (128, 16 * 128), 1) // H
    exp = jnp.where(lane2k == lax.broadcasted_iota(
        jnp.int32, (128, 16 * 128), 0), 1.0, 0.0)
    feat = lax.broadcasted_iota(jnp.int32, (H, 16 * 128), 1) % H
    sel = jnp.where(feat == lax.broadcasted_iota(
        jnp.int32, (H, 16 * 128), 0), 1.0, 0.0)
    red = jnp.where(lax.broadcasted_iota(
        jnp.int32, (16 * 128, 128), 0) // H == lax.broadcasted_iota(
        jnp.int32, (16 * 128, 128), 1), 1.0, 0.0)

    dis80 = dis80_ref[...]
    dis_ex = jnp.dot(dis80, exp, preferred_element_type=jnp.float32)
    b1_ex = jnp.dot(b1_ref[...], sel, preferred_element_type=jnp.float32)
    w2_ex = jnp.dot(w2_ref[...], sel, preferred_element_type=jnp.float32)
    a = aggw_ref[0] + aggw_ref[1]
    t = jnp.maximum(dis_ex * a + b1_ex, 0.0)
    g80 = jnp.dot(t * w2_ex, red, preferred_element_type=jnp.float32)
    gs80_ref[...] = g80 * dis80


def _tc_mid(aggw, dis80, b1row, w2row):
    return pl.pallas_call(
        _tc_mid_body,
        out_shape=jax.ShapeDtypeStruct((80, 128), jnp.float32),
    )(aggw, dis80, b1row, w2row)


def _tc_out_body(a2w_ref, dis80_ref, bsz_ref, b2_ref, out_ref):
    a = a2w_ref[0] + a2w_ref[1]
    out_ref[...] = (dis80_ref[...] * a + b2_ref[0, 0]) * bsz_ref[0, 0]


def _tc_out(a2w, dis80, bszv, b2v):
    return pl.pallas_call(
        _tc_out_body,
        out_shape=jax.ShapeDtypeStruct((80, 128), jnp.float32),
    )(a2w, dis80, bszv, b2v)


def kernel(x, edge_index, batch, W1, b1, W2, b2):
    count = _sc_count(edge_index)
    dis80, hs1 = _tc_prep(count, count.reshape(2, 80, 128), x, W1)

    agg1 = _sc_agg16(edge_index, hs1)
    gs80 = _tc_mid(agg1.reshape(2, 80, 16 * 128), dis80,
                   b1.reshape(1, H), W2.reshape(1, H))

    agg2 = _sc_agg1(edge_index, gs80.reshape(NP))
    bszv = (batch[-1] + 1).astype(jnp.float32).reshape(1, 1)
    out80 = _tc_out(agg2.reshape(2, 80, 128), dis80,
                    bszv, b2.reshape(1, 1))
    return out80.reshape(NP)[:N].reshape(1, N)

# --- scband reference (transcript-rebuilt; emitter-appended) ---
"""Pipeline reference for scband-gcn-89764816486749 (READ-ONLY COPY).

The authoritative reference and input builder live on the scoring server;
editing this copy changes nothing except your own understanding.
"""

import jax, jax.numpy as jnp
import numpy as np

N = 10000
E = 320000
F_IN = 128
H = 16

def gcn_conv(x, edge_index, W, b):
    # GCNConv: add self-loops, symmetric normalization, x @ W, scatter-add aggregate
    src = edge_index[0]
    dst = edge_index[1]
    loop = jnp.arange(N, dtype=src.dtype)
    src = jnp.concatenate([src, loop])
    dst = jnp.concatenate([dst, loop])
    h = x @ W
    ones = jnp.ones(src.shape[0], dtype=h.dtype)
    deg = jax.ops.segment_sum(ones, dst, num_segments=N)
    dis = jnp.where(deg > 0, 1.0 / jnp.sqrt(deg), 0.0)
    norm = dis[src] * dis[dst]
    msg = h[src] * norm[:, None]
    out = jax.ops.segment_sum(msg, dst, num_segments=N)
    return out + b


def setup_inputs(seed: int = 0):
    key = jax.random.key(seed)
    k1, k2, k3, k4, k5, k6 = jax.random.split(key, 6)
    x = jax.random.normal(k1, (N, F_IN), dtype=jnp.float32)
    edge_index = jax.random.randint(k2, (2, E), 0, N, dtype=jnp.int32)
    batch = jnp.zeros((N,), dtype=jnp.int32)  # single graph -> batch[-1]+1 == 1
    W1 = jax.random.normal(k3, (F_IN, H), dtype=jnp.float32) * (1.0 / np.sqrt(F_IN))
    b1 = jnp.zeros((H,), dtype=jnp.float32)
    W2 = jax.random.normal(k4, (H, 1), dtype=jnp.float32) * (1.0 / np.sqrt(H))
    b2 = jnp.zeros((1,), dtype=jnp.float32)
    return {"x": x, "edge_index": edge_index, "batch": batch, "W1": W1, "b1": b1, "W2": W2, "b2": b2}


def reference(x, edge_index, batch, W1, b1, W2, b2):
    h = gcn_conv(x, edge_index, W1, b1)
    h = jax.nn.relu(h)
    h = gcn_conv(h, edge_index, W2, b2)
    bsz_t = batch[-1] + 1
    return h.reshape(1, -1) * bsz_t.astype(h.dtype)

if __name__ == "__main__":
    import jax
    _d = setup_inputs()
    print(jax.jit(kernel)(*tuple(_d.values())))

</pallas_src>

<mosaic_0001>
#map = affine_map<(d0, d1) -> (0, 0)>
#map1 = affine_map<(d0, d1) -> (0)>
module attributes {stable_mosaic.version = 14 : i64} {
  func.func @k(%arg0: i32, %arg1: i32, %arg2: memref<2x320000xi32, #tpu.memory_space<hbm>>, %arg3: memref<10240xf32, #tpu.memory_space<hbm>>, %arg4: memref<2x10240xf32, #tpu.memory_space<hbm>>, %arg5: memref<10000xi32, #tpu.memory_space<vmem>>, %arg6: memref<10000xi32, #tpu.memory_space<vmem>>, %arg7: memref<10000xf32, #tpu.memory_space<vmem>>, %arg8: memref<10000xf32, #tpu.memory_space<vmem>>, %arg9: memref<640xf32, #tpu.memory_space<vmem>>, %arg10: memref<10240xf32, #tpu.memory_space<vmem_shared>>, %arg11: memref<!tpu.dma_semaphore, #tpu.memory_space<semaphore_mem>>) attributes {dimension_semantics = [#tpu.dimension_semantics<core_parallel>, #tpu.dimension_semantics<subcore_parallel>], iteration_bounds = array<i64: 2, 16>, scalar_prefetch = 0 : i64, scratch_operands = 7 : i64, tpu.core_type = #tpu.core_type<sc_vector_subcore>, window_params = [{transform_indices = #map}, {transform_indices = #map1}, {transform_indices = #map}]} {
    %mul3A = arith.constant 2 : i32
    %mul3A_0 = arith.muli %arg1, %mul3A : i32
    %add3A = arith.addi %mul3A_0, %arg0 : i32
    %mul3A_1 = arith.constant 10000 : i32
    %mul3A_2 = arith.muli %add3A, %mul3A_1 : i32
    %dma_start3A = arith.constant 0 : i32
    %dma_start3A_3 = tpu.memref_slice %arg2[%dma_start3A, %mul3A_2] : memref<2x320000xi32, #tpu.memory_space<hbm>> -> memref<1x10000xi32, #tpu.memory_space<hbm>>
    %dma_start3A_4 = tpu.memref_squeeze %dma_start3A_3 : memref<1x10000xi32, #tpu.memory_space<hbm>> -> memref<10000xi32, #tpu.memory_space<hbm>>
    %dma_start3A_5 = tpu.memref_slice %arg2[%dma_start3A, %mul3A_2] : memref<2x320000xi32, #tpu.memory_space<hbm>> -> memref<1x10000xi32, #tpu.memory_space<hbm>>
    %dma_start3A_6 = tpu.memref_squeeze %dma_start3A_5 : memref<1x10000xi32, #tpu.memory_space<hbm>> -> memref<10000xi32, #tpu.memory_space<hbm>>
    tpu.enqueue_dma source(%dma_start3A_6 : memref<10000xi32, #tpu.memory_space<hbm>>) target(%arg5 : memref<10000xi32, #tpu.memory_space<vmem>>) target_semaphore(%arg11 : memref<!tpu.dma_semaphore, #tpu.memory_space<semaphore_mem>>)
    %mul3A_7 = arith.constant 10000 : i32
    %mul3A_8 = arith.muli %add3A, %mul3A_7 : i32
    %dma_start3A_9 = arith.constant 1 : i32
    %dma_start3A_10 = tpu.memref_slice %arg2[%dma_start3A_9, %mul3A_8] : memref<2x320000xi32, #tpu.memory_space<hbm>> -> memref<1x10000xi32, #tpu.memory_space<hbm>>
    %dma_start3A_11 = tpu.memref_squeeze %dma_start3A_10 : memref<1x10000xi32, #tpu.memory_space<hbm>> -> memref<10000xi32, #tpu.memory_space<hbm>>
    %dma_start3A_12 = tpu.memref_slice %arg2[%dma_start3A_9, %mul3A_8] : memref<2x320000xi32, #tpu.memory_space<hbm>> -> memref<1x10000xi32, #tpu.memory_space<hbm>>
    %dma_start3A_13 = tpu.memref_squeeze %dma_start3A_12 : memref<1x10000xi32, #tpu.memory_space<hbm>> -> memref<10000xi32, #tpu.memory_space<hbm>>
    tpu.enqueue_dma source(%dma_start3A_13 : memref<10000xi32, #tpu.memory_space<hbm>>) target(%arg6 : memref<10000xi32, #tpu.memory_space<vmem>>) target_semaphore(%arg11 : memref<!tpu.dma_semaphore, #tpu.memory_space<semaphore_mem>>)
    %dma_start3A_14 = arith.constant 0 : i32
    %dma_start3A_15 = tpu.memref_slice %arg3[%dma_start3A_14] : memref<10240xf32, #tpu.memory_space<hbm>> -> memref<10000xf32, #tpu.memory_space<hbm>>
    %dma_start3A_16 = arith.constant 0 : i32
    %dma_start3A_17 = tpu.memref_slice %arg3[%dma_start3A_16] : memref<10240xf32, #tpu.memory_space<hbm>> -> memref<10000xf32, #tpu.memory_space<hbm>>
    tpu.enqueue_dma source(%dma_start3A_17 : memref<10000xf32, #tpu.memory_space<hbm>>) target(%arg8 : memref<10000xf32, #tpu.memory_space<vmem>>) target_semaphore(%arg11 : memref<!tpu.dma_semaphore, #tpu.memory_space<semaphore_mem>>)
    %eq3A = arith.constant 0 : i32
    %eq3A_18 = arith.cmpi eq, %arg0, %eq3A : i32
    %convert_element_type3A = arith.extui %eq3A_18 : i1 to i32
    %cond3A = arith.constant 0 : i32
    %cond3A_19 = arith.cmpi ne, %convert_element_type3A, %cond3A : i32
    scf.if %cond3A_19 {
      %mul3A_48 = arith.constant 640 : i32
      %mul3A_49 = arith.muli %arg1, %mul3A_48 : i32
      "tpu.region"() ({
        %run_scoped3A = tpu.sem_alloc : memref<!tpu.dma_semaphore, #tpu.memory_space<semaphore_mem>>
        %dma_start3A_52 = arith.constant 0 : i32
        %dma_start3A_53 = tpu.memref_slice %arg7[%dma_start3A_52] : memref<10000xf32, #tpu.memory_space<vmem>> -> memref<640xf32, #tpu.memory_space<vmem>>
        %dma_start3A_54 = tpu.memref_slice %arg3[%mul3A_49] : memref<10240xf32, #tpu.memory_space<hbm>> -> memref<640xf32, #tpu.memory_space<hbm>>
        %dma_start3A_55 = arith.constant 0 : i32
        %dma_start3A_56 = tpu.memref_slice %arg7[%dma_start3A_55] : memref<10000xf32, #tpu.memory_space<vmem>> -> memref<640xf32, #tpu.memory_space<vmem>>
        %dma_start3A_57 = tpu.memref_slice %arg3[%mul3A_49] : memref<10240xf32, #tpu.memory_space<hbm>> -> memref<640xf32, #tpu.memory_space<hbm>>
        tpu.enqueue_dma source(%dma_start3A_57 : memref<640xf32, #tpu.memory_space<hbm>>) target(%dma_start3A_56 : memref<640xf32, #tpu.memory_space<vmem>>) target_semaphore(%run_scoped3A : memref<!tpu.dma_semaphore, #tpu.memory_space<semaphore_mem>>)
        %dma_wait3A_58 = arith.constant 0 : i32
        %dma_wait3A_59 = tpu.memref_slice %arg7[%dma_wait3A_58] : memref<10000xf32, #tpu.memory_space<vmem>> -> memref<640xf32, #tpu.memory_space<vmem>>
        %dma_wait3A_60 = tpu.memref_slice %arg3[%mul3A_49] : memref<10240xf32, #tpu.memory_space<hbm>> -> memref<640xf32, #tpu.memory_space<hbm>>
        %dma_wait3A_61 = arith.constant 0 : i32
        %dma_wait3A_62 = tpu.memref_slice %arg7[%dma_wait3A_61] : memref<10000xf32, #tpu.memory_space<vmem>> -> memref<640xf32, #tpu.memory_space<vmem>>
        %dma_wait3A_63 = tpu.memref_slice %arg3[%mul3A_49] : memref<10240xf32, #tpu.memory_space<hbm>> -> memref<640xf32, #tpu.memory_space<hbm>>
        tpu.wait_dma2 semaphore(%run_scoped3A : memref<!tpu.dma_semaphore, #tpu.memory_space<semaphore_mem>>) src(%dma_wait3A_63 : memref<640xf32, #tpu.memory_space<hbm>>) dst(%dma_wait3A_62 : memref<640xf32, #tpu.memory_space<vmem>>)
        tpu.yield
      }) : () -> ()
      %mul3A_50 = arith.constant 640 : i32
      %mul3A_51 = arith.muli %arg1, %mul3A_50 : i32
      "tpu.region"() ({
        %run_scoped3A = tpu.sem_alloc : memref<!tpu.dma_semaphore, #tpu.memory_space<semaphore_mem>>
        %dma_start3A_52 = arith.constant 0 : i32
        %dma_start3A_53 = tpu.memref_slice %arg7[%dma_start3A_52] : memref<10000xf32, #tpu.memory_space<vmem>> -> memref<640xf32, #tpu.memory_space<vmem>>
        %dma_start3A_54 = tpu.memref_slice %arg10[%mul3A_51] : memref<10240xf32, #tpu.memory_space<vmem_shared>> -> memref<640xf32, #tpu.memory_space<vmem_shared>>
        %dma_start3A_55 = tpu.memref_slice %arg10[%mul3A_51] : memref<10240xf32, #tpu.memory_space<vmem_shared>> -> memref<640xf32, #tpu.memory_space<vmem_shared>>
        %dma_start3A_56 = arith.constant 0 : i32
        %dma_start3A_57 = tpu.memref_slice %arg7[%dma_start3A_56] : memref<10000xf32, #tpu.memory_space<vmem>> -> memref<640xf32, #tpu.memory_space<vmem>>
        tpu.enqueue_dma source(%dma_start3A_57 : memref<640xf32, #tpu.memory_space<vmem>>) target(%dma_start3A_55 : memref<640xf32, #tpu.memory_space<vmem_shared>>) target_semaphore(%run_scoped3A : memref<!tpu.dma_semaphore, #tpu.memory_space<semaphore_mem>>)
        %dma_wait3A_58 = arith.constant 0 : i32
        %dma_wait3A_59 = tpu.memref_slice %arg7[%dma_wait3A_58] : memref<10000xf32, #tpu.memory_space<vmem>> -> memref<640xf32, #tpu.memory_space<vmem>>
        %dma_wait3A_60 = tpu.memref_slice %arg10[%mul3A_51] : memref<10240xf32, #tpu.memory_space<vmem_shared>> -> memref<640xf32, #tpu.memory_space<vmem_shared>>
        %dma_wait3A_61 = tpu.memref_slice %arg10[%mul3A_51] : memref<10240xf32, #tpu.memory_space<vmem_shared>> -> memref<640xf32, #tpu.memory_space<vmem_shared>>
        %dma_wait3A_62 = arith.constant 0 : i32
        %dma_wait3A_63 = tpu.memref_slice %arg7[%dma_wait3A_62] : memref<10000xf32, #tpu.memory_space<vmem>> -> memref<640xf32, #tpu.memory_space<vmem>>
        tpu.wait_dma2 semaphore(%run_scoped3A : memref<!tpu.dma_semaphore, #tpu.memory_space<semaphore_mem>>) src(%dma_wait3A_63 : memref<640xf32, #tpu.memory_space<vmem>>) dst(%dma_wait3A_61 : memref<640xf32, #tpu.memory_space<vmem_shared>>)
        tpu.yield
      }) : () -> ()
    } else {
    }
    %ne3A = arith.constant 0 : i32
    %ne3A_20 = arith.cmpi ne, %arg0, %ne3A : i32
    %convert_element_type3A_21 = arith.extui %ne3A_20 : i1 to i32
    %cond3A_22 = arith.constant 0 : i32
    %cond3A_23 = arith.cmpi ne, %convert_element_type3A_21, %cond3A_22 : i32
    scf.if %cond3A_23 {
      %scan3A_48 = arith.constant 0 : i32
      %scan3A_49 = arith.constant 0 : i32
      %scan3A_50 = arith.constant 40 : i32
      %scan3A_51 = arith.addi %scan3A_49, %scan3A_50 : i32
      %scan3A_52 = arith.constant 1 : i32
      %scan3A_53 = scf.for %scan3A_57 = %scan3A_49 to %scan3A_51 step %scan3A_52 iter_args(%scan3A_58 = %scan3A_48) -> (i32)  : i32 {
        %broadcast_in_dim3A = arith.constant 0.000000e+00 : f32
        %broadcast_in_dim3A_59 = vector.broadcast %broadcast_in_dim3A : f32 to vector<16xf32>
        %mul3A_60 = arith.constant 16 : i32
        %mul3A_61 = arith.muli %scan3A_57, %mul3A_60 : i32
        %swap3A = arith.index_cast %mul3A_61 : i32 to index
        %swap3A_62 = tpu.vector_load %arg9[%swap3A] {strides = array<i32>} : memref<640xf32, #tpu.memory_space<vmem>>, vector<16xf32>,
        tpu.vector_store %arg9[%swap3A], %broadcast_in_dim3A_59 {strides = array<i32>} : memref<640xf32, #tpu.memory_space<vmem>>, vector<16xf32>,
        %scan3A_63 = arith.constant 0 : i32
        scf.yield %scan3A_63 : i32
      }
      %scan3A_54 = arith.constant 40 : i32
      %mul3A_55 = arith.constant 640 : i32
      %mul3A_56 = arith.muli %arg1, %mul3A_55 : i32
      "tpu.region"() ({
        %run_scoped3A = tpu.sem_alloc : memref<!tpu.dma_semaphore, #tpu.memory_space<semaphore_mem>>
        %dma_start3A_57 = tpu.memref_slice %arg10[%mul3A_56] : memref<10240xf32, #tpu.memory_space<vmem_shared>> -> memref<640xf32, #tpu.memory_space<vmem_shared>>
        %dma_start3A_58 = tpu.memref_slice %arg10[%mul3A_56] : memref<10240xf32, #tpu.memory_space<vmem_shared>> -> memref<640xf32, #tpu.memory_space<vmem_shared>>
        tpu.enqueue_dma source(%arg9 : memref<640xf32, #tpu.memory_space<vmem>>) target(%dma_start3A_58 : memref<640xf32, #tpu.memory_space<vmem_shared>>) target_semaphore(%run_scoped3A : memref<!tpu.dma_semaphore, #tpu.memory_space<semaphore_mem>>)
        %dma_wait3A_59 = tpu.memref_slice %arg10[%mul3A_56] : memref<10240xf32, #tpu.memory_space<vmem_shared>> -> memref<640xf32, #tpu.memory_space<vmem_shared>>
        %dma_wait3A_60 = tpu.memref_slice %arg10[%mul3A_56] : memref<10240xf32, #tpu.memory_space<vmem_shared>> -> memref<640xf32, #tpu.memory_space<vmem_shared>>
        tpu.wait_dma2 semaphore(%run_scoped3A : memref<!tpu.dma_semaphore, #tpu.memory_space<semaphore_mem>>) src(%arg9 : memref<640xf32, #tpu.memory_space<vmem>>) dst(%dma_wait3A_60 : memref<640xf32, #tpu.memory_space<vmem_shared>>)
        tpu.yield
      }) : () -> ()
    } else {
    }
    %dma_wait3A = arith.constant 0 : i32
    %dma_wait3A_24 = tpu.memref_slice %arg2[%dma_wait3A, %mul3A_2] : memref<2x320000xi32, #tpu.memory_space<hbm>> -> memref<1x10000xi32, #tpu.memory_space<hbm>>
    %dma_wait3A_25 = tpu.memref_squeeze %dma_wait3A_24 : memref<1x10000xi32, #tpu.memory_space<hbm>> -> memref<10000xi32, #tpu.memory_space<hbm>>
    %dma_wait3A_26 = tpu.memref_slice %arg2[%dma_wait3A, %mul3A_2] : memref<2x320000xi32, #tpu.memory_space<hbm>> -> memref<1x10000xi32, #tpu.memory_space<hbm>>
    %dma_wait3A_27 = tpu.memref_squeeze %dma_wait3A_26 : memref<1x10000xi32, #tpu.memory_space<hbm>> -> memref<10000xi32, #tpu.memory_space<hbm>>
    tpu.wait_dma2 semaphore(%arg11 : memref<!tpu.dma_semaphore, #tpu.memory_space<semaphore_mem>>) src(%dma_wait3A_27 : memref<10000xi32, #tpu.memory_space<hbm>>) dst(%arg5 : memref<10000xi32, #tpu.memory_space<vmem>>)
    %dma_wait3A_28 = arith.constant 1 : i32
    %dma_wait3A_29 = tpu.memref_slice %arg2[%dma_wait3A_28, %mul3A_8] : memref<2x320000xi32, #tpu.memory_space<hbm>> -> memref<1x10000xi32, #tpu.memory_space<hbm>>
    %dma_wait3A_30 = tpu.memref_squeeze %dma_wait3A_29 : memref<1x10000xi32, #tpu.memory_space<hbm>> -> memref<10000xi32, #tpu.memory_space<hbm>>
    %dma_wait3A_31 = tpu.memref_slice %arg2[%dma_wait3A_28, %mul3A_8] : memref<2x320000xi32, #tpu.memory_space<hbm>> -> memref<1x10000xi32, #tpu.memory_space<hbm>>
    %dma_wait3A_32 = tpu.memref_squeeze %dma_wait3A_31 : memref<1x10000xi32, #tpu.memory_space<hbm>> -> memref<10000xi32, #tpu.memory_space<hbm>>
    tpu.wait_dma2 semaphore(%arg11 : memref<!tpu.dma_semaphore, #tpu.memory_space<semaphore_mem>>) src(%dma_wait3A_32 : memref<10000xi32, #tpu.memory_space<hbm>>) dst(%arg6 : memref<10000xi32, #tpu.memory_space<vmem>>)
    %dma_wait3A_33 = arith.constant 0 : i32
    %dma_wait3A_34 = tpu.memref_slice %arg3[%dma_wait3A_33] : memref<10240xf32, #tpu.memory_space<hbm>> -> memref<10000xf32, #tpu.memory_space<hbm>>
    %dma_wait3A_35 = arith.constant 0 : i32
    %dma_wait3A_36 = tpu.memref_slice %arg3[%dma_wait3A_35] : memref<10240xf32, #tpu.memory_space<hbm>> -> memref<10000xf32, #tpu.memory_space<hbm>>
    tpu.wait_dma2 semaphore(%arg11 : memref<!tpu.dma_semaphore, #tpu.memory_space<semaphore_mem>>) src(%dma_wait3A_36 : memref<10000xf32, #tpu.memory_space<hbm>>) dst(%arg8 : memref<10000xf32, #tpu.memory_space<vmem>>)
    %barrier3A = arith.constant 0 : index
    tpu.barrier barrier_id(%barrier3A)
    %scan3A = arith.constant 0 : i32
    %scan3A_37 = arith.constant 0 : i32
    %scan3A_38 = arith.constant 625 : i32
    %scan3A_39 = arith.addi %scan3A_37, %scan3A_38 : i32
    %scan3A_40 = arith.constant 1 : i32
    %scan3A_41 = scf.for %scan3A_48 = %scan3A_37 to %scan3A_39 step %scan3A_40 iter_args(%scan3A_49 = %scan3A) -> (i32)  : i32 {
      %mul3A_50 = arith.constant 16 : i32
      %mul3A_51 = arith.muli %scan3A_48, %mul3A_50 : i32
      %get3A = arith.index_cast %mul3A_51 : i32 to index
      %get3A_52 = tpu.vector_load %arg5[%get3A] {strides = array<i32>} : memref<10000xi32, #tpu.memory_space<vmem>>, vector<16xi32>,
      %gather3A = tpu.vector_load_idx %arg8[%get3A_52] : memref<10000xf32, #tpu.memory_space<vmem>>[vector<16xi32>], vector<16xf32>,
      %mul3A_53 = arith.constant 16 : i32
      %mul3A_54 = arith.muli %scan3A_48, %mul3A_53 : i32
      %swap3A = arith.index_cast %mul3A_54 : i32 to index
      %swap3A_55 = tpu.vector_load %arg7[%swap3A] {strides = array<i32>} : memref<10000xf32, #tpu.memory_space<vmem>>, vector<16xf32>,
      tpu.vector_store %arg7[%swap3A], %gather3A {strides = array<i32>} : memref<10000xf32, #tpu.memory_space<vmem>>, vector<16xf32>,
      %scan3A_56 = arith.constant 0 : i32
      scf.yield %scan3A_56 : i32
    }
    %scan3A_42 = arith.constant 625 : i32
    "tpu.region"() ({
      %run_scoped3A = tpu.sem_alloc : memref<!tpu.dma_semaphore, #tpu.memory_space<semaphore_mem>>
      %dma_start3A_48 = arith.constant 0 : i32
      %dma_start3A_49 = tpu.memref_slice %arg10[%dma_start3A_48] : memref<10240xf32, #tpu.memory_space<vmem_shared>> -> memref<10240xf32, #tpu.memory_space<vmem_shared>>
      tpu.enqueue_indirect_dma source(%arg7 : memref<10000xf32, #tpu.memory_space<vmem>>) target(%dma_start3A_49 : memref<10240xf32, #tpu.memory_space<vmem_shared>>) offsets(%arg6 : memref<10000xi32, #tpu.memory_space<vmem>>) semaphore(%run_scoped3A : memref<!tpu.dma_semaphore, #tpu.memory_space<semaphore_mem>>) {add = true}
      %dma_wait3A_50 = arith.constant 0 : i32
      %dma_wait3A_51 = tpu.memref_slice %arg10[%dma_wait3A_50] : memref<10240xf32, #tpu.memory_space<vmem_shared>> -> memref<10240xf32, #tpu.memory_space<vmem_shared>>
      tpu.wait_indirect_dma semaphore(%run_scoped3A : memref<!tpu.dma_semaphore, #tpu.memory_space<semaphore_mem>>) src(%arg7 : memref<10000xf32, #tpu.memory_space<vmem>>) dst(%dma_wait3A_51 : memref<10240xf32, #tpu.memory_space<vmem_shared>>)
      tpu.yield
    }) : () -> ()
    %barrier3A_43 = arith.constant 0 : index
    tpu.barrier barrier_id(%barrier3A_43)
    %mul3A_44 = arith.constant 640 : i32
    %mul3A_45 = arith.muli %arg1, %mul3A_44 : i32
    %mul3A_46 = arith.constant 640 : i32
    %mul3A_47 = arith.muli %arg1, %mul3A_46 : i32
    "tpu.region"() ({
      %run_scoped3A = tpu.sem_alloc : memref<!tpu.dma_semaphore, #tpu.memory_space<semaphore_mem>>
      %dma_start3A_48 = tpu.memref_slice %arg4[%arg0, %mul3A_47] : memref<2x10240xf32, #tpu.memory_space<hbm>> -> memref<1x640xf32, #tpu.memory_space<hbm>>
      %dma_start3A_49 = tpu.memref_squeeze %dma_start3A_48 : memref<1x640xf32, #tpu.memory_space<hbm>> -> memref<640xf32, #tpu.memory_space<hbm>>
      %dma_start3A_50 = tpu.memref_slice %arg10[%mul3A_45] : memref<10240xf32, #tpu.memory_space<vmem_shared>> -> memref<640xf32, #tpu.memory_space<vmem_shared>>
      tpu.enqueue_dma source(%dma_start3A_50 : memref<640xf32, #tpu.memory_space<vmem_shared>>) target(%dma_start3A_49 : memref<640xf32, #tpu.memory_space<hbm>>) target_semaphore(%run_scoped3A : memref<!tpu.dma_semaphore, #tpu.memory_space<semaphore_mem>>)
      %dma_wait3A_51 = tpu.memref_slice %arg4[%arg0, %mul3A_47] : memref<2x10240xf32, #tpu.memory_space<hbm>> -> memref<1x640xf32, #tpu.memory_space<hbm>>
      %dma_wait3A_52 = tpu.memref_squeeze %dma_wait3A_51 : memref<1x640xf32, #tpu.memory_space<hbm>> -> memref<640xf32, #tpu.memory_space<hbm>>
      %dma_wait3A_53 = tpu.memref_slice %arg10[%mul3A_45] : memref<10240xf32, #tpu.memory_space<vmem_shared>> -> memref<640xf32, #tpu.memory_space<vmem_shared>>
      tpu.wait_dma2 semaphore(%run_scoped3A : memref<!tpu.dma_semaphore, #tpu.memory_space<semaphore_mem>>) src(%dma_wait3A_53 : memref<640xf32, #tpu.memory_space<vmem_shared>>) dst(%dma_wait3A_52 : memref<640xf32, #tpu.memory_space<hbm>>)
      tpu.yield
    }) : () -> ()
    return
  }
}

#map = affine_map<(d0, d1) -> (0, 0)>
module attributes {stable_mosaic.version = 14 : i64} {
  func.func @k(%arg0: i32, %arg1: i32, %arg2: memref<2x320000xi32, #tpu.memory_space<hbm>>, %arg3: memref<2x10240xf32, #tpu.memory_space<hbm>>, %arg4: memref<10000xi32, #tpu.memory_space<vmem>>, %arg5: memref<10000xf32, #tpu.memory_space<vmem>>, %arg6: memref<640xf32, #tpu.memory_space<vmem>>, %arg7: memref<10240xf32, #tpu.memory_space<vmem_shared>>, %arg8: memref<!tpu.dma_semaphore, #tpu.memory_space<semaphore_mem>>) attributes {dimension_semantics = [#tpu.dimension_semantics<core_parallel>, #tpu.dimension_semantics<subcore_parallel>], iteration_bounds = array<i64: 2, 16>, scalar_prefetch = 0 : i64, scratch_operands = 5 : i64, tpu.core_type = #tpu.core_type<sc_vector_subcore>, window_params = [{transform_indices = #map}, {transform_indices = #map}]} {
    %mul3A = arith.constant 2 : i32
    %mul3A_0 = arith.muli %arg1, %mul3A : i32
    %add3A = arith.addi %mul3A_0, %arg0 : i32
    %mul3A_1 = arith.constant 10000 : i32
    %mul3A_2 = arith.muli %add3A, %mul3A_1 : i32
    %dma_start3A = arith.constant 1 : i32
    %dma_start3A_3 = tpu.memref_slice %arg2[%dma_start3A, %mul3A_2] : memref<2x320000xi32, #tpu.memory_space<hbm>> -> memref<1x10000xi32, #tpu.memory_space<hbm>>
    %dma_start3A_4 = tpu.memref_squeeze %dma_start3A_3 : memref<1x10000xi32, #tpu.memory_space<hbm>> -> memref<10000xi32, #tpu.memory_space<hbm>>
    %dma_start3A_5 = tpu.memref_slice %arg2[%dma_start3A, %mul3A_2] : memref<2x320000xi32, #tpu.memory_space<hbm>> -> memref<1x10000xi32, #tpu.memory_space<hbm>>
    %dma_start3A_6 = tpu.memref_squeeze %dma_start3A_5 : memref<1x10000xi32, #tpu.memory_space<hbm>> -> memref<10000xi32, #tpu.memory_space<hbm>>
    tpu.enqueue_dma source(%dma_start3A_6 : memref<10000xi32, #tpu.memory_space<hbm>>) target(%arg4 : memref<10000xi32, #tpu.memory_space<vmem>>) target_semaphore(%arg8 : memref<!tpu.dma_semaphore, #tpu.memory_space<semaphore_mem>>)
    %scan3A = arith.constant 0 : i32
    %scan3A_7 = arith.constant 0 : i32
    %scan3A_8 = arith.constant 625 : i32
    %scan3A_9 = arith.addi %scan3A_7, %scan3A_8 : i32
    %scan3A_10 = arith.constant 1 : i32
    %scan3A_11 = scf.for %scan3A_35 = %scan3A_7 to %scan3A_9 step %scan3A_10 iter_args(%scan3A_36 = %scan3A) -> (i32)  : i32 {
      %broadcast_in_dim3A = arith.constant 1.000000e+00 : f32
      %broadcast_in_dim3A_37 = vector.broadcast %broadcast_in_dim3A : f32 to vector<16xf32>
      %mul3A_38 = arith.constant 16 : i32
      %mul3A_39 = arith.muli %scan3A_35, %mul3A_38 : i32
      %swap3A = arith.index_cast %mul3A_39 : i32 to index
      %swap3A_40 = tpu.vector_load %arg5[%swap3A] {strides = array<i32>} : memref<10000xf32, #tpu.memory_space<vmem>>, vector<16xf32>,
      tpu.vector_store %arg5[%swap3A], %broadcast_in_dim3A_37 {strides = array<i32>} : memref<10000xf32, #tpu.memory_space<vmem>>, vector<16xf32>,
      %scan3A_41 = arith.constant 0 : i32
      scf.yield %scan3A_41 : i32
    }
    %scan3A_12 = arith.constant 625 : i32
    %scan3A_13 = arith.constant 0 : i32
    %scan3A_14 = arith.constant 0 : i32
    %scan3A_15 = arith.constant 40 : i32
    %scan3A_16 = arith.addi %scan3A_14, %scan3A_15 : i32
    %scan3A_17 = arith.constant 1 : i32
    %scan3A_18 = scf.for %scan3A_35 = %scan3A_14 to %scan3A_16 step %scan3A_17 iter_args(%scan3A_36 = %scan3A_13) -> (i32)  : i32 {
      %broadcast_in_dim3A = arith.constant 0.000000e+00 : f32
      %broadcast_in_dim3A_37 = vector.broadcast %broadcast_in_dim3A : f32 to vector<16xf32>
      %mul3A_38 = arith.constant 16 : i32
      %mul3A_39 = arith.muli %scan3A_35, %mul3A_38 : i32
      %swap3A = arith.index_cast %mul3A_39 : i32 to index
      %swap3A_40 = tpu.vector_load %arg6[%swap3A] {strides = array<i32>} : memref<640xf32, #tpu.memory_space<vmem>>, vector<16xf32>,
      tpu.vector_store %arg6[%swap3A], %broadcast_in_dim3A_37 {strides = array<i32>} : memref<640xf32, #tpu.memory_space<vmem>>, vector<16xf32>,
      %scan3A_41 = arith.constant 0 : i32
      scf.yield %scan3A_41 : i32
    }
    %scan3A_19 = arith.constant 40 : i32
    %eq3A = arith.constant 0 : i32
    %eq3A_20 = arith.cmpi eq, %arg0, %eq3A : i32
    %convert_element_type3A = arith.extui %eq3A_20 : i1 to i32
    %cond3A = arith.constant 0 : i32
    %cond3A_21 = arith.cmpi ne, %convert_element_type3A, %cond3A : i32
    scf.if %cond3A_21 {
      %mul3A_35 = arith.constant 640 : i32
      %mul3A_36 = arith.muli %arg1, %mul3A_35 : i32
      "tpu.region"() ({
        %run_scoped3A = tpu.sem_alloc : memref<!tpu.dma_semaphore, #tpu.memory_space<semaphore_mem>>
        %dma_start3A_37 = arith.constant 0 : i32
        %dma_start3A_38 = tpu.memref_slice %arg5[%dma_start3A_37] : memref<10000xf32, #tpu.memory_space<vmem>> -> memref<640xf32, #tpu.memory_space<vmem>>
        %dma_start3A_39 = tpu.memref_slice %arg7[%mul3A_36] : memref<10240xf32, #tpu.memory_space<vmem_shared>> -> memref<640xf32, #tpu.memory_space<vmem_shared>>
        %dma_start3A_40 = tpu.memref_slice %arg7[%mul3A_36] : memref<10240xf32, #tpu.memory_space<vmem_shared>> -> memref<640xf32, #tpu.memory_space<vmem_shared>>
        %dma_start3A_41 = arith.constant 0 : i32
        %dma_start3A_42 = tpu.memref_slice %arg5[%dma_start3A_41] : memref<10000xf32, #tpu.memory_space<vmem>> -> memref<640xf32, #tpu.memory_space<vmem>>
        tpu.enqueue_dma source(%dma_start3A_42 : memref<640xf32, #tpu.memory_space<vmem>>) target(%dma_start3A_40 : memref<640xf32, #tpu.memory_space<vmem_shared>>) target_semaphore(%run_scoped3A : memref<!tpu.dma_semaphore, #tpu.memory_space<semaphore_mem>>)
        %dma_wait3A_43 = arith.constant 0 : i32
        %dma_wait3A_44 = tpu.memref_slice %arg5[%dma_wait3A_43] : memref<10000xf32, #tpu.memory_space<vmem>> -> memref<640xf32, #tpu.memory_space<vmem>>
        %dma_wait3A_45 = tpu.memref_slice %arg7[%mul3A_36] : memref<10240xf32, #tpu.memory_space<vmem_shared>> -> memref<640xf32, #tpu.memory_space<vmem_shared>>
        %dma_wait3A_46 = tpu.memref_slice %arg7[%mul3A_36] : memref<10240xf32, #tpu.memory_space<vmem_shared>> -> memref<640xf32, #tpu.memory_space<vmem_shared>>
        %dma_wait3A_47 = arith.constant 0 : i32
        %dma_wait3A_48 = tpu.memref_slice %arg5[%dma_wait3A_47] : memref<10000xf32, #tpu.memory_space<vmem>> -> memref<640xf32, #tpu.memory_space<vmem>>
        tpu.wait_dma2 semaphore(%run_scoped3A : memref<!tpu.dma_semaphore, #tpu.memory_space<semaphore_mem>>) src(%dma_wait3A_48 : memref<640xf32, #tpu.memory_space<vmem>>) dst(%dma_wait3A_46 : memref<640xf32, #tpu.memory_space<vmem_shared>>)
        tpu.yield
      }) : () -> ()
    } else {
    }
    %ne3A = arith.constant 0 : i32
    %ne3A_22 = arith.cmpi ne, %arg0, %ne3A : i32
    %convert_element_type3A_23 = arith.extui %ne3A_22 : i1 to i32
    %cond3A_24 = arith.constant 0 : i32
    %cond3A_25 = arith.cmpi ne, %convert_element_type3A_23, %cond3A_24 : i32
    scf.if %cond3A_25 {
      %mul3A_35 = arith.constant 640 : i32
      %mul3A_36 = arith.muli %arg1, %mul3A_35 : i32
      "tpu.region"() ({
        %run_scoped3A = tpu.sem_alloc : memref<!tpu.dma_semaphore, #tpu.memory_space<semaphore_mem>>
        %dma_start3A_37 = tpu.memref_slice %arg7[%mul3A_36] : memref<10240xf32, #tpu.memory_space<vmem_shared>> -> memref<640xf32, #tpu.memory_space<vmem_shared>>
        %dma_start3A_38 = tpu.memref_slice %arg7[%mul3A_36] : memref<10240xf32, #tpu.memory_space<vmem_shared>> -> memref<640xf32, #tpu.memory_space<vmem_shared>>
        tpu.enqueue_dma source(%arg6 : memref<640xf32, #tpu.memory_space<vmem>>) target(%dma_start3A_38 : memref<640xf32, #tpu.memory_space<vmem_shared>>) target_semaphore(%run_scoped3A : memref<!tpu.dma_semaphore, #tpu.memory_space<semaphore_mem>>)
        %dma_wait3A_39 = tpu.memref_slice %arg7[%mul3A_36] : memref<10240xf32, #tpu.memory_space<vmem_shared>> -> memref<640xf32, #tpu.memory_space<vmem_shared>>
        %dma_wait3A_40 = tpu.memref_slice %arg7[%mul3A_36] : memref<10240xf32, #tpu.memory_space<vmem_shared>> -> memref<640xf32, #tpu.memory_space<vmem_shared>>
        tpu.wait_dma2 semaphore(%run_scoped3A : memref<!tpu.dma_semaphore, #tpu.memory_space<semaphore_mem>>) src(%arg6 : memref<640xf32, #tpu.memory_space<vmem>>) dst(%dma_wait3A_40 : memref<640xf32, #tpu.memory_space<vmem_shared>>)
        tpu.yield
      }) : () -> ()
    } else {
    }
    %dma_wait3A = arith.constant 1 : i32
    %dma_wait3A_26 = tpu.memref_slice %arg2[%dma_wait3A, %mul3A_2] : memref<2x320000xi32, #tpu.memory_space<hbm>> -> memref<1x10000xi32, #tpu.memory_space<hbm>>
    %dma_wait3A_27 = tpu.memref_squeeze %dma_wait3A_26 : memref<1x10000xi32, #tpu.memory_space<hbm>> -> memref<10000xi32, #tpu.memory_space<hbm>>
    %dma_wait3A_28 = tpu.memref_slice %arg2[%dma_wait3A, %mul3A_2] : memref<2x320000xi32, #tpu.memory_space<hbm>> -> memref<1x10000xi32, #tpu.memory_space<hbm>>
    %dma_wait3A_29 = tpu.memref_squeeze %dma_wait3A_28 : memref<1x10000xi32, #tpu.memory_space<hbm>> -> memref<10000xi32, #tpu.memory_space<hbm>>
    tpu.wait_dma2 semaphore(%arg8 : memref<!tpu.dma_semaphore, #tpu.memory_space<semaphore_mem>>) src(%dma_wait3A_29 : memref<10000xi32, #tpu.memory_space<hbm>>) dst(%arg4 : memref<10000xi32, #tpu.memory_space<vmem>>)
    %barrier3A = arith.constant 0 : index
    tpu.barrier barrier_id(%barrier3A)
    "tpu.region"() ({
      %run_scoped3A = tpu.sem_alloc : memref<!tpu.dma_semaphore, #tpu.memory_space<semaphore_mem>>
      %dma_start3A_35 = arith.constant 0 : i32
      %dma_start3A_36 = tpu.memref_slice %arg7[%dma_start3A_35] : memref<10240xf32, #tpu.memory_space<vmem_shared>> -> memref<10240xf32, #tpu.memory_space<vmem_shared>>
      tpu.enqueue_indirect_dma source(%arg5 : memref<10000xf32, #tpu.memory_space<vmem>>) target(%dma_start3A_36 : memref<10240xf32, #tpu.memory_space<vmem_shared>>) offsets(%arg4 : memref<10000xi32, #tpu.memory_space<vmem>>) semaphore(%run_scoped3A : memref<!tpu.dma_semaphore, #tpu.memory_space<semaphore_mem>>) {add = true}
      %dma_wait3A_37 = arith.constant 0 : i32
      %dma_wait3A_38 = tpu.memref_slice %arg7[%dma_wait3A_37] : memref<10240xf32, #tpu.memory_space<vmem_shared>> -> memref<10240xf32, #tpu.memory_space<vmem_shared>>
      tpu.wait_indirect_dma semaphore(%run_scoped3A : memref<!tpu.dma_semaphore, #tpu.memory_space<semaphore_mem>>) src(%arg5 : memref<10000xf32, #tpu.memory_space<vmem>>) dst(%dma_wait3A_38 : memref<10240xf32, #tpu.memory_space<vmem_shared>>)
      tpu.yield
    }) : () -> ()
    %barrier3A_30 = arith.constant 0 : index
    tpu.barrier barrier_id(%barrier3A_30)
    %mul3A_31 = arith.constant 640 : i32
    %mul3A_32 = arith.muli %arg1, %mul3A_31 : i32
    %mul3A_33 = arith.constant 640 : i32
    %mul3A_34 = arith.muli %arg1, %mul3A_33 : i32
    "tpu.region"() ({
      %run_scoped3A = tpu.sem_alloc : memref<!tpu.dma_semaphore, #tpu.memory_space<semaphore_mem>>
      %dma_start3A_35 = tpu.memref_slice %arg3[%arg0, %mul3A_34] : memref<2x10240xf32, #tpu.memory_space<hbm>> -> memref<1x640xf32, #tpu.memory_space<hbm>>
      %dma_start3A_36 = tpu.memref_squeeze %dma_start3A_35 : memref<1x640xf32, #tpu.memory_space<hbm>> -> memref<640xf32, #tpu.memory_space<hbm>>
      %dma_start3A_37 = tpu.memref_slice %arg7[%mul3A_32] : memref<10240xf32, #tpu.memory_space<vmem_shared>> -> memref<640xf32, #tpu.memory_space<vmem_shared>>
      tpu.enqueue_dma source(%dma_start3A_37 : memref<640xf32, #tpu.memory_space<vmem_shared>>) target(%dma_start3A_36 : memref<640xf32, #tpu.memory_space<hbm>>) target_semaphore(%run_scoped3A : memref<!tpu.dma_semaphore, #tpu.memory_space<semaphore_mem>>)
      %dma_wait3A_38 = tpu.memref_slice %arg3[%arg0, %mul3A_34] : memref<2x10240xf32, #tpu.memory_space<hbm>> -> memref<1x640xf32, #tpu.memory_space<hbm>>
      %dma_wait3A_39 = tpu.memref_squeeze %dma_wait3A_38 : memref<1x640xf32, #tpu.memory_space<hbm>> -> memref<640xf32, #tpu.memory_space<hbm>>
      %dma_wait3A_40 = tpu.memref_slice %arg7[%mul3A_32] : memref<10240xf32, #tpu.memory_space<vmem_shared>> -> memref<640xf32, #tpu.memory_space<vmem_shared>>
      tpu.wait_dma2 semaphore(%run_scoped3A : memref<!tpu.dma_semaphore, #tpu.memory_space<semaphore_mem>>) src(%dma_wait3A_40 : memref<640xf32, #tpu.memory_space<vmem_shared>>) dst(%dma_wait3A_39 : memref<640xf32, #tpu.memory_space<hbm>>)
      tpu.yield
    }) : () -> ()
    return
  }
}

#map = affine_map<(d0, d1) -> (0, 0)>
#map1 = affine_map<(d0, d1) -> (0, 0, 0)>
module attributes {stable_mosaic.version = 14 : i64} {
  func.func @k(%arg0: i32, %arg1: i32, %arg2: memref<2x320000xi32, #tpu.memory_space<hbm>>, %arg3: memref<10240x16xf32, #tpu.memory_space<hbm>>, %arg4: memref<2x10240x16xf32, #tpu.memory_space<hbm>>, %arg5: memref<10000xi32, #tpu.memory_space<vmem>>, %arg6: memref<10x1000xi32, #tpu.memory_space<vmem>>, %arg7: memref<1000x16xf32, #tpu.memory_space<vmem>>, %arg8: memref<1000x16xf32, #tpu.memory_space<vmem>>, %arg9: memref<1000x16xf32, #tpu.memory_space<vmem>>, %arg10: memref<64x16xf32, #tpu.memory_space<vmem>>, %arg11: memref<10240x16xf32, #tpu.memory_space<vmem_shared>>, %arg12: memref<!tpu.dma_semaphore, #tpu.memory_space<semaphore_mem>>, %arg13: memref<!tpu.dma_semaphore, #tpu.memory_space<semaphore_mem>>, %arg14: memref<!tpu.dma_semaphore, #tpu.memory_space<semaphore_mem>>, %arg15: memref<!tpu.dma_semaphore, #tpu.memory_space<semaphore_mem>>) attributes {dimension_semantics = [#tpu.dimension_semantics<core_parallel>, #tpu.dimension_semantics<subcore_parallel>], iteration_bounds = array<i64: 2, 16>, scalar_prefetch = 0 : i64, scratch_operands = 11 : i64, tpu.core_type = #tpu.core_type<sc_vector_subcore>, window_params = [{transform_indices = #map}, {transform_indices = #map}, {transform_indices = #map1}]} {
    %mul3A = arith.constant 2 : i32
    %mul3A_0 = arith.muli %arg1, %mul3A : i32
    %add3A = arith.addi %mul3A_0, %arg0 : i32
    %mul3A_1 = arith.constant 10000 : i32
    %mul3A_2 = arith.muli %add3A, %mul3A_1 : i32
    %dma_start3A = arith.constant 0 : i32
    %dma_start3A_3 = tpu.memref_slice %arg2[%dma_start3A, %mul3A_2] : memref<2x320000xi32, #tpu.memory_space<hbm>> -> memref<1x10000xi32, #tpu.memory_space<hbm>>
    %dma_start3A_4 = tpu.memref_squeeze %dma_start3A_3 : memref<1x10000xi32, #tpu.memory_space<hbm>> -> memref<10000xi32, #tpu.memory_space<hbm>>
    %dma_start3A_5 = tpu.memref_slice %arg2[%dma_start3A, %mul3A_2] : memref<2x320000xi32, #tpu.memory_space<hbm>> -> memref<1x10000xi32, #tpu.memory_space<hbm>>
    %dma_start3A_6 = tpu.memref_squeeze %dma_start3A_5 : memref<1x10000xi32, #tpu.memory_space<hbm>> -> memref<10000xi32, #tpu.memory_space<hbm>>
    tpu.enqueue_dma source(%dma_start3A_6 : memref<10000xi32, #tpu.memory_space<hbm>>) target(%arg5 : memref<10000xi32, #tpu.memory_space<vmem>>) target_semaphore(%arg12 : memref<!tpu.dma_semaphore, #tpu.memory_space<semaphore_mem>>)
    %mul3A_7 = arith.constant 10000 : i32
    %mul3A_8 = arith.muli %add3A, %mul3A_7 : i32
    %add3A_9 = arith.constant 0 : i32
    %add3A_10 = arith.addi %mul3A_8, %add3A_9 : i32
    %dma_start3A_11 = arith.constant 1 : i32
    %dma_start3A_12 = arith.constant 0 : i32
    %dma_start3A_13 = arith.constant 0 : i32
    %dma_start3A_14 = tpu.memref_slice %arg6[%dma_start3A_12, %dma_start3A_13] : memref<10x1000xi32, #tpu.memory_space<vmem>> -> memref<1x1000xi32, #tpu.memory_space<vmem>>
    %dma_start3A_15 = tpu.memref_squeeze %dma_start3A_14 : memref<1x1000xi32, #tpu.memory_space<vmem>> -> memref<1000xi32, #tpu.memory_space<vmem>>
    %dma_start3A_16 = tpu.memref_slice %arg2[%dma_start3A_11, %add3A_10] : memref<2x320000xi32, #tpu.memory_space<hbm>> -> memref<1x1000xi32, #tpu.memory_space<hbm>>
    %dma_start3A_17 = tpu.memref_squeeze %dma_start3A_16 : memref<1x1000xi32, #tpu.memory_space<hbm>> -> memref<1000xi32, #tpu.memory_space<hbm>>
    %dma_start3A_18 = arith.constant 0 : i32
    %dma_start3A_19 = tpu.memref_slice %arg6[%dma_start3A_12, %dma_start3A_18] : memref<10x1000xi32, #tpu.memory_space<vmem>> -> memref<1x1000xi32, #tpu.memory_space<vmem>>
    %dma_start3A_20 = tpu.memref_squeeze %dma_start3A_19 : memref<1x1000xi32, #tpu.memory_space<vmem>> -> memref<1000xi32, #tpu.memory_space<vmem>>
    %dma_start3A_21 = tpu.memref_slice %arg2[%dma_start3A_11, %add3A_10] : memref<2x320000xi32, #tpu.memory_space<hbm>> -> memref<1x1000xi32, #tpu.memory_space<hbm>>
    %dma_start3A_22 = tpu.memref_squeeze %dma_start3A_21 : memref<1x1000xi32, #tpu.memory_space<hbm>> -> memref<1000xi32, #tpu.memory_space<hbm>>
    tpu.enqueue_dma source(%dma_start3A_22 : memref<1000xi32, #tpu.memory_space<hbm>>) target(%dma_start3A_20 : memref<1000xi32, #tpu.memory_space<vmem>>) target_semaphore(%arg12 : memref<!tpu.dma_semaphore, #tpu.memory_space<semaphore_mem>>)
    %mul3A_23 = arith.constant 10000 : i32
    %mul3A_24 = arith.muli %add3A, %mul3A_23 : i32
    %add3A_25 = arith.constant 1000 : i32
    %add3A_26 = arith.addi %mul3A_24, %add3A_25 : i32
    %dma_start3A_27 = arith.constant 1 : i32
    %dma_start3A_28 = arith.constant 1 : i32
    %dma_start3A_29 = arith.constant 0 : i32
    %dma_start3A_30 = tpu.memref_slice %arg6[%dma_start3A_28, %dma_start3A_29] : memref<10x1000xi32, #tpu.memory_space<vmem>> -> memref<1x1000xi32, #tpu.memory_space<vmem>>
    %dma_start3A_31 = tpu.memref_squeeze %dma_start3A_30 : memref<1x1000xi32, #tpu.memory_space<vmem>> -> memref<1000xi32, #tpu.memory_space<vmem>>
    %dma_start3A_32 = tpu.memref_slice %arg2[%dma_start3A_27, %add3A_26] : memref<2x320000xi32, #tpu.memory_space<hbm>> -> memref<1x1000xi32, #tpu.memory_space<hbm>>
    %dma_start3A_33 = tpu.memref_squeeze %dma_start3A_32 : memref<1x1000xi32, #tpu.memory_space<hbm>> -> memref<1000xi32, #tpu.memory_space<hbm>>
    %dma_start3A_34 = arith.constant 0 : i32
    %dma_start3A_35 = tpu.memref_slice %arg6[%dma_start3A_28, %dma_start3A_34] : memref<10x1000xi32, #tpu.memory_space<vmem>> -> memref<1x1000xi32, #tpu.memory_space<vmem>>
    %dma_start3A_36 = tpu.memref_squeeze %dma_start3A_35 : memref<1x1000xi32, #tpu.memory_space<vmem>> -> memref<1000xi32, #tpu.memory_space<vmem>>
    %dma_start3A_37 = tpu.memref_slice %arg2[%dma_start3A_27, %add3A_26] : memref<2x320000xi32, #tpu.memory_space<hbm>> -> memref<1x1000xi32, #tpu.memory_space<hbm>>
    %dma_start3A_38 = tpu.memref_squeeze %dma_start3A_37 : memref<1x1000xi32, #tpu.memory_space<hbm>> -> memref<1000xi32, #tpu.memory_space<hbm>>
    tpu.enqueue_dma source(%dma_start3A_38 : memref<1000xi32, #tpu.memory_space<hbm>>) target(%dma_start3A_36 : memref<1000xi32, #tpu.memory_space<vmem>>) target_semaphore(%arg12 : memref<!tpu.dma_semaphore, #tpu.memory_space<semaphore_mem>>)
    %mul3A_39 = arith.constant 10000 : i32
    %mul3A_40 = arith.muli %add3A, %mul3A_39 : i32
    %add3A_41 = arith.constant 2000 : i32
    %add3A_42 = arith.addi %mul3A_40, %add3A_41 : i32
    %dma_start3A_43 = arith.constant 1 : i32
    %dma_start3A_44 = arith.constant 2 : i32
    %dma_start3A_45 = arith.constant 0 : i32
    %dma_start3A_46 = tpu.memref_slice %arg6[%dma_start3A_44, %dma_start3A_45] : memref<10x1000xi32, #tpu.memory_space<vmem>> -> memref<1x1000xi32, #tpu.memory_space<vmem>>
    %dma_start3A_47 = tpu.memref_squeeze %dma_start3A_46 : memref<1x1000xi32, #tpu.memory_space<vmem>> -> memref<1000xi32, #tpu.memory_space<vmem>>
    %dma_start3A_48 = tpu.memref_slice %arg2[%dma_start3A_43, %add3A_42] : memref<2x320000xi32, #tpu.memory_space<hbm>> -> memref<1x1000xi32, #tpu.memory_space<hbm>>
    %dma_start3A_49 = tpu.memref_squeeze %dma_start3A_48 : memref<1x1000xi32, #tpu.memory_space<hbm>> -> memref<1000xi32, #tpu.memory_space<hbm>>
    %dma_start3A_50 = arith.constant 0 : i32
    %dma_start3A_51 = tpu.memref_slice %arg6[%dma_start3A_44, %dma_start3A_50] : memref<10x1000xi32, #tpu.memory_space<vmem>> -> memref<1x1000xi32, #tpu.memory_space<vmem>>
    %dma_start3A_52 = tpu.memref_squeeze %dma_start3A_51 : memref<1x1000xi32, #tpu.memory_space<vmem>> -> memref<1000xi32, #tpu.memory_space<vmem>>
    %dma_start3A_53 = tpu.memref_slice %arg2[%dma_start3A_43, %add3A_42] : memref<2x320000xi32, #tpu.memory_space<hbm>> -> memref<1x1000xi32, #tpu.memory_space<hbm>>
    %dma_start3A_54 = tpu.memref_squeeze %dma_start3A_53 : memref<1x1000xi32, #tpu.memory_space<hbm>> -> memref<1000xi32, #tpu.memory_space<hbm>>
    tpu.enqueue_dma source(%dma_start3A_54 : memref<1000xi32, #tpu.memory_space<hbm>>) target(%dma_start3A_52 : memref<1000xi32, #tpu.memory_space<vmem>>) target_semaphore(%arg12 : memref<!tpu.dma_semaphore, #tpu.memory_space<semaphore_mem>>)
    %mul3A_55 = arith.constant 10000 : i32
    %mul3A_56 = arith.muli %add3A, %mul3A_55 : i32
    %add3A_57 = arith.constant 3000 : i32
    %add3A_58 = arith.addi %mul3A_56, %add3A_57 : i32
    %dma_start3A_59 = arith.constant 1 : i32
    %dma_start3A_60 = arith.constant 3 : i32
    %dma_start3A_61 = arith.constant 0 : i32
    %dma_start3A_62 = tpu.memref_slice %arg6[%dma_start3A_60, %dma_start3A_61] : memref<10x1000xi32, #tpu.memory_space<vmem>> -> memref<1x1000xi32, #tpu.memory_space<vmem>>
    %dma_start3A_63 = tpu.memref_squeeze %dma_start3A_62 : memref<1x1000xi32, #tpu.memory_space<vmem>> -> memref<1000xi32, #tpu.memory_space<vmem>>
    %dma_start3A_64 = tpu.memref_slice %arg2[%dma_start3A_59, %add3A_58] : memref<2x320000xi32, #tpu.memory_space<hbm>> -> memref<1x1000xi32, #tpu.memory_space<hbm>>
    %dma_start3A_65 = tpu.memref_squeeze %dma_start3A_64 : memref<1x1000xi32, #tpu.memory_space<hbm>> -> memref<1000xi32, #tpu.memory_space<hbm>>
    %dma_start3A_66 = arith.constant 0 : i32
    %dma_start3A_67 = tpu.memref_slice %arg6[%dma_start3A_60, %dma_start3A_66] : memref<10x1000xi32, #tpu.memory_space<vmem>> -> memref<1x1000xi32, #tpu.memory_space<vmem>>
    %dma_start3A_68 = tpu.memref_squeeze %dma_start3A_67 : memref<1x1000xi32, #tpu.memory_space<vmem>> -> memref<1000xi32, #tpu.memory_space<vmem>>
    %dma_start3A_69 = tpu.memref_slice %arg2[%dma_start3A_59, %add3A_58] : memref<2x320000xi32, #tpu.memory_space<hbm>> -> memref<1x1000xi32, #tpu.memory_space<hbm>>
    %dma_start3A_70 = tpu.memref_squeeze %dma_start3A_69 : memref<1x1000xi32, #tpu.memory_space<hbm>> -> memref<1000xi32, #tpu.memory_space<hbm>>
    tpu.enqueue_dma source(%dma_start3A_70 : memref<1000xi32, #tpu.memory_space<hbm>>) target(%dma_start3A_68 : memref<1000xi32, #tpu.memory_space<vmem>>) target_semaphore(%arg12 : memref<!tpu.dma_semaphore, #tpu.memory_space<semaphore_mem>>)
    %mul3A_71 = arith.constant 10000 : i32
    %mul3A_72 = arith.muli %add3A, %mul3A_71 : i32
    %add3A_73 = arith.constant 4000 : i32
    %add3A_74 = arith.addi %mul3A_72, %add3A_73 : i32
    %dma_start3A_75 = arith.constant 1 : i32
    %dma_start3A_76 = arith.constant 4 : i32
    %dma_start3A_77 = arith.constant 0 : i32
    %dma_start3A_78 = tpu.memref_slice %arg6[%dma_start3A_76, %dma_start3A_77] : memref<10x1000xi32, #tpu.memory_space<vmem>> -> memref<1x1000xi32, #tpu.memory_space<vmem>>
    %dma_start3A_79 = tpu.memref_squeeze %dma_start3A_78 : memref<1x1000xi32, #tpu.memory_space<vmem>> -> memref<1000xi32, #tpu.memory_space<vmem>>
    %dma_start3A_80 = tpu.memref_slice %arg2[%dma_start3A_75, %add3A_74] : memref<2x320000xi32, #tpu.memory_space<hbm>> -> memref<1x1000xi32, #tpu.memory_space<hbm>>
    %dma_start3A_81 = tpu.memref_squeeze %dma_start3A_80 : memref<1x1000xi32, #tpu.memory_space<hbm>> -> memref<1000xi32, #tpu.memory_space<hbm>>
    %dma_start3A_82 = arith.constant 0 : i32
    %dma_start3A_83 = tpu.memref_slice %arg6[%dma_start3A_76, %dma_start3A_82] : memref<10x1000xi32, #tpu.memory_space<vmem>> -> memref<1x1000xi32, #tpu.memory_space<vmem>>
    %dma_start3A_84 = tpu.memref_squeeze %dma_start3A_83 : memref<1x1000xi32, #tpu.memory_space<vmem>> -> memref<1000xi32, #tpu.memory_space<vmem>>
    %dma_start3A_85 = tpu.memref_slice %arg2[%dma_start3A_75, %add3A_74] : memref<2x320000xi32, #tpu.memory_space<hbm>> -> memref<1x1000xi32, #tpu.memory_space<hbm>>
    %dma_start3A_86 = tpu.memref_squeeze %dma_start3A_85 : memref<1x1000xi32, #tpu.memory_space<hbm>> -> memref<1000xi32, #tpu.memory_space<hbm>>
    tpu.enqueue_dma source(%dma_start3A_86 : memref<1000xi32, #tpu.memory_space<hbm>>) target(%dma_start3A_84 : memref<1000xi32, #tpu.memory_space<vmem>>) target_semaphore(%arg12 : memref<!tpu.dma_semaphore, #tpu.memory_space<semaphore_mem>>)
    %mul3A_87 = arith.constant 10000 : i32
    %mul3A_88 = arith.muli %add3A, %mul3A_87 : i32
    %add3A_89 = arith.constant 5000 : i32
    %add3A_90 = arith.addi %mul3A_88, %add3A_89 : i32
    %dma_start3A_91 = arith.constant 1 : i32
    %dma_start3A_92 = arith.constant 5 : i32
    %dma_start3A_93 = arith.constant 0 : i32
    %dma_start3A_94 = tpu.memref_slice %arg6[%dma_start3A_92, %dma_start3A_93] : memref<10x1000xi32, #tpu.memory_space<vmem>> -> memref<1x1000xi32, #tpu.memory_space<vmem>>
    %dma_start3A_95 = tpu.memref_squeeze %dma_start3A_94 : memref<1x1000xi32, #tpu.memory_space<vmem>> -> memref<1000xi32, #tpu.memory_space<vmem>>
    %dma_start3A_96 = tpu.memref_slice %arg2[%dma_start3A_91, %add3A_90] : memref<2x320000xi32, #tpu.memory_space<hbm>> -> memref<1x1000xi32, #tpu.memory_space<hbm>>
    %dma_start3A_97 = tpu.memref_squeeze %dma_start3A_96 : memref<1x1000xi32, #tpu.memory_space<hbm>> -> memref<1000xi32, #tpu.memory_space<hbm>>
    %dma_start3A_98 = arith.constant 0 : i32
    %dma_start3A_99 = tpu.memref_slice %arg6[%dma_start3A_92, %dma_start3A_98] : memref<10x1000xi32, #tpu.memory_space<vmem>> -> memref<1x1000xi32, #tpu.memory_space<vmem>>
    %dma_start3A_100 = tpu.memref_squeeze %dma_start3A_99 : memref<1x1000xi32, #tpu.memory_space<vmem>> -> memref<1000xi32, #tpu.memory_space<vmem>>
    %dma_start3A_101 = tpu.memref_slice %arg2[%dma_start3A_91, %add3A_90] : memref<2x320000xi32, #tpu.memory_space<hbm>> -> memref<1x1000xi32, #tpu.memory_space<hbm>>
    %dma_start3A_102 = tpu.memref_squeeze %dma_start3A_101 : memref<1x1000xi32, #tpu.memory_space<hbm>> -> memref<1000xi32, #tpu.memory_space<hbm>>
    tpu.enqueue_dma source(%dma_start3A_102 : memref<1000xi32, #tpu.memory_space<hbm>>) target(%dma_start3A_100 : memref<1000xi32, #tpu.memory_space<vmem>>) target_semaphore(%arg12 : memref<!tpu.dma_semaphore, #tpu.memory_space<semaphore_mem>>)
    %mul3A_103 = arith.constant 10000 : i32
    %mul3A_104 = arith.muli %add3A, %mul3A_103 : i32
    %add3A_105 = arith.constant 6000 : i32
    %add3A_106 = arith.addi %mul3A_104, %add3A_105 : i32
    %dma_start3A_107 = arith.constant 1 : i32
    %dma_start3A_108 = arith.constant 6 : i32
    %dma_start3A_109 = arith.constant 0 : i32
    %dma_start3A_110 = tpu.memref_slice %arg6[%dma_start3A_108, %dma_start3A_109] : memref<10x1000xi32, #tpu.memory_space<vmem>> -> memref<1x1000xi32, #tpu.memory_space<vmem>>
    %dma_start3A_111 = tpu.memref_squeeze %dma_start3A_110 : memref<1x1000xi32, #tpu.memory_space<vmem>> -> memref<1000xi32, #tpu.memory_space<vmem>>
    %dma_start3A_112 = tpu.memref_slice %arg2[%dma_start3A_107, %add3A_106] : memref<2x320000xi32, #tpu.memory_space<hbm>> -> memref<1x1000xi32, #tpu.memory_space<hbm>>
    %dma_start3A_113 = tpu.memref_squeeze %dma_start3A_112 : memref<1x1000xi32, #tpu.memory_space<hbm>> -> memref<1000xi32, #tpu.memory_space<hbm>>
    %dma_start3A_114 = arith.constant 0 : i32
    %dma_start3A_115 = tpu.memref_slice %arg6[%dma_start3A_108, %dma_start3A_114] : memref<10x1000xi32, #tpu.memory_space<vmem>> -> memref<1x1000xi32, #tpu.memory_space<vmem>>
    %dma_start3A_116 = tpu.memref_squeeze %dma_start3A_115 : memref<1x1000xi32, #tpu.memory_space<vmem>> -> memref<1000xi32, #tpu.memory_space<vmem>>
    %dma_start3A_117 = tpu.memref_slice %arg2[%dma_start3A_107, %add3A_106] : memref<2x320000xi32, #tpu.memory_space<hbm>> -> memref<1x1000xi32, #tpu.memory_space<hbm>>
    %dma_start3A_118 = tpu.memref_squeeze %dma_start3A_117 : memref<1x1000xi32, #tpu.memory_space<hbm>> -> memref<1000xi32, #tpu.memory_space<hbm>>
    tpu.enqueue_dma source(%dma_start3A_118 : memref<1000xi32, #tpu.memory_space<hbm>>) target(%dma_start3A_116 : memref<1000xi32, #tpu.memory_space<vmem>>) target_semaphore(%arg12 : memref<!tpu.dma_semaphore, #tpu.memory_space<semaphore_mem>>)
    %mul3A_119 = arith.constant 10000 : i32
    %mul3A_120 = arith.muli %add3A, %mul3A_119 : i32
    %add3A_121 = arith.constant 7000 : i32
    %add3A_122 = arith.addi %mul3A_120, %add3A_121 : i32
    %dma_start3A_123 = arith.constant 1 : i32
    %dma_start3A_124 = arith.constant 7 : i32
    %dma_start3A_125 = arith.constant 0 : i32
    %dma_start3A_126 = tpu.memref_slice %arg6[%dma_start3A_124, %dma_start3A_125] : memref<10x1000xi32, #tpu.memory_space<vmem>> -> memref<1x1000xi32, #tpu.memory_space<vmem>>
    %dma_start3A_127 = tpu.memref_squeeze %dma_start3A_126 : memref<1x1000xi32, #tpu.memory_space<vmem>> -> memref<1000xi32, #tpu.memory_space<vmem>>
    %dma_start3A_128 = tpu.memref_slice %arg2[%dma_start3A_123, %add3A_122] : memref<2x320000xi32, #tpu.memory_space<hbm>> -> memref<1x1000xi32, #tpu.memory_space<hbm>>
    %dma_start3A_129 = tpu.memref_squeeze %dma_start3A_128 : memref<1x1000xi32, #tpu.memory_space<hbm>> -> memref<1000xi32, #tpu.memory_space<hbm>>
    %dma_start3A_130 = arith.constant 0 : i32
    %dma_start3A_131 = tpu.memref_slice %arg6[%dma_start3A_124, %dma_start3A_130] : memref<10x1000xi32, #tpu.memory_space<vmem>> -> memref<1x1000xi32, #tpu.memory_space<vmem>>
    %dma_start3A_132 = tpu.memref_squeeze %dma_start3A_131 : memref<1x1000xi32, #tpu.memory_space<vmem>> -> memref<1000xi32, #tpu.memory_space<vmem>>
    %dma_start3A_133 = tpu.memref_slice %arg2[%dma_start3A_123, %add3A_122] : memref<2x320000xi32, #tpu.memory_space<hbm>> -> memref<1x1000xi32, #tpu.memory_space<hbm>>
    %dma_start3A_134 = tpu.memref_squeeze %dma_start3A_133 : memref<1x1000xi32, #tpu.memory_space<hbm>> -> memref<1000xi32, #tpu.memory_space<hbm>>
    tpu.enqueue_dma source(%dma_start3A_134 : memref<1000xi32, #tpu.memory_space<hbm>>) target(%dma_start3A_132 : memref<1000xi32, #tpu.memory_space<vmem>>) target_semaphore(%arg12 : memref<!tpu.dma_semaphore, #tpu.memory_space<semaphore_mem>>)
    %mul3A_135 = arith.constant 10000 : i32
    %mul3A_136 = arith.muli %add3A, %mul3A_135 : i32
    %add3A_137 = arith.constant 8000 : i32
    %add3A_138 = arith.addi %mul3A_136, %add3A_137 : i32
    %dma_start3A_139 = arith.constant 1 : i32
    %dma_start3A_140 = arith.constant 8 : i32
    %dma_start3A_141 = arith.constant 0 : i32
    %dma_start3A_142 = tpu.memref_slice %arg6[%dma_start3A_140, %dma_start3A_141] : memref<10x1000xi32, #tpu.memory_space<vmem>> -> memref<1x1000xi32, #tpu.memory_space<vmem>>
    %dma_start3A_143 = tpu.memref_squeeze %dma_start3A_142 : memref<1x1000xi32, #tpu.memory_space<vmem>> -> memref<1000xi32, #tpu.memory_space<vmem>>
    %dma_start3A_144 = tpu.memref_slice %arg2[%dma_start3A_139, %add3A_138] : memref<2x320000xi32, #tpu.memory_space<hbm>> -> memref<1x1000xi32, #tpu.memory_space<hbm>>
    %dma_start3A_145 = tpu.memref_squeeze %dma_start3A_144 : memref<1x1000xi32, #tpu.memory_space<hbm>> -> memref<1000xi32, #tpu.memory_space<hbm>>
    %dma_start3A_146 = arith.constant 0 : i32
    %dma_start3A_147 = tpu.memref_slice %arg6[%dma_start3A_140, %dma_start3A_146] : memref<10x1000xi32, #tpu.memory_space<vmem>> -> memref<1x1000xi32, #tpu.memory_space<vmem>>
    %dma_start3A_148 = tpu.memref_squeeze %dma_start3A_147 : memref<1x1000xi32, #tpu.memory_space<vmem>> -> memref<1000xi32, #tpu.memory_space<vmem>>
    %dma_start3A_149 = tpu.memref_slice %arg2[%dma_start3A_139, %add3A_138] : memref<2x320000xi32, #tpu.memory_space<hbm>> -> memref<1x1000xi32, #tpu.memory_space<hbm>>
    %dma_start3A_150 = tpu.memref_squeeze %dma_start3A_149 : memref<1x1000xi32, #tpu.memory_space<hbm>> -> memref<1000xi32, #tpu.memory_space<hbm>>
    tpu.enqueue_dma source(%dma_start3A_150 : memref<1000xi32, #tpu.memory_space<hbm>>) target(%dma_start3A_148 : memref<1000xi32, #tpu.memory_space<vmem>>) target_semaphore(%arg12 : memref<!tpu.dma_semaphore, #tpu.memory_space<semaphore_mem>>)
    %mul3A_151 = arith.constant 10000 : i32
    %mul3A_152 = arith.muli %add3A, %mul3A_151 : i32
    %add3A_153 = arith.constant 9000 : i32
    %add3A_154 = arith.addi %mul3A_152, %add3A_153 : i32
    %dma_start3A_155 = arith.constant 1 : i32
    %dma_start3A_156 = arith.constant 9 : i32
    %dma_start3A_157 = arith.constant 0 : i32
    %dma_start3A_158 = tpu.memref_slice %arg6[%dma_start3A_156, %dma_start3A_157] : memref<10x1000xi32, #tpu.memory_space<vmem>> -> memref<1x1000xi32, #tpu.memory_space<vmem>>
    %dma_start3A_159 = tpu.memref_squeeze %dma_start3A_158 : memref<1x1000xi32, #tpu.memory_space<vmem>> -> memref<1000xi32, #tpu.memory_space<vmem>>
    %dma_start3A_160 = tpu.memref_slice %arg2[%dma_start3A_155, %add3A_154] : memref<2x320000xi32, #tpu.memory_space<hbm>> -> memref<1x1000xi32, #tpu.memory_space<hbm>>
    %dma_start3A_161 = tpu.memref_squeeze %dma_start3A_160 : memref<1x1000xi32, #tpu.memory_space<hbm>> -> memref<1000xi32, #tpu.memory_space<hbm>>
    %dma_start3A_162 = arith.constant 0 : i32
    %dma_start3A_163 = tpu.memref_slice %arg6[%dma_start3A_156, %dma_start3A_162] : memref<10x1000xi32, #tpu.memory_space<vmem>> -> memref<1x1000xi32, #tpu.memory_space<vmem>>
    %dma_start3A_164 = tpu.memref_squeeze %dma_start3A_163 : memref<1x1000xi32, #tpu.memory_space<vmem>> -> memref<1000xi32, #tpu.memory_space<vmem>>
    %dma_start3A_165 = tpu.memref_slice %arg2[%dma_start3A_155, %add3A_154] : memref<2x320000xi32, #tpu.memory_space<hbm>> -> memref<1x1000xi32, #tpu.memory_space<hbm>>
    %dma_start3A_166 = tpu.memref_squeeze %dma_start3A_165 : memref<1x1000xi32, #tpu.memory_space<hbm>> -> memref<1000xi32, #tpu.memory_space<hbm>>
    tpu.enqueue_dma source(%dma_start3A_166 : memref<1000xi32, #tpu.memory_space<hbm>>) target(%dma_start3A_164 : memref<1000xi32, #tpu.memory_space<vmem>>) target_semaphore(%arg12 : memref<!tpu.dma_semaphore, #tpu.memory_space<semaphore_mem>>)
    %eq3A = arith.constant 0 : i32
    %eq3A_167 = arith.cmpi eq, %arg0, %eq3A : i32
    %convert_element_type3A = arith.extui %eq3A_167 : i1 to i32
    %cond3A = arith.constant 0 : i32
    %cond3A_168 = arith.cmpi ne, %convert_element_type3A, %cond3A : i32
    scf.if %cond3A_168 {
      %mul3A_411 = arith.constant 640 : i32
      %mul3A_412 = arith.muli %arg1, %mul3A_411 : i32
      "tpu.region"() ({
        %run_scoped3A_415 = tpu.sem_alloc : memref<!tpu.dma_semaphore, #tpu.memory_space<semaphore_mem>>
        %dma_start3A_416 = arith.constant 0 : i32
        %dma_start3A_417 = arith.constant 0 : i32
        %dma_start3A_418 = tpu.memref_slice %arg7[%dma_start3A_416, %dma_start3A_417] : memref<1000x16xf32, #tpu.memory_space<vmem>> -> memref<640x16xf32, #tpu.memory_space<vmem>>
        %dma_start3A_419 = arith.constant 0 : i32
        %dma_start3A_420 = tpu.memref_slice %arg3[%mul3A_412, %dma_start3A_419] : memref<10240x16xf32, #tpu.memory_space<hbm>> -> memref<640x16xf32, #tpu.memory_space<hbm>>
        %dma_start3A_421 = arith.constant 0 : i32
        %dma_start3A_422 = arith.constant 0 : i32
        %dma_start3A_423 = tpu.memref_slice %arg7[%dma_start3A_421, %dma_start3A_422] : memref<1000x16xf32, #tpu.memory_space<vmem>> -> memref<640x16xf32, #tpu.memory_space<vmem>>
        %dma_start3A_424 = arith.constant 0 : i32
        %dma_start3A_425 = tpu.memref_slice %arg3[%mul3A_412, %dma_start3A_424] : memref<10240x16xf32, #tpu.memory_space<hbm>> -> memref<640x16xf32, #tpu.memory_space<hbm>>
        tpu.enqueue_dma source(%dma_start3A_425 : memref<640x16xf32, #tpu.memory_space<hbm>>) target(%dma_start3A_423 : memref<640x16xf32, #tpu.memory_space<vmem>>) target_semaphore(%run_scoped3A_415 : memref<!tpu.dma_semaphore, #tpu.memory_space<semaphore_mem>>)
        %dma_wait3A_426 = arith.constant 0 : i32
        %dma_wait3A_427 = arith.constant 0 : i32
        %dma_wait3A_428 = tpu.memref_slice %arg7[%dma_wait3A_426, %dma_wait3A_427] : memref<1000x16xf32, #tpu.memory_space<vmem>> -> memref<640x16xf32, #tpu.memory_space<vmem>>
        %dma_wait3A_429 = arith.constant 0 : i32
        %dma_wait3A_430 = tpu.memref_slice %arg3[%mul3A_412, %dma_wait3A_429] : memref<10240x16xf32, #tpu.memory_space<hbm>> -> memref<640x16xf32, #tpu.memory_space<hbm>>
        %dma_wait3A_431 = arith.constant 0 : i32
        %dma_wait3A_432 = arith.constant 0 : i32
        %dma_wait3A_433 = tpu.memref_slice %arg7[%dma_wait3A_431, %dma_wait3A_432] : memref<1000x16xf32, #tpu.memory_space<vmem>> -> memref<640x16xf32, #tpu.memory_space<vmem>>
        %dma_wait3A_434 = arith.constant 0 : i32
        %dma_wait3A_435 = tpu.memref_slice %arg3[%mul3A_412, %dma_wait3A_434] : memref<10240x16xf32, #tpu.memory_space<hbm>> -> memref<640x16xf32, #tpu.memory_space<hbm>>
        tpu.wait_dma2 semaphore(%run_scoped3A_415 : memref<!tpu.dma_semaphore, #tpu.memory_space<semaphore_mem>>) src(%dma_wait3A_435 : memref<640x16xf32, #tpu.memory_space<hbm>>) dst(%dma_wait3A_433 : memref<640x16xf32, #tpu.memory_space<vmem>>)
        tpu.yield
      }) : () -> ()
      %mul3A_413 = arith.constant 640 : i32
      %mul3A_414 = arith.muli %arg1, %mul3A_413 : i32
      "tpu.region"() ({
        %run_scoped3A_415 = tpu.sem_alloc : memref<!tpu.dma_semaphore, #tpu.memory_space<semaphore_mem>>
        %dma_start3A_416 = arith.constant 0 : i32
        %dma_start3A_417 = arith.constant 0 : i32
        %dma_start3A_418 = tpu.memref_slice %arg7[%dma_start3A_416, %dma_start3A_417] : memref<1000x16xf32, #tpu.memory_space<vmem>> -> memref<640x16xf32, #tpu.memory_space<vmem>>
        %dma_start3A_419 = arith.constant 0 : i32
        %dma_start3A_420 = tpu.memref_slice %arg11[%mul3A_414, %dma_start3A_419] : memref<10240x16xf32, #tpu.memory_space<vmem_shared>> -> memref<640x16xf32, #tpu.memory_space<vmem_shared>>
        %dma_start3A_421 = arith.constant 0 : i32
        %dma_start3A_422 = tpu.memref_slice %arg11[%mul3A_414, %dma_start3A_421] : memref<10240x16xf32, #tpu.memory_space<vmem_shared>> -> memref<640x16xf32, #tpu.memory_space<vmem_shared>>
        %dma_start3A_423 = arith.constant 0 : i32
        %dma_start3A_424 = arith.constant 0 : i32
        %dma_start3A_425 = tpu.memref_slice %arg7[%dma_start3A_423, %dma_start3A_424] : memref<1000x16xf32, #tpu.memory_space<vmem>> -> memref<640x16xf32, #tpu.memory_space<vmem>>
        tpu.enqueue_dma source(%dma_start3A_425 : memref<640x16xf32, #tpu.memory_space<vmem>>) target(%dma_start3A_422 : memref<640x16xf32, #tpu.memory_space<vmem_shared>>) target_semaphore(%run_scoped3A_415 : memref<!tpu.dma_semaphore, #tpu.memory_space<semaphore_mem>>)
        %dma_wait3A_426 = arith.constant 0 : i32
        %dma_wait3A_427 = arith.constant 0 : i32
        %dma_wait3A_428 = tpu.memref_slice %arg7[%dma_wait3A_426, %dma_wait3A_427] : memref<1000x16xf32, #tpu.memory_space<vmem>> -> memref<640x16xf32, #tpu.memory_space<vmem>>
        %dma_wait3A_429 = arith.constant 0 : i32
        %dma_wait3A_430 = tpu.memref_slice %arg11[%mul3A_414, %dma_wait3A_429] : memref<10240x16xf32, #tpu.memory_space<vmem_shared>> -> memref<640x16xf32, #tpu.memory_space<vmem_shared>>
        %dma_wait3A_431 = arith.constant 0 : i32
        %dma_wait3A_432 = tpu.memref_slice %arg11[%mul3A_414, %dma_wait3A_431] : memref<10240x16xf32, #tpu.memory_space<vmem_shared>> -> memref<640x16xf32, #tpu.memory_space<vmem_shared>>
        %dma_wait3A_433 = arith.constant 0 : i32
        %dma_wait3A_434 = arith.constant 0 : i32
        %dma_wait3A_435 = tpu.memref_slice %arg7[%dma_wait3A_433, %dma_wait3A_434] : memref<1000x16xf32, #tpu.memory_space<vmem>> -> memref<640x16xf32, #tpu.memory_space<vmem>>
        tpu.wait_dma2 semaphore(%run_scoped3A_415 : memref<!tpu.dma_semaphore, #tpu.memory_space<semaphore_mem>>) src(%dma_wait3A_435 : memref<640x16xf32, #tpu.memory_space<vmem>>) dst(%dma_wait3A_432 : memref<640x16xf32, #tpu.memory_space<vmem_shared>>)
        tpu.yield
      }) : () -> ()
    } else {
    }
    %ne3A = arith.constant 0 : i32
    %ne3A_169 = arith.cmpi ne, %arg0, %ne3A : i32
    %convert_element_type3A_170 = arith.extui %ne3A_169 : i1 to i32
    %cond3A_171 = arith.constant 0 : i32
    %cond3A_172 = arith.cmpi ne, %convert_element_type3A_170, %cond3A_171 : i32
    scf.if %cond3A_172 {
      %scan3A = arith.constant 0 : i32
      %scan3A_411 = arith.constant 0 : i32
      %scan3A_412 = arith.constant 64 : i32
      %scan3A_413 = arith.addi %scan3A_411, %scan3A_412 : i32
      %scan3A_414 = arith.constant 1 : i32
      %scan3A_415 = scf.for %scan3A_424 = %scan3A_411 to %scan3A_413 step %scan3A_414 iter_args(%scan3A_425 = %scan3A) -> (i32)  : i32 {
        %broadcast_in_dim3A = arith.constant 0.000000e+00 : f32
        %broadcast_in_dim3A_426 = vector.broadcast %broadcast_in_dim3A : f32 to vector<16xf32>
        %swap3A = arith.index_cast %scan3A_424 : i32 to index
        %swap3A_427 = arith.constant 0 : index
        %swap3A_428 = tpu.vector_load %arg10[%swap3A, %swap3A_427] {strides = array<i32>} : memref<64x16xf32, #tpu.memory_space<vmem>>, vector<16xf32>,
        tpu.vector_store %arg10[%swap3A, %swap3A_427], %broadcast_in_dim3A_426 {strides = array<i32>} : memref<64x16xf32, #tpu.memory_space<vmem>>, vector<16xf32>,
        %scan3A_429 = arith.constant 0 : i32
        scf.yield %scan3A_429 : i32
      }
      %scan3A_416 = arith.constant 64 : i32
      %scan3A_417 = arith.constant 0 : i32
      %scan3A_418 = arith.constant 0 : i32
      %scan3A_419 = arith.constant 10 : i32
      %scan3A_420 = arith.addi %scan3A_418, %scan3A_419 : i32
      %scan3A_421 = arith.constant 1 : i32
      %scan3A_422 = scf.for %scan3A_424 = %scan3A_418 to %scan3A_420 step %scan3A_421 iter_args(%scan3A_425 = %scan3A_417) -> (i32)  : i32 {
        %mul3A_426 = arith.constant 640 : i32
        %mul3A_427 = arith.muli %arg1, %mul3A_426 : i32
        %mul3A_428 = arith.constant 64 : i32
        %mul3A_429 = arith.muli %scan3A_424, %mul3A_428 : i32
        %add3A_430 = arith.addi %mul3A_427, %mul3A_429 : i32
        "tpu.region"() ({
          %run_scoped3A_432 = tpu.sem_alloc : memref<!tpu.dma_semaphore, #tpu.memory_space<semaphore_mem>>
          %dma_start3A_433 = arith.constant 0 : i32
          %dma_start3A_434 = tpu.memref_slice %arg11[%add3A_430, %dma_start3A_433] : memref<10240x16xf32, #tpu.memory_space<vmem_shared>> -> memref<64x16xf32, #tpu.memory_space<vmem_shared>>
          %dma_start3A_435 = arith.constant 0 : i32
          %dma_start3A_436 = tpu.memref_slice %arg11[%add3A_430, %dma_start3A_435] : memref<10240x16xf32, #tpu.memory_space<vmem_shared>> -> memref<64x16xf32, #tpu.memory_space<vmem_shared>>
          tpu.enqueue_dma source(%arg10 : memref<64x16xf32, #tpu.memory_space<vmem>>) target(%dma_start3A_436 : memref<64x16xf32, #tpu.memory_space<vmem_shared>>) target_semaphore(%run_scoped3A_432 : memref<!tpu.dma_semaphore, #tpu.memory_space<semaphore_mem>>)
          %dma_wait3A_437 = arith.constant 0 : i32
          %dma_wait3A_438 = tpu.memref_slice %arg11[%add3A_430, %dma_wait3A_437] : memref<10240x16xf32, #tpu.memory_space<vmem_shared>> -> memref<64x16xf32, #tpu.memory_space<vmem_shared>>
          %dma_wait3A_439 = arith.constant 0 : i32
          %dma_wait3A_440 = tpu.memref_slice %arg11[%add3A_430, %dma_wait3A_439] : memref<10240x16xf32, #tpu.memory_space<vmem_shared>> -> memref<64x16xf32, #tpu.memory_space<vmem_shared>>
          tpu.wait_dma2 semaphore(%run_scoped3A_432 : memref<!tpu.dma_semaphore, #tpu.memory_space<semaphore_mem>>) src(%arg10 : memref<64x16xf32, #tpu.memory_space<vmem>>) dst(%dma_wait3A_440 : memref<64x16xf32, #tpu.memory_space<vmem_shared>>)
          tpu.yield
        }) : () -> ()
        %scan3A_431 = arith.constant 0 : i32
        scf.yield %scan3A_431 : i32
      }
      %scan3A_423 = arith.constant 10 : i32
    } else {
    }
    %dma_wait3A = arith.constant 0 : i32
    %dma_wait3A_173 = tpu.memref_slice %arg2[%dma_wait3A, %mul3A_2] : memref<2x320000xi32, #tpu.memory_space<hbm>> -> memref<1x10000xi32, #tpu.memory_space<hbm>>
    %dma_wait3A_174 = tpu.memref_squeeze %dma_wait3A_173 : memref<1x10000xi32, #tpu.memory_space<hbm>> -> memref<10000xi32, #tpu.memory_space<hbm>>
    %dma_wait3A_175 = tpu.memref_slice %arg2[%dma_wait3A, %mul3A_2] : memref<2x320000xi32, #tpu.memory_space<hbm>> -> memref<1x10000xi32, #tpu.memory_space<hbm>>
    %dma_wait3A_176 = tpu.memref_squeeze %dma_wait3A_175 : memref<1x10000xi32, #tpu.memory_space<hbm>> -> memref<10000xi32, #tpu.memory_space<hbm>>
    tpu.wait_dma2 semaphore(%arg12 : memref<!tpu.dma_semaphore, #tpu.memory_space<semaphore_mem>>) src(%dma_wait3A_176 : memref<10000xi32, #tpu.memory_space<hbm>>) dst(%arg5 : memref<10000xi32, #tpu.memory_space<vmem>>)
    %dma_wait3A_177 = arith.constant 1 : i32
    %dma_wait3A_178 = arith.constant 0 : i32
    %dma_wait3A_179 = arith.constant 0 : i32
    %dma_wait3A_180 = tpu.memref_slice %arg6[%dma_wait3A_178, %dma_wait3A_179] : memref<10x1000xi32, #tpu.memory_space<vmem>> -> memref<1x1000xi32, #tpu.memory_space<vmem>>
    %dma_wait3A_181 = tpu.memref_squeeze %dma_wait3A_180 : memref<1x1000xi32, #tpu.memory_space<vmem>> -> memref<1000xi32, #tpu.memory_space<vmem>>
    %dma_wait3A_182 = tpu.memref_slice %arg2[%dma_wait3A_177, %add3A_10] : memref<2x320000xi32, #tpu.memory_space<hbm>> -> memref<1x1000xi32, #tpu.memory_space<hbm>>
    %dma_wait3A_183 = tpu.memref_squeeze %dma_wait3A_182 : memref<1x1000xi32, #tpu.memory_space<hbm>> -> memref<1000xi32, #tpu.memory_space<hbm>>
    %dma_wait3A_184 = arith.constant 0 : i32
    %dma_wait3A_185 = tpu.memref_slice %arg6[%dma_wait3A_178, %dma_wait3A_184] : memref<10x1000xi32, #tpu.memory_space<vmem>> -> memref<1x1000xi32, #tpu.memory_space<vmem>>
    %dma_wait3A_186 = tpu.memref_squeeze %dma_wait3A_185 : memref<1x1000xi32, #tpu.memory_space<vmem>> -> memref<1000xi32, #tpu.memory_space<vmem>>
    %dma_wait3A_187 = tpu.memref_slice %arg2[%dma_wait3A_177, %add3A_10] : memref<2x320000xi32, #tpu.memory_space<hbm>> -> memref<1x1000xi32, #tpu.memory_space<hbm>>
    %dma_wait3A_188 = tpu.memref_squeeze %dma_wait3A_187 : memref<1x1000xi32, #tpu.memory_space<hbm>> -> memref<1000xi32, #tpu.memory_space<hbm>>
    tpu.wait_dma2 semaphore(%arg12 : memref<!tpu.dma_semaphore, #tpu.memory_space<semaphore_mem>>) src(%dma_wait3A_188 : memref<1000xi32, #tpu.memory_space<hbm>>) dst(%dma_wait3A_186 : memref<1000xi32, #tpu.memory_space<vmem>>)
    %dma_wait3A_189 = arith.constant 1 : i32
    %dma_wait3A_190 = arith.constant 1 : i32
    %dma_wait3A_191 = arith.constant 0 : i32
    %dma_wait3A_192 = tpu.memref_slice %arg6[%dma_wait3A_190, %dma_wait3A_191] : memref<10x1000xi32, #tpu.memory_space<vmem>> -> memref<1x1000xi32, #tpu.memory_space<vmem>>
    %dma_wait3A_193 = tpu.memref_squeeze %dma_wait3A_192 : memref<1x1000xi32, #tpu.memory_space<vmem>> -> memref<1000xi32, #tpu.memory_space<vmem>>
    %dma_wait3A_194 = tpu.memref_slice %arg2[%dma_wait3A_189, %add3A_26] : memref<2x320000xi32, #tpu.memory_space<hbm>> -> memref<1x1000xi32, #tpu.memory_space<hbm>>
    %dma_wait3A_195 = tpu.memref_squeeze %dma_wait3A_194 : memref<1x1000xi32, #tpu.memory_space<hbm>> -> memref<1000xi32, #tpu.memory_space<hbm>>
    %dma_wait3A_196 = arith.constant 0 : i32
    %dma_wait3A_197 = tpu.memref_slice %arg6[%dma_wait3A_190, %dma_wait3A_196] : memref<10x1000xi32, #tpu.memory_space<vmem>> -> memref<1x1000xi32, #tpu.memory_space<vmem>>
    %dma_wait3A_198 = tpu.memref_squeeze %dma_wait3A_197 : memref<1x1000xi32, #tpu.memory_space<vmem>> -> memref<1000xi32, #tpu.memory_space<vmem>>
    %dma_wait3A_199 = tpu.memref_slice %arg2[%dma_wait3A_189, %add3A_26] : memref<2x320000xi32, #tpu.memory_space<hbm>> -> memref<1x1000xi32, #tpu.memory_space<hbm>>
    %dma_wait3A_200 = tpu.memref_squeeze %dma_wait3A_199 : memref<1x1000xi32, #tpu.memory_space<hbm>> -> memref<1000xi32, #tpu.memory_space<hbm>>
    tpu.wait_dma2 semaphore(%arg12 : memref<!tpu.dma_semaphore, #tpu.memory_space<semaphore_mem>>) src(%dma_wait3A_200 : memref<1000xi32, #tpu.memory_space<hbm>>) dst(%dma_wait3A_198 : memref<1000xi32, #tpu.memory_space<vmem>>)
    %dma_wait3A_201 = arith.constant 1 : i32
    %dma_wait3A_202 = arith.constant 2 : i32
    %dma_wait3A_203 = arith.constant 0 : i32
    %dma_wait3A_204 = tpu.memref_slice %arg6[%dma_wait3A_202, %dma_wait3A_203] : memref<10x1000xi32, #tpu.memory_space<vmem>> -> memref<1x1000xi32, #tpu.memory_space<vmem>>
    %dma_wait3A_205 = tpu.memref_squeeze %dma_wait3A_204 : memref<1x1000xi32, #tpu.memory_space<vmem>> -> memref<1000xi32, #tpu.memory_space<vmem>>
    %dma_wait3A_206 = tpu.memref_slice %arg2[%dma_wait3A_201, %add3A_42] : memref<2x320000xi32, #tpu.memory_space<hbm>> -> memref<1x1000xi32, #tpu.memory_space<hbm>>
    %dma_wait3A_207 = tpu.memref_squeeze %dma_wait3A_206 : memref<1x1000xi32, #tpu.memory_space<hbm>> -> memref<1000xi32, #tpu.memory_space<hbm>>
    %dma_wait3A_208 = arith.constant 0 : i32
    %dma_wait3A_209 = tpu.memref_slice %arg6[%dma_wait3A_202, %dma_wait3A_208] : memref<10x1000xi32, #tpu.memory_space<vmem>> -> memref<1x1000xi32, #tpu.memory_space<vmem>>
    %dma_wait3A_210 = tpu.memref_squeeze %dma_wait3A_209 : memref<1x1000xi32, #tpu.memory_space<vmem>> -> memref<1000xi32, #tpu.memory_space<vmem>>
    %dma_wait3A_211 = tpu.memref_slice %arg2[%dma_wait3A_201, %add3A_42] : memref<2x320000xi32, #tpu.memory_space<hbm>> -> memref<1x1000xi32, #tpu.memory_space<hbm>>
    %dma_wait3A_212 = tpu.memref_squeeze %dma_wait3A_211 : memref<1x1000xi32, #tpu.memory_space<hbm>> -> memref<1000xi32, #tpu.memory_space<hbm>>
    tpu.wait_dma2 semaphore(%arg12 : memref<!tpu.dma_semaphore, #tpu.memory_space<semaphore_mem>>) src(%dma_wait3A_212 : memref<1000xi32, #tpu.memory_space<hbm>>) dst(%dma_wait3A_210 : memref<1000xi32, #tpu.memory_space<vmem>>)
    %dma_wait3A_213 = arith.constant 1 : i32
    %dma_wait3A_214 = arith.constant 3 : i32
    %dma_wait3A_215 = arith.constant 0 : i32
    %dma_wait3A_216 = tpu.memref_slice %arg6[%dma_wait3A_214, %dma_wait3A_215] : memref<10x1000xi32, #tpu.memory_space<vmem>> -> memref<1x1000xi32, #tpu.memory_space<vmem>>
    %dma_wait3A_217 = tpu.memref_squeeze %dma_wait3A_216 : memref<1x1000xi32, #tpu.memory_space<vmem>> -> memref<1000xi32, #tpu.memory_space<vmem>>
    %dma_wait3A_218 = tpu.memref_slice %arg2[%dma_wait3A_213, %add3A_58] : memref<2x320000xi32, #tpu.memory_space<hbm>> -> memref<1x1000xi32, #tpu.memory_space<hbm>>
    %dma_wait3A_219 = tpu.memref_squeeze %dma_wait3A_218 : memref<1x1000xi32, #tpu.memory_space<hbm>> -> memref<1000xi32, #tpu.memory_space<hbm>>
    %dma_wait3A_220 = arith.constant 0 : i32
    %dma_wait3A_221 = tpu.memref_slice %arg6[%dma_wait3A_214, %dma_wait3A_220] : memref<10x1000xi32, #tpu.memory_space<vmem>> -> memref<1x1000xi32, #tpu.memory_space<vmem>>
    %dma_wait3A_222 = tpu.memref_squeeze %dma_wait3A_221 : memref<1x1000xi32, #tpu.memory_space<vmem>> -> memref<1000xi32, #tpu.memory_space<vmem>>
    %dma_wait3A_223 = tpu.memref_slice %arg2[%dma_wait3A_213, %add3A_58] : memref<2x320000xi32, #tpu.memory_space<hbm>> -> memref<1x1000xi32, #tpu.memory_space<hbm>>
    %dma_wait3A_224 = tpu.memref_squeeze %dma_wait3A_223 : memref<1x1000xi32, #tpu.memory_space<hbm>> -> memref<1000xi32, #tpu.memory_space<hbm>>
    tpu.wait_dma2 semaphore(%arg12 : memref<!tpu.dma_semaphore, #tpu.memory_space<semaphore_mem>>) src(%dma_wait3A_224 : memref<1000xi32, #tpu.memory_space<hbm>>) dst(%dma_wait3A_222 : memref<1000xi32, #tpu.memory_space<vmem>>)
    %dma_wait3A_225 = arith.constant 1 : i32
    %dma_wait3A_226 = arith.constant 4 : i32
    %dma_wait3A_227 = arith.constant 0 : i32
    %dma_wait3A_228 = tpu.memref_slice %arg6[%dma_wait3A_226, %dma_wait3A_227] : memref<10x1000xi32, #tpu.memory_space<vmem>> -> memref<1x1000xi32, #tpu.memory_space<vmem>>
    %dma_wait3A_229 = tpu.memref_squeeze %dma_wait3A_228 : memref<1x1000xi32, #tpu.memory_space<vmem>> -> memref<1000xi32, #tpu.memory_space<vmem>>
    %dma_wait3A_230 = tpu.memref_slice %arg2[%dma_wait3A_225, %add3A_74] : memref<2x320000xi32, #tpu.memory_space<hbm>> -> memref<1x1000xi32, #tpu.memory_space<hbm>>
    %dma_wait3A_231 = tpu.memref_squeeze %dma_wait3A_230 : memref<1x1000xi32, #tpu.memory_space<hbm>> -> memref<1000xi32, #tpu.memory_space<hbm>>
    %dma_wait3A_232 = arith.constant 0 : i32
    %dma_wait3A_233 = tpu.memref_slice %arg6[%dma_wait3A_226, %dma_wait3A_232] : memref<10x1000xi32, #tpu.memory_space<vmem>> -> memref<1x1000xi32, #tpu.memory_space<vmem>>
    %dma_wait3A_234 = tpu.memref_squeeze %dma_wait3A_233 : memref<1x1000xi32, #tpu.memory_space<vmem>> -> memref<1000xi32, #tpu.memory_space<vmem>>
    %dma_wait3A_235 = tpu.memref_slice %arg2[%dma_wait3A_225, %add3A_74] : memref<2x320000xi32, #tpu.memory_space<hbm>> -> memref<1x1000xi32, #tpu.memory_space<hbm>>
    %dma_wait3A_236 = tpu.memref_squeeze %dma_wait3A_235 : memref<1x1000xi32, #tpu.memory_space<hbm>> -> memref<1000xi32, #tpu.memory_space<hbm>>
    tpu.wait_dma2 semaphore(%arg12 : memref<!tpu.dma_semaphore, #tpu.memory_space<semaphore_mem>>) src(%dma_wait3A_236 : memref<1000xi32, #tpu.memory_space<hbm>>) dst(%dma_wait3A_234 : memref<1000xi32, #tpu.memory_space<vmem>>)
    %dma_wait3A_237 = arith.constant 1 : i32
    %dma_wait3A_238 = arith.constant 5 : i32
    %dma_wait3A_239 = arith.constant 0 : i32
    %dma_wait3A_240 = tpu.memref_slice %arg6[%dma_wait3A_238, %dma_wait3A_239] : memref<10x1000xi32, #tpu.memory_space<vmem>> -> memref<1x1000xi32, #tpu.memory_space<vmem>>
    %dma_wait3A_241 = tpu.memref_squeeze %dma_wait3A_240 : memref<1x1000xi32, #tpu.memory_space<vmem>> -> memref<1000xi32, #tpu.memory_space<vmem>>
    %dma_wait3A_242 = tpu.memref_slice %arg2[%dma_wait3A_237, %add3A_90] : memref<2x320000xi32, #tpu.memory_space<hbm>> -> memref<1x1000xi32, #tpu.memory_space<hbm>>
    %dma_wait3A_243 = tpu.memref_squeeze %dma_wait3A_242 : memref<1x1000xi32, #tpu.memory_space<hbm>> -> memref<1000xi32, #tpu.memory_space<hbm>>
    %dma_wait3A_244 = arith.constant 0 : i32
    %dma_wait3A_245 = tpu.memref_slice %arg6[%dma_wait3A_238, %dma_wait3A_244] : memref<10x1000xi32, #tpu.memory_space<vmem>> -> memref<1x1000xi32, #tpu.memory_space<vmem>>
    %dma_wait3A_246 = tpu.memref_squeeze %dma_wait3A_245 : memref<1x1000xi32, #tpu.memory_space<vmem>> -> memref<1000xi32, #tpu.memory_space<vmem>>
    %dma_wait3A_247 = tpu.memref_slice %arg2[%dma_wait3A_237, %add3A_90] : memref<2x320000xi32, #tpu.memory_space<hbm>> -> memref<1x1000xi32, #tpu.memory_space<hbm>>
    %dma_wait3A_248 = tpu.memref_squeeze %dma_wait3A_247 : memref<1x1000xi32, #tpu.memory_space<hbm>> -> memref<1000xi32, #tpu.memory_space<hbm>>
    tpu.wait_dma2 semaphore(%arg12 : memref<!tpu.dma_semaphore, #tpu.memory_space<semaphore_mem>>) src(%dma_wait3A_248 : memref<1000xi32, #tpu.memory_space<hbm>>) dst(%dma_wait3A_246 : memref<1000xi32, #tpu.memory_space<vmem>>)
    %dma_wait3A_249 = arith.constant 1 : i32
    %dma_wait3A_250 = arith.constant 6 : i32
    %dma_wait3A_251 = arith.constant 0 : i32
    %dma_wait3A_252 = tpu.memref_slice %arg6[%dma_wait3A_250, %dma_wait3A_251] : memref<10x1000xi32, #tpu.memory_space<vmem>> -> memref<1x1000xi32, #tpu.memory_space<vmem>>
    %dma_wait3A_253 = tpu.memref_squeeze %dma_wait3A_252 : memref<1x1000xi32, #tpu.memory_space<vmem>> -> memref<1000xi32, #tpu.memory_space<vmem>>
    %dma_wait3A_254 = tpu.memref_slice %arg2[%dma_wait3A_249, %add3A_106] : memref<2x320000xi32, #tpu.memory_space<hbm>> -> memref<1x1000xi32, #tpu.memory_space<hbm>>
    %dma_wait3A_255 = tpu.memref_squeeze %dma_wait3A_254 : memref<1x1000xi32, #tpu.memory_space<hbm>> -> memref<1000xi32, #tpu.memory_space<hbm>>
    %dma_wait3A_256 = arith.constant 0 : i32
    %dma_wait3A_257 = tpu.memref_slice %arg6[%dma_wait3A_250, %dma_wait3A_256] : memref<10x1000xi32, #tpu.memory_space<vmem>> -> memref<1x1000xi32, #tpu.memory_space<vmem>>
    %dma_wait3A_258 = tpu.memref_squeeze %dma_wait3A_257 : memref<1x1000xi32, #tpu.memory_space<vmem>> -> memref<1000xi32, #tpu.memory_space<vmem>>
    %dma_wait3A_259 = tpu.memref_slice %arg2[%dma_wait3A_249, %add3A_106] : memref<2x320000xi32, #tpu.memory_space<hbm>> -> memref<1x1000xi32, #tpu.memory_space<hbm>>
    %dma_wait3A_260 = tpu.memref_squeeze %dma_wait3A_259 : memref<1x1000xi32, #tpu.memory_space<hbm>> -> memref<1000xi32, #tpu.memory_space<hbm>>
    tpu.wait_dma2 semaphore(%arg12 : memref<!tpu.dma_semaphore, #tpu.memory_space<semaphore_mem>>) src(%dma_wait3A_260 : memref<1000xi32, #tpu.memory_space<hbm>>) dst(%dma_wait3A_258 : memref<1000xi32, #tpu.memory_space<vmem>>)
    %dma_wait3A_261 = arith.constant 1 : i32
    %dma_wait3A_262 = arith.constant 7 : i32
    %dma_wait3A_263 = arith.constant 0 : i32
    %dma_wait3A_264 = tpu.memref_slice %arg6[%dma_wait3A_262, %dma_wait3A_263] : memref<10x1000xi32, #tpu.memory_space<vmem>> -> memref<1x1000xi32, #tpu.memory_space<vmem>>
    %dma_wait3A_265 = tpu.memref_squeeze %dma_wait3A_264 : memref<1x1000xi32, #tpu.memory_space<vmem>> -> memref<1000xi32, #tpu.memory_space<vmem>>
    %dma_wait3A_266 = tpu.memref_slice %arg2[%dma_wait3A_261, %add3A_122] : memref<2x320000xi32, #tpu.memory_space<hbm>> -> memref<1x1000xi32, #tpu.memory_space<hbm>>
    %dma_wait3A_267 = tpu.memref_squeeze %dma_wait3A_266 : memref<1x1000xi32, #tpu.memory_space<hbm>> -> memref<1000xi32, #tpu.memory_space<hbm>>
    %dma_wait3A_268 = arith.constant 0 : i32
    %dma_wait3A_269 = tpu.memref_slice %arg6[%dma_wait3A_262, %dma_wait3A_268] : memref<10x1000xi32, #tpu.memory_space<vmem>> -> memref<1x1000xi32, #tpu.memory_space<vmem>>
    %dma_wait3A_270 = tpu.memref_squeeze %dma_wait3A_269 : memref<1x1000xi32, #tpu.memory_space<vmem>> -> memref<1000xi32, #tpu.memory_space<vmem>>
    %dma_wait3A_271 = tpu.memref_slice %arg2[%dma_wait3A_261, %add3A_122] : memref<2x320000xi32, #tpu.memory_space<hbm>> -> memref<1x1000xi32, #tpu.memory_space<hbm>>
    %dma_wait3A_272 = tpu.memref_squeeze %dma_wait3A_271 : memref<1x1000xi32, #tpu.memory_space<hbm>> -> memref<1000xi32, #tpu.memory_space<hbm>>
    tpu.wait_dma2 semaphore(%arg12 : memref<!tpu.dma_semaphore, #tpu.memory_space<semaphore_mem>>) src(%dma_wait3A_272 : memref<1000xi32, #tpu.memory_space<hbm>>) dst(%dma_wait3A_270 : memref<1000xi32, #tpu.memory_space<vmem>>)
    %dma_wait3A_273 = arith.constant 1 : i32
    %dma_wait3A_274 = arith.constant 8 : i32
    %dma_wait3A_275 = arith.constant 0 : i32
    %dma_wait3A_276 = tpu.memref_slice %arg6[%dma_wait3A_274, %dma_wait3A_275] : memref<10x1000xi32, #tpu.memory_space<vmem>> -> memref<1x1000xi32, #tpu.memory_space<vmem>>
    %dma_wait3A_277 = tpu.memref_squeeze %dma_wait3A_276 : memref<1x1000xi32, #tpu.memory_space<vmem>> -> memref<1000xi32, #tpu.memory_space<vmem>>
    %dma_wait3A_278 = tpu.memref_slice %arg2[%dma_wait3A_273, %add3A_138] : memref<2x320000xi32, #tpu.memory_space<hbm>> -> memref<1x1000xi32, #tpu.memory_space<hbm>>
    %dma_wait3A_279 = tpu.memref_squeeze %dma_wait3A_278 : memref<1x1000xi32, #tpu.memory_space<hbm>> -> memref<1000xi32, #tpu.memory_space<hbm>>
    %dma_wait3A_280 = arith.constant 0 : i32
    %dma_wait3A_281 = tpu.memref_slice %arg6[%dma_wait3A_274, %dma_wait3A_280] : memref<10x1000xi32, #tpu.memory_space<vmem>> -> memref<1x1000xi32, #tpu.memory_space<vmem>>
    %dma_wait3A_282 = tpu.memref_squeeze %dma_wait3A_281 : memref<1x1000xi32, #tpu.memory_space<vmem>> -> memref<1000xi32, #tpu.memory_space<vmem>>
    %dma_wait3A_283 = tpu.memref_slice %arg2[%dma_wait3A_273, %add3A_138] : memref<2x320000xi32, #tpu.memory_space<hbm>> -> memref<1x1000xi32, #tpu.memory_space<hbm>>
    %dma_wait3A_284 = tpu.memref_squeeze %dma_wait3A_283 : memref<1x1000xi32, #tpu.memory_space<hbm>> -> memref<1000xi32, #tpu.memory_space<hbm>>
    tpu.wait_dma2 semaphore(%arg12 : memref<!tpu.dma_semaphore, #tpu.memory_space<semaphore_mem>>) src(%dma_wait3A_284 : memref<1000xi32, #tpu.memory_space<hbm>>) dst(%dma_wait3A_282 : memref<1000xi32, #tpu.memory_space<vmem>>)
    %dma_wait3A_285 = arith.constant 1 : i32
    %dma_wait3A_286 = arith.constant 9 : i32
    %dma_wait3A_287 = arith.constant 0 : i32
    %dma_wait3A_288 = tpu.memref_slice %arg6[%dma_wait3A_286, %dma_wait3A_287] : memref<10x1000xi32, #tpu.memory_space<vmem>> -> memref<1x1000xi32, #tpu.memory_space<vmem>>
    %dma_wait3A_289 = tpu.memref_squeeze %dma_wait3A_288 : memref<1x1000xi32, #tpu.memory_space<vmem>> -> memref<1000xi32, #tpu.memory_space<vmem>>
    %dma_wait3A_290 = tpu.memref_slice %arg2[%dma_wait3A_285, %add3A_154] : memref<2x320000xi32, #tpu.memory_space<hbm>> -> memref<1x1000xi32, #tpu.memory_space<hbm>>
    %dma_wait3A_291 = tpu.memref_squeeze %dma_wait3A_290 : memref<1x1000xi32, #tpu.memory_space<hbm>> -> memref<1000xi32, #tpu.memory_space<hbm>>
    %dma_wait3A_292 = arith.constant 0 : i32
    %dma_wait3A_293 = tpu.memref_slice %arg6[%dma_wait3A_286, %dma_wait3A_292] : memref<10x1000xi32, #tpu.memory_space<vmem>> -> memref<1x1000xi32, #tpu.memory_space<vmem>>
    %dma_wait3A_294 = tpu.memref_squeeze %dma_wait3A_293 : memref<1x1000xi32, #tpu.memory_space<vmem>> -> memref<1000xi32, #tpu.memory_space<vmem>>
    %dma_wait3A_295 = tpu.memref_slice %arg2[%dma_wait3A_285, %add3A_154] : memref<2x320000xi32, #tpu.memory_space<hbm>> -> memref<1x1000xi32, #tpu.memory_space<hbm>>
    %dma_wait3A_296 = tpu.memref_squeeze %dma_wait3A_295 : memref<1x1000xi32, #tpu.memory_space<hbm>> -> memref<1000xi32, #tpu.memory_space<hbm>>
    tpu.wait_dma2 semaphore(%arg12 : memref<!tpu.dma_semaphore, #tpu.memory_space<semaphore_mem>>) src(%dma_wait3A_296 : memref<1000xi32, #tpu.memory_space<hbm>>) dst(%dma_wait3A_294 : memref<1000xi32, #tpu.memory_space<vmem>>)
    %barrier3A = arith.constant 0 : index
    tpu.barrier barrier_id(%barrier3A)
    %dma_start3A_297 = arith.constant 0 : i32
    %dma_start3A_298 = tpu.memref_slice %arg5[%dma_start3A_297] : memref<10000xi32, #tpu.memory_space<vmem>> -> memref<1000xi32, #tpu.memory_space<vmem>>
    %dma_start3A_299 = arith.constant 0 : i32
    %dma_start3A_300 = arith.constant 0 : i32
    %dma_start3A_301 = tpu.memref_slice %arg3[%dma_start3A_299, %dma_start3A_300] : memref<10240x16xf32, #tpu.memory_space<hbm>> -> memref<10240x16xf32, #tpu.memory_space<hbm>>
    tpu.enqueue_indirect_dma source(%dma_start3A_301 : memref<10240x16xf32, #tpu.memory_space<hbm>>) target(%arg7 : memref<1000x16xf32, #tpu.memory_space<vmem>>) offsets(%dma_start3A_298 : memref<1000xi32, #tpu.memory_space<vmem>>) semaphore(%arg13 : memref<!tpu.dma_semaphore, #tpu.memory_space<semaphore_mem>>)
    %dma_start3A_302 = arith.constant 1000 : i32
    %dma_start3A_303 = tpu.memref_slice %arg5[%dma_start3A_302] : memref<10000xi32, #tpu.memory_space<vmem>> -> memref<1000xi32, #tpu.memory_space<vmem>>
    %dma_start3A_304 = arith.constant 0 : i32
    %dma_start3A_305 = arith.constant 0 : i32
    %dma_start3A_306 = tpu.memref_slice %arg3[%dma_start3A_304, %dma_start3A_305] : memref<10240x16xf32, #tpu.memory_space<hbm>> -> memref<10240x16xf32, #tpu.memory_space<hbm>>
    tpu.enqueue_indirect_dma source(%dma_start3A_306 : memref<10240x16xf32, #tpu.memory_space<hbm>>) target(%arg8 : memref<1000x16xf32, #tpu.memory_space<vmem>>) offsets(%dma_start3A_303 : memref<1000xi32, #tpu.memory_space<vmem>>) semaphore(%arg14 : memref<!tpu.dma_semaphore, #tpu.memory_space<semaphore_mem>>)
    %dma_start3A_307 = arith.constant 2000 : i32
    %dma_start3A_308 = tpu.memref_slice %arg5[%dma_start3A_307] : memref<10000xi32, #tpu.memory_space<vmem>> -> memref<1000xi32, #tpu.memory_space<vmem>>
    %dma_start3A_309 = arith.constant 0 : i32
    %dma_start3A_310 = arith.constant 0 : i32
    %dma_start3A_311 = tpu.memref_slice %arg3[%dma_start3A_309, %dma_start3A_310] : memref<10240x16xf32, #tpu.memory_space<hbm>> -> memref<10240x16xf32, #tpu.memory_space<hbm>>
    tpu.enqueue_indirect_dma source(%dma_start3A_311 : memref<10240x16xf32, #tpu.memory_space<hbm>>) target(%arg9 : memref<1000x16xf32, #tpu.memory_space<vmem>>) offsets(%dma_start3A_308 : memref<1000xi32, #tpu.memory_space<vmem>>) semaphore(%arg15 : memref<!tpu.dma_semaphore, #tpu.memory_space<semaphore_mem>>)
    %dma_wait3A_312 = arith.constant 0 : i32
    %dma_wait3A_313 = tpu.memref_slice %arg5[%dma_wait3A_312] : memref<10000xi32, #tpu.memory_space<vmem>> -> memref<1000xi32, #tpu.memory_space<vmem>>
    %dma_wait3A_314 = arith.constant 0 : i32
    %dma_wait3A_315 = arith.constant 0 : i32
    %dma_wait3A_316 = tpu.memref_slice %arg3[%dma_wait3A_314, %dma_wait3A_315] : memref<10240x16xf32, #tpu.memory_space<hbm>> -> memref<10240x16xf32, #tpu.memory_space<hbm>>
    tpu.wait_indirect_dma semaphore(%arg13 : memref<!tpu.dma_semaphore, #tpu.memory_space<semaphore_mem>>) src(%dma_wait3A_316 : memref<10240x16xf32, #tpu.memory_space<hbm>>) dst(%arg7 : memref<1000x16xf32, #tpu.memory_space<vmem>>)
    %run_scoped3A = arith.constant 0 : i32
    "tpu.region"() ({
      %run_scoped3A_411 = tpu.sem_alloc : memref<!tpu.dma_semaphore, #tpu.memory_space<semaphore_mem>>
      %dma_start3A_412 = arith.constant 0 : i32
      %dma_start3A_413 = tpu.memref_slice %arg6[%run_scoped3A, %dma_start3A_412] : memref<10x1000xi32, #tpu.memory_space<vmem>> -> memref<1x1000xi32, #tpu.memory_space<vmem>>
      %dma_start3A_414 = tpu.memref_squeeze %dma_start3A_413 : memref<1x1000xi32, #tpu.memory_space<vmem>> -> memref<1000xi32, #tpu.memory_space<vmem>>
      %dma_start3A_415 = arith.constant 0 : i32
      %dma_start3A_416 = arith.constant 0 : i32
      %dma_start3A_417 = tpu.memref_slice %arg11[%dma_start3A_415, %dma_start3A_416] : memref<10240x16xf32, #tpu.memory_space<vmem_shared>> -> memref<10240x16xf32, #tpu.memory_space<vmem_shared>>
      tpu.enqueue_indirect_dma source(%arg7 : memref<1000x16xf32, #tpu.memory_space<vmem>>) target(%dma_start3A_417 : memref<10240x16xf32, #tpu.memory_space<vmem_shared>>) offsets(%dma_start3A_414 : memref<1000xi32, #tpu.memory_space<vmem>>) semaphore(%run_scoped3A_411 : memref<!tpu.dma_semaphore, #tpu.memory_space<semaphore_mem>>) {add = true}
      %dma_wait3A_418 = arith.constant 0 : i32
      %dma_wait3A_419 = tpu.memref_slice %arg6[%run_scoped3A, %dma_wait3A_418] : memref<10x1000xi32, #tpu.memory_space<vmem>> -> memref<1x1000xi32, #tpu.memory_space<vmem>>
      %dma_wait3A_420 = tpu.memref_squeeze %dma_wait3A_419 : memref<1x1000xi32, #tpu.memory_space<vmem>> -> memref<1000xi32, #tpu.memory_space<vmem>>
      %dma_wait3A_421 = arith.constant 0 : i32
      %dma_wait3A_422 = arith.constant 0 : i32
      %dma_wait3A_423 = tpu.memref_slice %arg11[%dma_wait3A_421, %dma_wait3A_422] : memref<10240x16xf32, #tpu.memory_space<vmem_shared>> -> memref<10240x16xf32, #tpu.memory_space<vmem_shared>>
      tpu.wait_indirect_dma semaphore(%run_scoped3A_411 : memref<!tpu.dma_semaphore, #tpu.memory_space<semaphore_mem>>) src(%arg7 : memref<1000x16xf32, #tpu.memory_space<vmem>>) dst(%dma_wait3A_423 : memref<10240x16xf32, #tpu.memory_space<vmem_shared>>)
      tpu.yield
    }) : () -> ()
    %dma_start3A_317 = arith.constant 3000 : i32
    %dma_start3A_318 = tpu.memref_slice %arg5[%dma_start3A_317] : memref<10000xi32, #tpu.memory_space<vmem>> -> memref<1000xi32, #tpu.memory_space<vmem>>
    %dma_start3A_319 = arith.constant 0 : i32
    %dma_start3A_320 = arith.constant 0 : i32
    %dma_start3A_321 = tpu.memref_slice %arg3[%dma_start3A_319, %dma_start3A_320] : memref<10240x16xf32, #tpu.memory_space<hbm>> -> memref<10240x16xf32, #tpu.memory_space<hbm>>
    tpu.enqueue_indirect_dma source(%dma_start3A_321 : memref<10240x16xf32, #tpu.memory_space<hbm>>) target(%arg7 : memref<1000x16xf32, #tpu.memory_space<vmem>>) offsets(%dma_start3A_318 : memref<1000xi32, #tpu.memory_space<vmem>>) semaphore(%arg13 : memref<!tpu.dma_semaphore, #tpu.memory_space<semaphore_mem>>)
    %dma_wait3A_322 = arith.constant 1000 : i32
    %dma_wait3A_323 = tpu.memref_slice %arg5[%dma_wait3A_322] : memref<10000xi32, #tpu.memory_space<vmem>> -> memref<1000xi32, #tpu.memory_space<vmem>>
    %dma_wait3A_324 = arith.constant 0 : i32
    %dma_wait3A_325 = arith.constant 0 : i32
    %dma_wait3A_326 = tpu.memref_slice %arg3[%dma_wait3A_324, %dma_wait3A_325] : memref<10240x16xf32, #tpu.memory_space<hbm>> -> memref<10240x16xf32, #tpu.memory_space<hbm>>
    tpu.wait_indirect_dma semaphore(%arg14 : memref<!tpu.dma_semaphore, #tpu.memory_space<semaphore_mem>>) src(%dma_wait3A_326 : memref<10240x16xf32, #tpu.memory_space<hbm>>) dst(%arg8 : memref<1000x16xf32, #tpu.memory_space<vmem>>)
    %run_scoped3A_327 = arith.constant 1 : i32
    "tpu.region"() ({
      %run_scoped3A_411 = tpu.sem_alloc : memref<!tpu.dma_semaphore, #tpu.memory_space<semaphore_mem>>
      %dma_start3A_412 = arith.constant 0 : i32
      %dma_start3A_413 = tpu.memref_slice %arg6[%run_scoped3A_327, %dma_start3A_412] : memref<10x1000xi32, #tpu.memory_space<vmem>> -> memref<1x1000xi32, #tpu.memory_space<vmem>>
      %dma_start3A_414 = tpu.memref_squeeze %dma_start3A_413 : memref<1x1000xi32, #tpu.memory_space<vmem>> -> memref<1000xi32, #tpu.memory_space<vmem>>
      %dma_start3A_415 = arith.constant 0 : i32
      %dma_start3A_416 = arith.constant 0 : i32
      %dma_start3A_417 = tpu.memref_slice %arg11[%dma_start3A_415, %dma_start3A_416] : memref<10240x16xf32, #tpu.memory_space<vmem_shared>> -> memref<10240x16xf32, #tpu.memory_space<vmem_shared>>
      tpu.enqueue_indirect_dma source(%arg8 : memref<1000x16xf32, #tpu.memory_space<vmem>>) target(%dma_start3A_417 : memref<10240x16xf32, #tpu.memory_space<vmem_shared>>) offsets(%dma_start3A_414 : memref<1000xi32, #tpu.memory_space<vmem>>) semaphore(%run_scoped3A_411 : memref<!tpu.dma_semaphore, #tpu.memory_space<semaphore_mem>>) {add = true}
      %dma_wait3A_418 = arith.constant 0 : i32
      %dma_wait3A_419 = tpu.memref_slice %arg6[%run_scoped3A_327, %dma_wait3A_418] : memref<10x1000xi32, #tpu.memory_space<vmem>> -> memref<1x1000xi32, #tpu.memory_space<vmem>>
      %dma_wait3A_420 = tpu.memref_squeeze %dma_wait3A_419 : memref<1x1000xi32, #tpu.memory_space<vmem>> -> memref<1000xi32, #tpu.memory_space<vmem>>
      %dma_wait3A_421 = arith.constant 0 : i32
      %dma_wait3A_422 = arith.constant 0 : i32
      %dma_wait3A_423 = tpu.memref_slice %arg11[%dma_wait3A_421, %dma_wait3A_422] : memref<10240x16xf32, #tpu.memory_space<vmem_shared>> -> memref<10240x16xf32, #tpu.memory_space<vmem_shared>>
      tpu.wait_indirect_dma semaphore(%run_scoped3A_411 : memref<!tpu.dma_semaphore, #tpu.memory_space<semaphore_mem>>) src(%arg8 : memref<1000x16xf32, #tpu.memory_space<vmem>>) dst(%dma_wait3A_423 : memref<10240x16xf32, #tpu.memory_space<vmem_shared>>)
      tpu.yield
    }) : () -> ()
    %dma_start3A_328 = arith.constant 4000 : i32
    %dma_start3A_329 = tpu.memref_slice %arg5[%dma_start3A_328] : memref<10000xi32, #tpu.memory_space<vmem>> -> memref<1000xi32, #tpu.memory_space<vmem>>
    %dma_start3A_330 = arith.constant 0 : i32
    %dma_start3A_331 = arith.constant 0 : i32
    %dma_start3A_332 = tpu.memref_slice %arg3[%dma_start3A_330, %dma_start3A_331] : memref<10240x16xf32, #tpu.memory_space<hbm>> -> memref<10240x16xf32, #tpu.memory_space<hbm>>
    tpu.enqueue_indirect_dma source(%dma_start3A_332 : memref<10240x16xf32, #tpu.memory_space<hbm>>) target(%arg8 : memref<1000x16xf32, #tpu.memory_space<vmem>>) offsets(%dma_start3A_329 : memref<1000xi32, #tpu.memory_space<vmem>>) semaphore(%arg14 : memref<!tpu.dma_semaphore, #tpu.memory_space<semaphore_mem>>)
    %dma_wait3A_333 = arith.constant 2000 : i32
    %dma_wait3A_334 = tpu.memref_slice %arg5[%dma_wait3A_333] : memref<10000xi32, #tpu.memory_space<vmem>> -> memref<1000xi32, #tpu.memory_space<vmem>>
    %dma_wait3A_335 = arith.constant 0 : i32
    %dma_wait3A_336 = arith.constant 0 : i32
    %dma_wait3A_337 = tpu.memref_slice %arg3[%dma_wait3A_335, %dma_wait3A_336] : memref<10240x16xf32, #tpu.memory_space<hbm>> -> memref<10240x16xf32, #tpu.memory_space<hbm>>
    tpu.wait_indirect_dma semaphore(%arg15 : memref<!tpu.dma_semaphore, #tpu.memory_space<semaphore_mem>>) src(%dma_wait3A_337 : memref<10240x16xf32, #tpu.memory_space<hbm>>) dst(%arg9 : memref<1000x16xf32, #tpu.memory_space<vmem>>)
    %run_scoped3A_338 = arith.constant 2 : i32
    "tpu.region"() ({
      %run_scoped3A_411 = tpu.sem_alloc : memref<!tpu.dma_semaphore, #tpu.memory_space<semaphore_mem>>
      %dma_start3A_412 = arith.constant 0 : i32
      %dma_start3A_413 = tpu.memref_slice %arg6[%run_scoped3A_338, %dma_start3A_412] : memref<10x1000xi32, #tpu.memory_space<vmem>> -> memref<1x1000xi32, #tpu.memory_space<vmem>>
      %dma_start3A_414 = tpu.memref_squeeze %dma_start3A_413 : memref<1x1000xi32, #tpu.memory_space<vmem>> -> memref<1000xi32, #tpu.memory_space<vmem>>
      %dma_start3A_415 = arith.constant 0 : i32
      %dma_start3A_416 = arith.constant 0 : i32
      %dma_start3A_417 = tpu.memref_slice %arg11[%dma_start3A_415, %dma_start3A_416] : memref<10240x16xf32, #tpu.memory_space<vmem_shared>> -> memref<10240x16xf32, #tpu.memory_space<vmem_shared>>
      tpu.enqueue_indirect_dma source(%arg9 : memref<1000x16xf32, #tpu.memory_space<vmem>>) target(%dma_start3A_417 : memref<10240x16xf32, #tpu.memory_space<vmem_shared>>) offsets(%dma_start3A_414 : memref<1000xi32, #tpu.memory_space<vmem>>) semaphore(%run_scoped3A_411 : memref<!tpu.dma_semaphore, #tpu.memory_space<semaphore_mem>>) {add = true}
      %dma_wait3A_418 = arith.constant 0 : i32
      %dma_wait3A_419 = tpu.memref_slice %arg6[%run_scoped3A_338, %dma_wait3A_418] : memref<10x1000xi32, #tpu.memory_space<vmem>> -> memref<1x1000xi32, #tpu.memory_space<vmem>>
      %dma_wait3A_420 = tpu.memref_squeeze %dma_wait3A_419 : memref<1x1000xi32, #tpu.memory_space<vmem>> -> memref<1000xi32, #tpu.memory_space<vmem>>
      %dma_wait3A_421 = arith.constant 0 : i32
      %dma_wait3A_422 = arith.constant 0 : i32
      %dma_wait3A_423 = tpu.memref_slice %arg11[%dma_wait3A_421, %dma_wait3A_422] : memref<10240x16xf32, #tpu.memory_space<vmem_shared>> -> memref<10240x16xf32, #tpu.memory_space<vmem_shared>>
      tpu.wait_indirect_dma semaphore(%run_scoped3A_411 : memref<!tpu.dma_semaphore, #tpu.memory_space<semaphore_mem>>) src(%arg9 : memref<1000x16xf32, #tpu.memory_space<vmem>>) dst(%dma_wait3A_423 : memref<10240x16xf32, #tpu.memory_space<vmem_shared>>)
      tpu.yield
    }) : () -> ()
    %dma_start3A_339 = arith.constant 5000 : i32
    %dma_start3A_340 = tpu.memref_slice %arg5[%dma_start3A_339] : memref<10000xi32, #tpu.memory_space<vmem>> -> memref<1000xi32, #tpu.memory_space<vmem>>
    %dma_start3A_341 = arith.constant 0 : i32
    %dma_start3A_342 = arith.constant 0 : i32
    %dma_start3A_343 = tpu.memref_slice %arg3[%dma_start3A_341, %dma_start3A_342] : memref<10240x16xf32, #tpu.memory_space<hbm>> -> memref<10240x16xf32, #tpu.memory_space<hbm>>
    tpu.enqueue_indirect_dma source(%dma_start3A_343 : memref<10240x16xf32, #tpu.memory_space<hbm>>) target(%arg9 : memref<1000x16xf32, #tpu.memory_space<vmem>>) offsets(%dma_start3A_340 : memref<1000xi32, #tpu.memory_space<vmem>>) semaphore(%arg15 : memref<!tpu.dma_semaphore, #tpu.memory_space<semaphore_mem>>)
    %dma_wait3A_344 = arith.constant 3000 : i32
    %dma_wait3A_345 = tpu.memref_slice %arg5[%dma_wait3A_344] : memref<10000xi32, #tpu.memory_space<vmem>> -> memref<1000xi32, #tpu.memory_space<vmem>>
    %dma_wait3A_346 = arith.constant 0 : i32
    %dma_wait3A_347 = arith.constant 0 : i32
    %dma_wait3A_348 = tpu.memref_slice %arg3[%dma_wait3A_346, %dma_wait3A_347] : memref<10240x16xf32, #tpu.memory_space<hbm>> -> memref<10240x16xf32, #tpu.memory_space<hbm>>
    tpu.wait_indirect_dma semaphore(%arg13 : memref<!tpu.dma_semaphore, #tpu.memory_space<semaphore_mem>>) src(%dma_wait3A_348 : memref<10240x16xf32, #tpu.memory_space<hbm>>) dst(%arg7 : memref<1000x16xf32, #tpu.memory_space<vmem>>)
    %run_scoped3A_349 = arith.constant 3 : i32
    "tpu.region"() ({
      %run_scoped3A_411 = tpu.sem_alloc : memref<!tpu.dma_semaphore, #tpu.memory_space<semaphore_mem>>
      %dma_start3A_412 = arith.constant 0 : i32
      %dma_start3A_413 = tpu.memref_slice %arg6[%run_scoped3A_349, %dma_start3A_412] : memref<10x1000xi32, #tpu.memory_space<vmem>> -> memref<1x1000xi32, #tpu.memory_space<vmem>>
      %dma_start3A_414 = tpu.memref_squeeze %dma_start3A_413 : memref<1x1000xi32, #tpu.memory_space<vmem>> -> memref<1000xi32, #tpu.memory_space<vmem>>
      %dma_start3A_415 = arith.constant 0 : i32
      %dma_start3A_416 = arith.constant 0 : i32
      %dma_start3A_417 = tpu.memref_slice %arg11[%dma_start3A_415, %dma_start3A_416] : memref<10240x16xf32, #tpu.memory_space<vmem_shared>> -> memref<10240x16xf32, #tpu.memory_space<vmem_shared>>
      tpu.enqueue_indirect_dma source(%arg7 : memref<1000x16xf32, #tpu.memory_space<vmem>>) target(%dma_start3A_417 : memref<10240x16xf32, #tpu.memory_space<vmem_shared>>) offsets(%dma_start3A_414 : memref<1000xi32, #tpu.memory_space<vmem>>) semaphore(%run_scoped3A_411 : memref<!tpu.dma_semaphore, #tpu.memory_space<semaphore_mem>>) {add = true}
      %dma_wait3A_418 = arith.constant 0 : i32
      %dma_wait3A_419 = tpu.memref_slice %arg6[%run_scoped3A_349, %dma_wait3A_418] : memref<10x1000xi32, #tpu.memory_space<vmem>> -> memref<1x1000xi32, #tpu.memory_space<vmem>>
      %dma_wait3A_420 = tpu.memref_squeeze %dma_wait3A_419 : memref<1x1000xi32, #tpu.memory_space<vmem>> -> memref<1000xi32, #tpu.memory_space<vmem>>
      %dma_wait3A_421 = arith.constant 0 : i32
      %dma_wait3A_422 = arith.constant 0 : i32
      %dma_wait3A_423 = tpu.memref_slice %arg11[%dma_wait3A_421, %dma_wait3A_422] : memref<10240x16xf32, #tpu.memory_space<vmem_shared>> -> memref<10240x16xf32, #tpu.memory_space<vmem_shared>>
      tpu.wait_indirect_dma semaphore(%run_scoped3A_411 : memref<!tpu.dma_semaphore, #tpu.memory_space<semaphore_mem>>) src(%arg7 : memref<1000x16xf32, #tpu.memory_space<vmem>>) dst(%dma_wait3A_423 : memref<10240x16xf32, #tpu.memory_space<vmem_shared>>)
      tpu.yield
    }) : () -> ()
    %dma_start3A_350 = arith.constant 6000 : i32
    %dma_start3A_351 = tpu.memref_slice %arg5[%dma_start3A_350] : memref<10000xi32, #tpu.memory_space<vmem>> -> memref<1000xi32, #tpu.memory_space<vmem>>
    %dma_start3A_352 = arith.constant 0 : i32
    %dma_start3A_353 = arith.constant 0 : i32
    %dma_start3A_354 = tpu.memref_slice %arg3[%dma_start3A_352, %dma_start3A_353] : memref<10240x16xf32, #tpu.memory_space<hbm>> -> memref<10240x16xf32, #tpu.memory_space<hbm>>
    tpu.enqueue_indirect_dma source(%dma_start3A_354 : memref<10240x16xf32, #tpu.memory_space<hbm>>) target(%arg7 : memref<1000x16xf32, #tpu.memory_space<vmem>>) offsets(%dma_start3A_351 : memref<1000xi32, #tpu.memory_space<vmem>>) semaphore(%arg13 : memref<!tpu.dma_semaphore, #tpu.memory_space<semaphore_mem>>)
    %dma_wait3A_355 = arith.constant 4000 : i32
    %dma_wait3A_356 = tpu.memref_slice %arg5[%dma_wait3A_355] : memref<10000xi32, #tpu.memory_space<vmem>> -> memref<1000xi32, #tpu.memory_space<vmem>>
    %dma_wait3A_357 = arith.constant 0 : i32
    %dma_wait3A_358 = arith.constant 0 : i32
    %dma_wait3A_359 = tpu.memref_slice %arg3[%dma_wait3A_357, %dma_wait3A_358] : memref<10240x16xf32, #tpu.memory_space<hbm>> -> memref<10240x16xf32, #tpu.memory_space<hbm>>
    tpu.wait_indirect_dma semaphore(%arg14 : memref<!tpu.dma_semaphore, #tpu.memory_space<semaphore_mem>>) src(%dma_wait3A_359 : memref<10240x16xf32, #tpu.memory_space<hbm>>) dst(%arg8 : memref<1000x16xf32, #tpu.memory_space<vmem>>)
    %run_scoped3A_360 = arith.constant 4 : i32
    "tpu.region"() ({
      %run_scoped3A_411 = tpu.sem_alloc : memref<!tpu.dma_semaphore, #tpu.memory_space<semaphore_mem>>
      %dma_start3A_412 = arith.constant 0 : i32
      %dma_start3A_413 = tpu.memref_slice %arg6[%run_scoped3A_360, %dma_start3A_412] : memref<10x1000xi32, #tpu.memory_space<vmem>> -> memref<1x1000xi32, #tpu.memory_space<vmem>>
      %dma_start3A_414 = tpu.memref_squeeze %dma_start3A_413 : memref<1x1000xi32, #tpu.memory_space<vmem>> -> memref<1000xi32, #tpu.memory_space<vmem>>
      %dma_start3A_415 = arith.constant 0 : i32
      %dma_start3A_416 = arith.constant 0 : i32
      %dma_start3A_417 = tpu.memref_slice %arg11[%dma_start3A_415, %dma_start3A_416] : memref<10240x16xf32, #tpu.memory_space<vmem_shared>> -> memref<10240x16xf32, #tpu.memory_space<vmem_shared>>
      tpu.enqueue_indirect_dma source(%arg8 : memref<1000x16xf32, #tpu.memory_space<vmem>>) target(%dma_start3A_417 : memref<10240x16xf32, #tpu.memory_space<vmem_shared>>) offsets(%dma_start3A_414 : memref<1000xi32, #tpu.memory_space<vmem>>) semaphore(%run_scoped3A_411 : memref<!tpu.dma_semaphore, #tpu.memory_space<semaphore_mem>>) {add = true}
      %dma_wait3A_418 = arith.constant 0 : i32
      %dma_wait3A_419 = tpu.memref_slice %arg6[%run_scoped3A_360, %dma_wait3A_418] : memref<10x1000xi32, #tpu.memory_space<vmem>> -> memref<1x1000xi32, #tpu.memory_space<vmem>>
      %dma_wait3A_420 = tpu.memref_squeeze %dma_wait3A_419 : memref<1x1000xi32, #tpu.memory_space<vmem>> -> memref<1000xi32, #tpu.memory_space<vmem>>
      %dma_wait3A_421 = arith.constant 0 : i32
      %dma_wait3A_422 = arith.constant 0 : i32
      %dma_wait3A_423 = tpu.memref_slice %arg11[%dma_wait3A_421, %dma_wait3A_422] : memref<10240x16xf32, #tpu.memory_space<vmem_shared>> -> memref<10240x16xf32, #tpu.memory_space<vmem_shared>>
      tpu.wait_indirect_dma semaphore(%run_scoped3A_411 : memref<!tpu.dma_semaphore, #tpu.memory_space<semaphore_mem>>) src(%arg8 : memref<1000x16xf32, #tpu.memory_space<vmem>>) dst(%dma_wait3A_423 : memref<10240x16xf32, #tpu.memory_space<vmem_shared>>)
      tpu.yield
    }) : () -> ()
    %dma_start3A_361 = arith.constant 7000 : i32
    %dma_start3A_362 = tpu.memref_slice %arg5[%dma_start3A_361] : memref<10000xi32, #tpu.memory_space<vmem>> -> memref<1000xi32, #tpu.memory_space<vmem>>
    %dma_start3A_363 = arith.constant 0 : i32
    %dma_start3A_364 = arith.constant 0 : i32
    %dma_start3A_365 = tpu.memref_slice %arg3[%dma_start3A_363, %dma_start3A_364] : memref<10240x16xf32, #tpu.memory_space<hbm>> -> memref<10240x16xf32, #tpu.memory_space<hbm>>
    tpu.enqueue_indirect_dma source(%dma_start3A_365 : memref<10240x16xf32, #tpu.memory_space<hbm>>) target(%arg8 : memref<1000x16xf32, #tpu.memory_space<vmem>>) offsets(%dma_start3A_362 : memref<1000xi32, #tpu.memory_space<vmem>>) semaphore(%arg14 : memref<!tpu.dma_semaphore, #tpu.memory_space<semaphore_mem>>)
    %dma_wait3A_366 = arith.constant 5000 : i32
    %dma_wait3A_367 = tpu.memref_slice %arg5[%dma_wait3A_366] : memref<10000xi32, #tpu.memory_space<vmem>> -> memref<1000xi32, #tpu.memory_space<vmem>>
    %dma_wait3A_368 = arith.constant 0 : i32
    %dma_wait3A_369 = arith.constant 0 : i32
    %dma_wait3A_370 = tpu.memref_slice %arg3[%dma_wait3A_368, %dma_wait3A_369] : memref<10240x16xf32, #tpu.memory_space<hbm>> -> memref<10240x16xf32, #tpu.memory_space<hbm>>
    tpu.wait_indirect_dma semaphore(%arg15 : memref<!tpu.dma_semaphore, #tpu.memory_space<semaphore_mem>>) src(%dma_wait3A_370 : memref<10240x16xf32, #tpu.memory_space<hbm>>) dst(%arg9 : memref<1000x16xf32, #tpu.memory_space<vmem>>)
    %run_scoped3A_371 = arith.constant 5 : i32
    "tpu.region"() ({
      %run_scoped3A_411 = tpu.sem_alloc : memref<!tpu.dma_semaphore, #tpu.memory_space<semaphore_mem>>
      %dma_start3A_412 = arith.constant 0 : i32
      %dma_start3A_413 = tpu.memref_slice %arg6[%run_scoped3A_371, %dma_start3A_412] : memref<10x1000xi32, #tpu.memory_space<vmem>> -> memref<1x1000xi32, #tpu.memory_space<vmem>>
      %dma_start3A_414 = tpu.memref_squeeze %dma_start3A_413 : memref<1x1000xi32, #tpu.memory_space<vmem>> -> memref<1000xi32, #tpu.memory_space<vmem>>
      %dma_start3A_415 = arith.constant 0 : i32
      %dma_start3A_416 = arith.constant 0 : i32
      %dma_start3A_417 = tpu.memref_slice %arg11[%dma_start3A_415, %dma_start3A_416] : memref<10240x16xf32, #tpu.memory_space<vmem_shared>> -> memref<10240x16xf32, #tpu.memory_space<vmem_shared>>
      tpu.enqueue_indirect_dma source(%arg9 : memref<1000x16xf32, #tpu.memory_space<vmem>>) target(%dma_start3A_417 : memref<10240x16xf32, #tpu.memory_space<vmem_shared>>) offsets(%dma_start3A_414 : memref<1000xi32, #tpu.memory_space<vmem>>) semaphore(%run_scoped3A_411 : memref<!tpu.dma_semaphore, #tpu.memory_space<semaphore_mem>>) {add = true}
      %dma_wait3A_418 = arith.constant 0 : i32
      %dma_wait3A_419 = tpu.memref_slice %arg6[%run_scoped3A_371, %dma_wait3A_418] : memref<10x1000xi32, #tpu.memory_space<vmem>> -> memref<1x1000xi32, #tpu.memory_space<vmem>>
      %dma_wait3A_420 = tpu.memref_squeeze %dma_wait3A_419 : memref<1x1000xi32, #tpu.memory_space<vmem>> -> memref<1000xi32, #tpu.memory_space<vmem>>
      %dma_wait3A_421 = arith.constant 0 : i32
      %dma_wait3A_422 = arith.constant 0 : i32
      %dma_wait3A_423 = tpu.memref_slice %arg11[%dma_wait3A_421, %dma_wait3A_422] : memref<10240x16xf32, #tpu.memory_space<vmem_shared>> -> memref<10240x16xf32, #tpu.memory_space<vmem_shared>>
      tpu.wait_indirect_dma semaphore(%run_scoped3A_411 : memref<!tpu.dma_semaphore, #tpu.memory_space<semaphore_mem>>) src(%arg9 : memref<1000x16xf32, #tpu.memory_space<vmem>>) dst(%dma_wait3A_423 : memref<10240x16xf32, #tpu.memory_space<vmem_shared>>)
      tpu.yield
    }) : () -> ()
    %dma_start3A_372 = arith.constant 8000 : i32
    %dma_start3A_373 = tpu.memref_slice %arg5[%dma_start3A_372] : memref<10000xi32, #tpu.memory_space<vmem>> -> memref<1000xi32, #tpu.memory_space<vmem>>
    %dma_start3A_374 = arith.constant 0 : i32
    %dma_start3A_375 = arith.constant 0 : i32
    %dma_start3A_376 = tpu.memref_slice %arg3[%dma_start3A_374, %dma_start3A_375] : memref<10240x16xf32, #tpu.memory_space<hbm>> -> memref<10240x16xf32, #tpu.memory_space<hbm>>
    tpu.enqueue_indirect_dma source(%dma_start3A_376 : memref<10240x16xf32, #tpu.memory_space<hbm>>) target(%arg9 : memref<1000x16xf32, #tpu.memory_space<vmem>>) offsets(%dma_start3A_373 : memref<1000xi32, #tpu.memory_space<vmem>>) semaphore(%arg15 : memref<!tpu.dma_semaphore, #tpu.memory_space<semaphore_mem>>)
    %dma_wait3A_377 = arith.constant 6000 : i32
    %dma_wait3A_378 = tpu.memref_slice %arg5[%dma_wait3A_377] : memref<10000xi32, #tpu.memory_space<vmem>> -> memref<1000xi32, #tpu.memory_space<vmem>>
    %dma_wait3A_379 = arith.constant 0 : i32
    %dma_wait3A_380 = arith.constant 0 : i32
    %dma_wait3A_381 = tpu.memref_slice %arg3[%dma_wait3A_379, %dma_wait3A_380] : memref<10240x16xf32, #tpu.memory_space<hbm>> -> memref<10240x16xf32, #tpu.memory_space<hbm>>
    tpu.wait_indirect_dma semaphore(%arg13 : memref<!tpu.dma_semaphore, #tpu.memory_space<semaphore_mem>>) src(%dma_wait3A_381 : memref<10240x16xf32, #tpu.memory_space<hbm>>) dst(%arg7 : memref<1000x16xf32, #tpu.memory_space<vmem>>)
    %run_scoped3A_382 = arith.constant 6 : i32
    "tpu.region"() ({
      %run_scoped3A_411 = tpu.sem_alloc : memref<!tpu.dma_semaphore, #tpu.memory_space<semaphore_mem>>
      %dma_start3A_412 = arith.constant 0 : i32
      %dma_start3A_413 = tpu.memref_slice %arg6[%run_scoped3A_382, %dma_start3A_412] : memref<10x1000xi32, #tpu.memory_space<vmem>> -> memref<1x1000xi32, #tpu.memory_space<vmem>>
      %dma_start3A_414 = tpu.memref_squeeze %dma_start3A_413 : memref<1x1000xi32, #tpu.memory_space<vmem>> -> memref<1000xi32, #tpu.memory_space<vmem>>
      %dma_start3A_415 = arith.constant 0 : i32
      %dma_start3A_416 = arith.constant 0 : i32
      %dma_start3A_417 = tpu.memref_slice %arg11[%dma_start3A_415, %dma_start3A_416] : memref<10240x16xf32, #tpu.memory_space<vmem_shared>> -> memref<10240x16xf32, #tpu.memory_space<vmem_shared>>
      tpu.enqueue_indirect_dma source(%arg7 : memref<1000x16xf32, #tpu.memory_space<vmem>>) target(%dma_start3A_417 : memref<10240x16xf32, #tpu.memory_space<vmem_shared>>) offsets(%dma_start3A_414 : memref<1000xi32, #tpu.memory_space<vmem>>) semaphore(%run_scoped3A_411 : memref<!tpu.dma_semaphore, #tpu.memory_space<semaphore_mem>>) {add = true}
      %dma_wait3A_418 = arith.constant 0 : i32
      %dma_wait3A_419 = tpu.memref_slice %arg6[%run_scoped3A_382, %dma_wait3A_418] : memref<10x1000xi32, #tpu.memory_space<vmem>> -> memref<1x1000xi32, #tpu.memory_space<vmem>>
      %dma_wait3A_420 = tpu.memref_squeeze %dma_wait3A_419 : memref<1x1000xi32, #tpu.memory_space<vmem>> -> memref<1000xi32, #tpu.memory_space<vmem>>
      %dma_wait3A_421 = arith.constant 0 : i32
      %dma_wait3A_422 = arith.constant 0 : i32
      %dma_wait3A_423 = tpu.memref_slice %arg11[%dma_wait3A_421, %dma_wait3A_422] : memref<10240x16xf32, #tpu.memory_space<vmem_shared>> -> memref<10240x16xf32, #tpu.memory_space<vmem_shared>>
      tpu.wait_indirect_dma semaphore(%run_scoped3A_411 : memref<!tpu.dma_semaphore, #tpu.memory_space<semaphore_mem>>) src(%arg7 : memref<1000x16xf32, #tpu.memory_space<vmem>>) dst(%dma_wait3A_423 : memref<10240x16xf32, #tpu.memory_space<vmem_shared>>)
      tpu.yield
    }) : () -> ()
    %dma_start3A_383 = arith.constant 9000 : i32
    %dma_start3A_384 = tpu.memref_slice %arg5[%dma_start3A_383] : memref<10000xi32, #tpu.memory_space<vmem>> -> memref<1000xi32, #tpu.memory_space<vmem>>
    %dma_start3A_385 = arith.constant 0 : i32
    %dma_start3A_386 = arith.constant 0 : i32
    %dma_start3A_387 = tpu.memref_slice %arg3[%dma_start3A_385, %dma_start3A_386] : memref<10240x16xf32, #tpu.memory_space<hbm>> -> memref<10240x16xf32, #tpu.memory_space<hbm>>
    tpu.enqueue_indirect_dma source(%dma_start3A_387 : memref<10240x16xf32, #tpu.memory_space<hbm>>) target(%arg7 : memref<1000x16xf32, #tpu.memory_space<vmem>>) offsets(%dma_start3A_384 : memref<1000xi32, #tpu.memory_space<vmem>>) semaphore(%arg13 : memref<!tpu.dma_semaphore, #tpu.memory_space<semaphore_mem>>)
    %dma_wait3A_388 = arith.constant 7000 : i32
    %dma_wait3A_389 = tpu.memref_slice %arg5[%dma_wait3A_388] : memref<10000xi32, #tpu.memory_space<vmem>> -> memref<1000xi32, #tpu.memory_space<vmem>>
    %dma_wait3A_390 = arith.constant 0 : i32
    %dma_wait3A_391 = arith.constant 0 : i32
    %dma_wait3A_392 = tpu.memref_slice %arg3[%dma_wait3A_390, %dma_wait3A_391] : memref<10240x16xf32, #tpu.memory_space<hbm>> -> memref<10240x16xf32, #tpu.memory_space<hbm>>
    tpu.wait_indirect_dma semaphore(%arg14 : memref<!tpu.dma_semaphore, #tpu.memory_space<semaphore_mem>>) src(%dma_wait3A_392 : memref<10240x16xf32, #tpu.memory_space<hbm>>) dst(%arg8 : memref<1000x16xf32, #tpu.memory_space<vmem>>)
    %run_scoped3A_393 = arith.constant 7 : i32
    "tpu.region"() ({
      %run_scoped3A_411 = tpu.sem_alloc : memref<!tpu.dma_semaphore, #tpu.memory_space<semaphore_mem>>
      %dma_start3A_412 = arith.constant 0 : i32
      %dma_start3A_413 = tpu.memref_slice %arg6[%run_scoped3A_393, %dma_start3A_412] : memref<10x1000xi32, #tpu.memory_space<vmem>> -> memref<1x1000xi32, #tpu.memory_space<vmem>>
      %dma_start3A_414 = tpu.memref_squeeze %dma_start3A_413 : memref<1x1000xi32, #tpu.memory_space<vmem>> -> memref<1000xi32, #tpu.memory_space<vmem>>
      %dma_start3A_415 = arith.constant 0 : i32
      %dma_start3A_416 = arith.constant 0 : i32
      %dma_start3A_417 = tpu.memref_slice %arg11[%dma_start3A_415, %dma_start3A_416] : memref<10240x16xf32, #tpu.memory_space<vmem_shared>> -> memref<10240x16xf32, #tpu.memory_space<vmem_shared>>
      tpu.enqueue_indirect_dma source(%arg8 : memref<1000x16xf32, #tpu.memory_space<vmem>>) target(%dma_start3A_417 : memref<10240x16xf32, #tpu.memory_space<vmem_shared>>) offsets(%dma_start3A_414 : memref<1000xi32, #tpu.memory_space<vmem>>) semaphore(%run_scoped3A_411 : memref<!tpu.dma_semaphore, #tpu.memory_space<semaphore_mem>>) {add = true}
      %dma_wait3A_418 = arith.constant 0 : i32
      %dma_wait3A_419 = tpu.memref_slice %arg6[%run_scoped3A_393, %dma_wait3A_418] : memref<10x1000xi32, #tpu.memory_space<vmem>> -> memref<1x1000xi32, #tpu.memory_space<vmem>>
      %dma_wait3A_420 = tpu.memref_squeeze %dma_wait3A_419 : memref<1x1000xi32, #tpu.memory_space<vmem>> -> memref<1000xi32, #tpu.memory_space<vmem>>
      %dma_wait3A_421 = arith.constant 0 : i32
      %dma_wait3A_422 = arith.constant 0 : i32
      %dma_wait3A_423 = tpu.memref_slice %arg11[%dma_wait3A_421, %dma_wait3A_422] : memref<10240x16xf32, #tpu.memory_space<vmem_shared>> -> memref<10240x16xf32, #tpu.memory_space<vmem_shared>>
      tpu.wait_indirect_dma semaphore(%run_scoped3A_411 : memref<!tpu.dma_semaphore, #tpu.memory_space<semaphore_mem>>) src(%arg8 : memref<1000x16xf32, #tpu.memory_space<vmem>>) dst(%dma_wait3A_423 : memref<10240x16xf32, #tpu.memory_space<vmem_shared>>)
      tpu.yield
    }) : () -> ()
    %dma_wait3A_394 = arith.constant 8000 : i32
    %dma_wait3A_395 = tpu.memref_slice %arg5[%dma_wait3A_394] : memref<10000xi32, #tpu.memory_space<vmem>> -> memref<1000xi32, #tpu.memory_space<vmem>>
    %dma_wait3A_396 = arith.constant 0 : i32
    %dma_wait3A_397 = arith.constant 0 : i32
    %dma_wait3A_398 = tpu.memref_slice %arg3[%dma_wait3A_396, %dma_wait3A_397] : memref<10240x16xf32, #tpu.memory_space<hbm>> -> memref<10240x16xf32, #tpu.memory_space<hbm>>
    tpu.wait_indirect_dma semaphore(%arg15 : memref<!tpu.dma_semaphore, #tpu.memory_space<semaphore_mem>>) src(%dma_wait3A_398 : memref<10240x16xf32, #tpu.memory_space<hbm>>) dst(%arg9 : memref<1000x16xf32, #tpu.memory_space<vmem>>)
    %run_scoped3A_399 = arith.constant 8 : i32
    "tpu.region"() ({
      %run_scoped3A_411 = tpu.sem_alloc : memref<!tpu.dma_semaphore, #tpu.memory_space<semaphore_mem>>
      %dma_start3A_412 = arith.constant 0 : i32
      %dma_start3A_413 = tpu.memref_slice %arg6[%run_scoped3A_399, %dma_start3A_412] : memref<10x1000xi32, #tpu.memory_space<vmem>> -> memref<1x1000xi32, #tpu.memory_space<vmem>>
      %dma_start3A_414 = tpu.memref_squeeze %dma_start3A_413 : memref<1x1000xi32, #tpu.memory_space<vmem>> -> memref<1000xi32, #tpu.memory_space<vmem>>
      %dma_start3A_415 = arith.constant 0 : i32
      %dma_start3A_416 = arith.constant 0 : i32
      %dma_start3A_417 = tpu.memref_slice %arg11[%dma_start3A_415, %dma_start3A_416] : memref<10240x16xf32, #tpu.memory_space<vmem_shared>> -> memref<10240x16xf32, #tpu.memory_space<vmem_shared>>
      tpu.enqueue_indirect_dma source(%arg9 : memref<1000x16xf32, #tpu.memory_space<vmem>>) target(%dma_start3A_417 : memref<10240x16xf32, #tpu.memory_space<vmem_shared>>) offsets(%dma_start3A_414 : memref<1000xi32, #tpu.memory_space<vmem>>) semaphore(%run_scoped3A_411 : memref<!tpu.dma_semaphore, #tpu.memory_space<semaphore_mem>>) {add = true}
      %dma_wait3A_418 = arith.constant 0 : i32
      %dma_wait3A_419 = tpu.memref_slice %arg6[%run_scoped3A_399, %dma_wait3A_418] : memref<10x1000xi32, #tpu.memory_space<vmem>> -> memref<1x1000xi32, #tpu.memory_space<vmem>>
      %dma_wait3A_420 = tpu.memref_squeeze %dma_wait3A_419 : memref<1x1000xi32, #tpu.memory_space<vmem>> -> memref<1000xi32, #tpu.memory_space<vmem>>
      %dma_wait3A_421 = arith.constant 0 : i32
      %dma_wait3A_422 = arith.constant 0 : i32
      %dma_wait3A_423 = tpu.memref_slice %arg11[%dma_wait3A_421, %dma_wait3A_422] : memref<10240x16xf32, #tpu.memory_space<vmem_shared>> -> memref<10240x16xf32, #tpu.memory_space<vmem_shared>>
      tpu.wait_indirect_dma semaphore(%run_scoped3A_411 : memref<!tpu.dma_semaphore, #tpu.memory_space<semaphore_mem>>) src(%arg9 : memref<1000x16xf32, #tpu.memory_space<vmem>>) dst(%dma_wait3A_423 : memref<10240x16xf32, #tpu.memory_space<vmem_shared>>)
      tpu.yield
    }) : () -> ()
    %dma_wait3A_400 = arith.constant 9000 : i32
    %dma_wait3A_401 = tpu.memref_slice %arg5[%dma_wait3A_400] : memref<10000xi32, #tpu.memory_space<vmem>> -> memref<1000xi32, #tpu.memory_space<vmem>>
    %dma_wait3A_402 = arith.constant 0 : i32
    %dma_wait3A_403 = arith.constant 0 : i32
    %dma_wait3A_404 = tpu.memref_slice %arg3[%dma_wait3A_402, %dma_wait3A_403] : memref<10240x16xf32, #tpu.memory_space<hbm>> -> memref<10240x16xf32, #tpu.memory_space<hbm>>
    tpu.wait_indirect_dma semaphore(%arg13 : memref<!tpu.dma_semaphore, #tpu.memory_space<semaphore_mem>>) src(%dma_wait3A_404 : memref<10240x16xf32, #tpu.memory_space<hbm>>) dst(%arg7 : memref<1000x16xf32, #tpu.memory_space<vmem>>)
    %run_scoped3A_405 = arith.constant 9 : i32
    "tpu.region"() ({
      %run_scoped3A_411 = tpu.sem_alloc : memref<!tpu.dma_semaphore, #tpu.memory_space<semaphore_mem>>
      %dma_start3A_412 = arith.constant 0 : i32
      %dma_start3A_413 = tpu.memref_slice %arg6[%run_scoped3A_405, %dma_start3A_412] : memref<10x1000xi32, #tpu.memory_space<vmem>> -> memref<1x1000xi32, #tpu.memory_space<vmem>>
      %dma_start3A_414 = tpu.memref_squeeze %dma_start3A_413 : memref<1x1000xi32, #tpu.memory_space<vmem>> -> memref<1000xi32, #tpu.memory_space<vmem>>
      %dma_start3A_415 = arith.constant 0 : i32
      %dma_start3A_416 = arith.constant 0 : i32
      %dma_start3A_417 = tpu.memref_slice %arg11[%dma_start3A_415, %dma_start3A_416] : memref<10240x16xf32, #tpu.memory_space<vmem_shared>> -> memref<10240x16xf32, #tpu.memory_space<vmem_shared>>
      tpu.enqueue_indirect_dma source(%arg7 : memref<1000x16xf32, #tpu.memory_space<vmem>>) target(%dma_start3A_417 : memref<10240x16xf32, #tpu.memory_space<vmem_shared>>) offsets(%dma_start3A_414 : memref<1000xi32, #tpu.memory_space<vmem>>) semaphore(%run_scoped3A_411 : memref<!tpu.dma_semaphore, #tpu.memory_space<semaphore_mem>>) {add = true}
      %dma_wait3A_418 = arith.constant 0 : i32
      %dma_wait3A_419 = tpu.memref_slice %arg6[%run_scoped3A_405, %dma_wait3A_418] : memref<10x1000xi32, #tpu.memory_space<vmem>> -> memref<1x1000xi32, #tpu.memory_space<vmem>>
      %dma_wait3A_420 = tpu.memref_squeeze %dma_wait3A_419 : memref<1x1000xi32, #tpu.memory_space<vmem>> -> memref<1000xi32, #tpu.memory_space<vmem>>
      %dma_wait3A_421 = arith.constant 0 : i32
      %dma_wait3A_422 = arith.constant 0 : i32
      %dma_wait3A_423 = tpu.memref_slice %arg11[%dma_wait3A_421, %dma_wait3A_422] : memref<10240x16xf32, #tpu.memory_space<vmem_shared>> -> memref<10240x16xf32, #tpu.memory_space<vmem_shared>>
      tpu.wait_indirect_dma semaphore(%run_scoped3A_411 : memref<!tpu.dma_semaphore, #tpu.memory_space<semaphore_mem>>) src(%arg7 : memref<1000x16xf32, #tpu.memory_space<vmem>>) dst(%dma_wait3A_423 : memref<10240x16xf32, #tpu.memory_space<vmem_shared>>)
      tpu.yield
    }) : () -> ()
    %barrier3A_406 = arith.constant 0 : index
    tpu.barrier barrier_id(%barrier3A_406)
    %mul3A_407 = arith.constant 640 : i32
    %mul3A_408 = arith.muli %arg1, %mul3A_407 : i32
    %mul3A_409 = arith.constant 640 : i32
    %mul3A_410 = arith.muli %arg1, %mul3A_409 : i32
    "tpu.region"() ({
      %run_scoped3A_411 = tpu.sem_alloc : memref<!tpu.dma_semaphore, #tpu.memory_space<semaphore_mem>>
      %dma_start3A_412 = arith.constant 0 : i32
      %dma_start3A_413 = tpu.memref_slice %arg4[%arg0, %mul3A_410, %dma_start3A_412] : memref<2x10240x16xf32, #tpu.memory_space<hbm>> -> memref<1x640x16xf32, #tpu.memory_space<hbm>>
      %dma_start3A_414 = tpu.memref_squeeze %dma_start3A_413 : memref<1x640x16xf32, #tpu.memory_space<hbm>> -> memref<640x16xf32, #tpu.memory_space<hbm>>
      %dma_start3A_415 = arith.constant 0 : i32
      %dma_start3A_416 = tpu.memref_slice %arg11[%mul3A_408, %dma_start3A_415] : memref<10240x16xf32, #tpu.memory_space<vmem_shared>> -> memref<640x16xf32, #tpu.memory_space<vmem_shared>>
      tpu.enqueue_dma source(%dma_start3A_416 : memref<640x16xf32, #tpu.memory_space<vmem_shared>>) target(%dma_start3A_414 : memref<640x16xf32, #tpu.memory_space<hbm>>) target_semaphore(%run_scoped3A_411 : memref<!tpu.dma_semaphore, #tpu.memory_space<semaphore_mem>>)
      %dma_wait3A_417 = arith.constant 0 : i32
      %dma_wait3A_418 = tpu.memref_slice %arg4[%arg0, %mul3A_410, %dma_wait3A_417] : memref<2x10240x16xf32, #tpu.memory_space<hbm>> -> memref<1x640x16xf32, #tpu.memory_space<hbm>>
      %dma_wait3A_419 = tpu.memref_squeeze %dma_wait3A_418 : memref<1x640x16xf32, #tpu.memory_space<hbm>> -> memref<640x16xf32, #tpu.memory_space<hbm>>
      %dma_wait3A_420 = arith.constant 0 : i32
      %dma_wait3A_421 = tpu.memref_slice %arg11[%mul3A_408, %dma_wait3A_420] : memref<10240x16xf32, #tpu.memory_space<vmem_shared>> -> memref<640x16xf32, #tpu.memory_space<vmem_shared>>
      tpu.wait_dma2 semaphore(%run_scoped3A_411 : memref<!tpu.dma_semaphore, #tpu.memory_space<semaphore_mem>>) src(%dma_wait3A_421 : memref<640x16xf32, #tpu.memory_space<vmem_shared>>) dst(%dma_wait3A_419 : memref<640x16xf32, #tpu.memory_space<hbm>>)
      tpu.yield
    }) : () -> ()
    return
  }
}

module attributes {stable_mosaic.version = 14 : i64} {
  func.func @_tc_prep_body(%arg0: memref<2x10240xf32, #tpu.memory_space<vmem>>, %arg1: memref<2x80x128xf32, #tpu.memory_space<vmem>>, %arg2: memref<10000x128xf32, #tpu.memory_space<vmem>>, %arg3: memref<128x16xf32, #tpu.memory_space<vmem>>, %arg4: memref<80x128xf32, #tpu.memory_space<vmem>>, %arg5: memref<10240x16xf32, #tpu.memory_space<vmem>>) attributes {dimension_semantics = [], scalar_prefetch = 0 : i64, scratch_operands = 0 : i64, tpu.core_type = #tpu.core_type<tc>} {
    %get3A = arith.constant 0 : index
    %get3A_0 = arith.constant 0 : index
    %get3A_1 = vector.load %arg0[%get3A, %get3A_0] : memref<2x10240xf32, #tpu.memory_space<vmem>>, vector<1x10240xf32>
    %get3A_2 = arith.constant 1 : index
    %get3A_3 = arith.constant 0 : index
    %get3A_4 = vector.load %arg0[%get3A_2, %get3A_3] : memref<2x10240xf32, #tpu.memory_space<vmem>>, vector<1x10240xf32>
    %add3A = arith.addf %get3A_1, %get3A_4 : vector<1x10240xf32>
    %rsqrt3A = math.rsqrt %add3A : vector<1x10240xf32>
    %transpose3A = tpu.transpose %rsqrt3A, [1, 0] : vector<1x10240xf32> -> vector<10240x1xf32>
    %get3A_5 = arith.constant 0 : index
    %get3A_6 = arith.constant 0 : index
    %get3A_7 = vector.load %arg2[%get3A_5, %get3A_6] : memref<10000x128xf32, #tpu.memory_space<vmem>>, vector<10000x128xf32>
    %get3A_8 = arith.constant 0 : index
    %get3A_9 = arith.constant 0 : index
    %get3A_10 = vector.load %arg3[%get3A_8, %get3A_9] : memref<128x16xf32, #tpu.memory_space<vmem>>, vector<128x16xf32>
    %dot_general3A = arith.constant dense<0.000000e+00> : vector<10000x16xf32>
    %dot_general3A_11 = tpu.matmul %get3A_7, %get3A_10, %dot_general3A {dimension_numbers = #tpu.dot_dimension_numbers<[1], [0], [0], [1], [0, 0, 1, 1], [], []>, transpose_lhs_hint = false} : vector<10000x128xf32>, vector<128x16xf32>, vector<10000x16xf32> -> vector<10000x16xf32>
    %get3A_12 = arith.constant 0 : index
    %get3A_13 = arith.constant 0 : index
    %get3A_14 = arith.constant 0 : index
    %get3A_15 = vector.load %arg1[%get3A_12, %get3A_13, %get3A_14] : memref<2x80x128xf32, #tpu.memory_space<vmem>>, vector<1x80x128xf32>
    %get3A_16 = vector.shape_cast %get3A_15 : vector<1x80x128xf32> to vector<80x128xf32>
    %get3A_17 = arith.constant 1 : index
    %get3A_18 = arith.constant 0 : index
    %get3A_19 = arith.constant 0 : index
    %get3A_20 = vector.load %arg1[%get3A_17, %get3A_18, %get3A_19] : memref<2x80x128xf32, #tpu.memory_space<vmem>>, vector<1x80x128xf32>
    %get3A_21 = vector.shape_cast %get3A_20 : vector<1x80x128xf32> to vector<80x128xf32>
    %add3A_22 = arith.addf %get3A_16, %get3A_21 : vector<80x128xf32>
    %rsqrt3A_23 = math.rsqrt %add3A_22 : vector<80x128xf32>
    %swap3A = arith.constant 0 : index
    %swap3A_24 = arith.constant 0 : index
    %swap3A_25 = vector.load %arg4[%swap3A, %swap3A_24] : memref<80x128xf32, #tpu.memory_space<vmem>>, vector<80x128xf32>
    tpu.vector_store %arg4[%swap3A, %swap3A_24], %rsqrt3A_23 {strides = array<i32>} : memref<80x128xf32, #tpu.memory_space<vmem>>, vector<80x128xf32>,
    %slice3A = vector.extract_strided_slice %transpose3A {offsets = [0, 0], sizes = [10000, 1], strides = [1, 1]} : vector<10240x1xf32> to vector<10000x1xf32>
    %mul3A = vector.broadcast %slice3A : vector<10000x1xf32> to vector<10000x16xf32>
    %mul3A_26 = arith.mulf %dot_general3A_11, %mul3A : vector<10000x16xf32>
    %swap3A_27 = arith.constant 0 : index
    %swap3A_28 = arith.constant 0 : index
    %swap3A_29 = vector.load %arg5[%swap3A_27, %swap3A_28] : memref<10240x16xf32, #tpu.memory_space<vmem>>, vector<10000x16xf32>
    tpu.vector_store %arg5[%swap3A_27, %swap3A_28], %mul3A_26 {strides = array<i32>} : memref<10240x16xf32, #tpu.memory_space<vmem>>, vector<10000x16xf32>,
    %broadcast_in_dim3A = arith.constant 0.000000e+00 : f32
    %broadcast_in_dim3A_30 = vector.broadcast %broadcast_in_dim3A : f32 to vector<240x16xf32>
    %swap3A_31 = arith.constant 10000 : index
    %swap3A_32 = arith.constant 0 : index
    %swap3A_33 = vector.load %arg5[%swap3A_31, %swap3A_32] : memref<10240x16xf32, #tpu.memory_space<vmem>>, vector<240x16xf32>
    tpu.vector_store %arg5[%swap3A_31, %swap3A_32], %broadcast_in_dim3A_30 {strides = array<i32>} : memref<10240x16xf32, #tpu.memory_space<vmem>>, vector<240x16xf32>,
    return
  }
}

module attributes {stable_mosaic.version = 14 : i64} {
  func.func @_tc_mid_body(%arg0: memref<2x80x2048xf32, #tpu.memory_space<vmem>>, %arg1: memref<80x128xf32, #tpu.memory_space<vmem>>, %arg2: memref<1x16xf32, #tpu.memory_space<vmem>>, %arg3: memref<1x16xf32, #tpu.memory_space<vmem>>, %arg4: memref<80x128xf32, #tpu.memory_space<vmem>>) attributes {dimension_semantics = [], scalar_prefetch = 0 : i64, scratch_operands = 0 : i64, tpu.core_type = #tpu.core_type<tc>} {
    %iota3A = tpu.iota {dimensions = array<i32: 1>} : vector<128x2048xi32>
    %jit3A = arith.constant 16 : i32
    %div3A = vector.broadcast %jit3A : i32 to vector<128x2048xi32>
    %div3A_0 = arith.divsi %iota3A, %div3A : vector<128x2048xi32>
    %sign3A = arith.constant 0 : i32
    %sign3A_1 = vector.broadcast %sign3A : i32 to vector<128x2048xi32>
    %sign3A_2 = arith.cmpi sgt, %iota3A, %sign3A_1 : vector<128x2048xi32>
    %sign3A_3 = arith.extui %sign3A_2 : vector<128x2048xi1> to vector<128x2048xi32>
    %sign3A_4 = arith.constant 0 : i32
    %sign3A_5 = vector.broadcast %sign3A_4 : i32 to vector<128x2048xi32>
    %sign3A_6 = arith.cmpi slt, %iota3A, %sign3A_5 : vector<128x2048xi32>
    %sign3A_7 = arith.extui %sign3A_6 : vector<128x2048xi1> to vector<128x2048xi32>
    %sign3A_8 = arith.subi %sign3A_3, %sign3A_7 : vector<128x2048xi32>
    %sign3A_9 = arith.constant 0 : i32
    %sign3A_10 = arith.cmpi sgt, %jit3A, %sign3A_9 : i32
    %sign3A_11 = arith.extui %sign3A_10 : i1 to i32
    %sign3A_12 = arith.constant 0 : i32
    %sign3A_13 = arith.cmpi slt, %jit3A, %sign3A_12 : i32
    %sign3A_14 = arith.extui %sign3A_13 : i1 to i32
    %sign3A_15 = arith.subi %sign3A_11, %sign3A_14 : i32
    %ne3A = vector.broadcast %sign3A_15 : i32 to vector<128x2048xi32>
    %ne3A_16 = arith.cmpi ne, %sign3A_8, %ne3A : vector<128x2048xi32>
    %rem3A = vector.broadcast %jit3A : i32 to vector<128x2048xi32>
    %rem3A_17 = arith.remsi %iota3A, %rem3A : vector<128x2048xi32>
    %ne3A_18 = arith.constant 0 : i32
    %ne3A_19 = vector.broadcast %ne3A_18 : i32 to vector<128x2048xi32>
    %ne3A_20 = arith.cmpi ne, %rem3A_17, %ne3A_19 : vector<128x2048xi32>
    %and3A = arith.andi %ne3A_16, %ne3A_20 : vector<128x2048xi1>
    %sub3A = arith.constant 1 : i32
    %sub3A_21 = vector.broadcast %sub3A : i32 to vector<128x2048xi32>
    %sub3A_22 = arith.subi %div3A_0, %sub3A_21 : vector<128x2048xi32>
    %select_n3A = arith.select %and3A, %sub3A_22, %div3A_0 : vector<128x2048xi1>, vector<128x2048xi32>
    %iota3A_23 = tpu.iota {dimensions = array<i32: 0>} : vector<128x2048xi32>
    %eq3A = arith.cmpi eq, %select_n3A, %iota3A_23 : vector<128x2048xi32>
    %jit3A_24 = arith.constant 1.000000e+00 : f32
    %jit3A_25 = arith.constant 0.000000e+00 : f32
    %broadcast_in_dim3A = vector.broadcast %jit3A_24 : f32 to vector<128x2048xf32>
    %broadcast_in_dim3A_26 = vector.broadcast %jit3A_25 : f32 to vector<128x2048xf32>
    %select_n3A_27 = arith.select %eq3A, %broadcast_in_dim3A, %broadcast_in_dim3A_26 : vector<128x2048xi1>, vector<128x2048xf32>
    %iota3A_28 = tpu.iota {dimensions = array<i32: 1>} : vector<16x2048xi32>
    %jit3A_29 = arith.constant 16 : i32
    %eq3A_30 = arith.constant 0 : i32
    %eq3A_31 = arith.cmpi eq, %jit3A_29, %eq3A_30 : i32
    %jit3A_32 = arith.constant 1 : i32
    %select_n3A_33 = arith.select %eq3A_31, %jit3A_32, %jit3A_29 : i32
    %rem3A_34 = vector.broadcast %select_n3A_33 : i32 to vector<16x2048xi32>
    %rem3A_35 = arith.remsi %iota3A_28, %rem3A_34 : vector<16x2048xi32>
    %ne3A_36 = arith.constant 0 : i32
    %ne3A_37 = vector.broadcast %ne3A_36 : i32 to vector<16x2048xi32>
    %ne3A_38 = arith.cmpi ne, %rem3A_35, %ne3A_37 : vector<16x2048xi32>
    %lt3A = arith.constant 0 : i32
    %lt3A_39 = vector.broadcast %lt3A : i32 to vector<16x2048xi32>
    %lt3A_40 = arith.cmpi slt, %rem3A_35, %lt3A_39 : vector<16x2048xi32>
    %lt3A_41 = arith.constant 0 : i32
    %lt3A_42 = arith.cmpi slt, %select_n3A_33, %lt3A_41 : i32
    %ne3A_43 = vector.broadcast %lt3A_42 : i1 to vector<16x2048xi1>
    %ne3A_44 = vector.broadcast %ne3A_43 : vector<16x2048xi1> to vector<16x2048xi1>
    %ne3A_45 = arith.xori %lt3A_40, %ne3A_44 : vector<16x2048xi1>
    %and3A_46 = arith.andi %ne3A_45, %ne3A_38 : vector<16x2048xi1>
    %add3A = vector.broadcast %select_n3A_33 : i32 to vector<16x2048xi32>
    %add3A_47 = arith.addi %rem3A_35, %add3A : vector<16x2048xi32>
    %select_n3A_48 = arith.select %and3A_46, %add3A_47, %rem3A_35 : vector<16x2048xi1>, vector<16x2048xi32>
    %iota3A_49 = tpu.iota {dimensions = array<i32: 0>} : vector<16x2048xi32>
    %eq3A_50 = arith.cmpi eq, %select_n3A_48, %iota3A_49 : vector<16x2048xi32>
    %jit3A_51 = arith.constant 1.000000e+00 : f32
    %jit3A_52 = arith.constant 0.000000e+00 : f32
    %broadcast_in_dim3A_53 = vector.broadcast %jit3A_51 : f32 to vector<16x2048xf32>
    %broadcast_in_dim3A_54 = vector.broadcast %jit3A_52 : f32 to vector<16x2048xf32>
    %select_n3A_55 = arith.select %eq3A_50, %broadcast_in_dim3A_53, %broadcast_in_dim3A_54 : vector<16x2048xi1>, vector<16x2048xf32>
    %iota3A_56 = tpu.iota {dimensions = array<i32: 0>} : vector<2048x128xi32>
    %jit3A_57 = arith.constant 16 : i32
    %div3A_58 = vector.broadcast %jit3A_57 : i32 to vector<2048x128xi32>
    %div3A_59 = arith.divsi %iota3A_56, %div3A_58 : vector<2048x128xi32>
    %sign3A_60 = arith.constant 0 : i32
    %sign3A_61 = vector.broadcast %sign3A_60 : i32 to vector<2048x128xi32>
    %sign3A_62 = arith.cmpi sgt, %iota3A_56, %sign3A_61 : vector<2048x128xi32>
    %sign3A_63 = arith.extui %sign3A_62 : vector<2048x128xi1> to vector<2048x128xi32>
    %sign3A_64 = arith.constant 0 : i32
    %sign3A_65 = vector.broadcast %sign3A_64 : i32 to vector<2048x128xi32>
    %sign3A_66 = arith.cmpi slt, %iota3A_56, %sign3A_65 : vector<2048x128xi32>
    %sign3A_67 = arith.extui %sign3A_66 : vector<2048x128xi1> to vector<2048x128xi32>
    %sign3A_68 = arith.subi %sign3A_63, %sign3A_67 : vector<2048x128xi32>
    %sign3A_69 = arith.constant 0 : i32
    %sign3A_70 = arith.cmpi sgt, %jit3A_57, %sign3A_69 : i32
    %sign3A_71 = arith.extui %sign3A_70 : i1 to i32
    %sign3A_72 = arith.constant 0 : i32
    %sign3A_73 = arith.cmpi slt, %jit3A_57, %sign3A_72 : i32
    %sign3A_74 = arith.extui %sign3A_73 : i1 to i32
    %sign3A_75 = arith.subi %sign3A_71, %sign3A_74 : i32
    %ne3A_76 = vector.broadcast %sign3A_75 : i32 to vector<2048x128xi32>
    %ne3A_77 = arith.cmpi ne, %sign3A_68, %ne3A_76 : vector<2048x128xi32>
    %rem3A_78 = vector.broadcast %jit3A_57 : i32 to vector<2048x128xi32>
    %rem3A_79 = arith.remsi %iota3A_56, %rem3A_78 : vector<2048x128xi32>
    %ne3A_80 = arith.constant 0 : i32
    %ne3A_81 = vector.broadcast %ne3A_80 : i32 to vector<2048x128xi32>
    %ne3A_82 = arith.cmpi ne, %rem3A_79, %ne3A_81 : vector<2048x128xi32>
    %and3A_83 = arith.andi %ne3A_77, %ne3A_82 : vector<2048x128xi1>
    %sub3A_84 = arith.constant 1 : i32
    %sub3A_85 = vector.broadcast %sub3A_84 : i32 to vector<2048x128xi32>
    %sub3A_86 = arith.subi %div3A_59, %sub3A_85 : vector<2048x128xi32>
    %select_n3A_87 = arith.select %and3A_83, %sub3A_86, %div3A_59 : vector<2048x128xi1>, vector<2048x128xi32>
    %iota3A_88 = tpu.iota {dimensions = array<i32: 1>} : vector<2048x128xi32>
    %eq3A_89 = arith.cmpi eq, %select_n3A_87, %iota3A_88 : vector<2048x128xi32>
    %jit3A_90 = arith.constant 1.000000e+00 : f32
    %jit3A_91 = arith.constant 0.000000e+00 : f32
    %broadcast_in_dim3A_92 = vector.broadcast %jit3A_90 : f32 to vector<2048x128xf32>
    %broadcast_in_dim3A_93 = vector.broadcast %jit3A_91 : f32 to vector<2048x128xf32>
    %select_n3A_94 = arith.select %eq3A_89, %broadcast_in_dim3A_92, %broadcast_in_dim3A_93 : vector<2048x128xi1>, vector<2048x128xf32>
    %get3A = arith.constant 0 : index
    %get3A_95 = arith.constant 0 : index
    %get3A_96 = vector.load %arg1[%get3A, %get3A_95] : memref<80x128xf32, #tpu.memory_space<vmem>>, vector<80x128xf32>
    %dot_general3A = arith.constant dense<0.000000e+00> : vector<80x2048xf32>
    %dot_general3A_97 = tpu.matmul %get3A_96, %select_n3A_27, %dot_general3A {dimension_numbers = #tpu.dot_dimension_numbers<[1], [0], [0], [1], [0, 0, 1, 1], [], []>, transpose_lhs_hint = false} : vector<80x128xf32>, vector<128x2048xf32>, vector<80x2048xf32> -> vector<80x2048xf32>
    %get3A_98 = arith.constant 0 : index
    %get3A_99 = arith.constant 0 : index
    %get3A_100 = vector.load %arg2[%get3A_98, %get3A_99] : memref<1x16xf32, #tpu.memory_space<vmem>>, vector<1x16xf32>
    %dot_general3A_101 = arith.constant dense<0.000000e+00> : vector<1x2048xf32>
    %dot_general3A_102 = tpu.matmul %get3A_100, %select_n3A_55, %dot_general3A_101 {dimension_numbers = #tpu.dot_dimension_numbers<[1], [0], [0], [1], [0, 0, 1, 1], [], []>, transpose_lhs_hint = false} : vector<1x16xf32>, vector<16x2048xf32>, vector<1x2048xf32> -> vector<1x2048xf32>
    %get3A_103 = arith.constant 0 : index
    %get3A_104 = arith.constant 0 : index
    %get3A_105 = vector.load %arg3[%get3A_103, %get3A_104] : memref<1x16xf32, #tpu.memory_space<vmem>>, vector<1x16xf32>
    %dot_general3A_106 = arith.constant dense<0.000000e+00> : vector<1x2048xf32>
    %dot_general3A_107 = tpu.matmul %get3A_105, %select_n3A_55, %dot_general3A_106 {dimension_numbers = #tpu.dot_dimension_numbers<[1], [0], [0], [1], [0, 0, 1, 1], [], []>, transpose_lhs_hint = false} : vector<1x16xf32>, vector<16x2048xf32>, vector<1x2048xf32> -> vector<1x2048xf32>
    %get3A_108 = arith.constant 0 : index
    %get3A_109 = arith.constant 0 : index
    %get3A_110 = arith.constant 0 : index
    %get3A_111 = vector.load %arg0[%get3A_108, %get3A_109, %get3A_110] : memref<2x80x2048xf32, #tpu.memory_space<vmem>>, vector<1x80x2048xf32>
    %get3A_112 = vector.shape_cast %get3A_111 : vector<1x80x2048xf32> to vector<80x2048xf32>
    %get3A_113 = arith.constant 1 : index
    %get3A_114 = arith.constant 0 : index
    %get3A_115 = arith.constant 0 : index
    %get3A_116 = vector.load %arg0[%get3A_113, %get3A_114, %get3A_115] : memref<2x80x2048xf32, #tpu.memory_space<vmem>>, vector<1x80x2048xf32>
    %get3A_117 = vector.shape_cast %get3A_116 : vector<1x80x2048xf32> to vector<80x2048xf32>
    %add3A_118 = arith.addf %get3A_112, %get3A_117 : vector<80x2048xf32>
    %mul3A = arith.mulf %dot_general3A_97, %add3A_118 : vector<80x2048xf32>
    %add3A_119 = vector.broadcast %dot_general3A_102 : vector<1x2048xf32> to vector<80x2048xf32>
    %add3A_120 = arith.addf %mul3A, %add3A_119 : vector<80x2048xf32>
    %max3A = arith.constant 0.000000e+00 : f32
    %max3A_121 = vector.broadcast %max3A : f32 to vector<80x2048xf32>
    %max3A_122 = arith.maximumf %add3A_120, %max3A_121 : vector<80x2048xf32>
    %mul3A_123 = vector.broadcast %dot_general3A_107 : vector<1x2048xf32> to vector<80x2048xf32>
    %mul3A_124 = arith.mulf %max3A_122, %mul3A_123 : vector<80x2048xf32>
    %dot_general3A_125 = arith.constant dense<0.000000e+00> : vector<80x128xf32>
    %dot_general3A_126 = tpu.matmul %mul3A_124, %select_n3A_94, %dot_general3A_125 {dimension_numbers = #tpu.dot_dimension_numbers<[1], [0], [0], [1], [0, 0, 1, 1], [], []>, transpose_lhs_hint = false} : vector<80x2048xf32>, vector<2048x128xf32>, vector<80x128xf32> -> vector<80x128xf32>
    %mul3A_127 = arith.mulf %dot_general3A_126, %get3A_96 : vector<80x128xf32>
    %swap3A = arith.constant 0 : index
    %swap3A_128 = arith.constant 0 : index
    %swap3A_129 = vector.load %arg4[%swap3A, %swap3A_128] : memref<80x128xf32, #tpu.memory_space<vmem>>, vector<80x128xf32>
    tpu.vector_store %arg4[%swap3A, %swap3A_128], %mul3A_127 {strides = array<i32>} : memref<80x128xf32, #tpu.memory_space<vmem>>, vector<80x128xf32>,
    return
  }
}

module attributes {stable_mosaic.version = 14 : i64} {
  func.func @_tc_out_body(%arg0: memref<2x80x128xf32, #tpu.memory_space<vmem>>, %arg1: memref<80x128xf32, #tpu.memory_space<vmem>>, %arg2: memref<1x1xf32, #tpu.memory_space<vmem>>, %arg3: memref<1x1xf32, #tpu.memory_space<vmem>>, %arg4: memref<80x128xf32, #tpu.memory_space<vmem>>) attributes {dimension_semantics = [], scalar_prefetch = 0 : i64, scratch_operands = 0 : i64, tpu.core_type = #tpu.core_type<tc>} {
    %get3A = arith.constant 0 : index
    %get3A_0 = arith.constant 0 : index
    %get3A_1 = arith.constant 0 : index
    %get3A_2 = vector.load %arg0[%get3A, %get3A_0, %get3A_1] : memref<2x80x128xf32, #tpu.memory_space<vmem>>, vector<1x80x128xf32>
    %get3A_3 = vector.shape_cast %get3A_2 : vector<1x80x128xf32> to vector<80x128xf32>
    %get3A_4 = arith.constant 1 : index
    %get3A_5 = arith.constant 0 : index
    %get3A_6 = arith.constant 0 : index
    %get3A_7 = vector.load %arg0[%get3A_4, %get3A_5, %get3A_6] : memref<2x80x128xf32, #tpu.memory_space<vmem>>, vector<1x80x128xf32>
    %get3A_8 = vector.shape_cast %get3A_7 : vector<1x80x128xf32> to vector<80x128xf32>
    %add3A = arith.addf %get3A_3, %get3A_8 : vector<80x128xf32>
    %get3A_9 = arith.constant 0 : index
    %get3A_10 = arith.constant 0 : index
    %get3A_11 = vector.load %arg1[%get3A_9, %get3A_10] : memref<80x128xf32, #tpu.memory_space<vmem>>, vector<80x128xf32>
    %mul3A = arith.mulf %get3A_11, %add3A : vector<80x128xf32>
    %get3A_12 = arith.constant 0 : index
    %get3A_13 = arith.constant 0 : index
    %get3A_14 = vector.load %arg3[%get3A_12, %get3A_13] : memref<1x1xf32, #tpu.memory_space<vmem>>, vector<1x1xf32>
    %get3A_15 = vector.extract %get3A_14[0, 0] : f32 from vector<1x1xf32>
    %add3A_16 = vector.broadcast %get3A_15 : f32 to vector<80x128xf32>
    %add3A_17 = arith.addf %mul3A, %add3A_16 : vector<80x128xf32>
    %get3A_18 = arith.constant 0 : index
    %get3A_19 = arith.constant 0 : index
    %get3A_20 = vector.load %arg2[%get3A_18, %get3A_19] : memref<1x1xf32, #tpu.memory_space<vmem>>, vector<1x1xf32>
    %get3A_21 = vector.extract %get3A_20[0, 0] : f32 from vector<1x1xf32>
    %mul3A_22 = vector.broadcast %get3A_21 : f32 to vector<80x128xf32>
    %mul3A_23 = arith.mulf %add3A_17, %mul3A_22 : vector<80x128xf32>
    %swap3A = arith.constant 0 : index
    %swap3A_24 = arith.constant 0 : index
    %swap3A_25 = vector.load %arg4[%swap3A, %swap3A_24] : memref<80x128xf32, #tpu.memory_space<vmem>>, vector<80x128xf32>
    tpu.vector_store %arg4[%swap3A, %swap3A_24], %mul3A_23 {strides = array<i32>} : memref<80x128xf32, #tpu.memory_space<vmem>>, vector<80x128xf32>,
    return
  }
}

</mosaic_0001>

<sc_bundles>
// kernel: kernel.11.cloned.1.call-start
scs
__scs_entry_jumppad:
0x0: {  	(pc) =	sbr.rel $0x88, $3  }
0x1: {  	(tag) =	ssettag $0x0;
	lr =	simm.s32 $0x1  }
0x2: {  	[smem:$0x3F9A] =	sst lr;
	_ =	strace $0xD0000000  }
0x3: {  	_ = 	snop  }
0x4: {  	_ = 	snop  }
0x5: {  	_ = 	snop  }
0x6: {  	_ = 	snop  }
0x7: {  	_ = 	snop  }
__scs_overlays_trampoline_lowered:
0x8: {  	[smem:$0x3FA9] =	sst s0  }
0x9: {  	[smem:$0x3FAA] =	sst s1  }
0xa: {  	[smem:$0x3FAB] =	sst s2  }
0xb: {  	[smem:$0x3FAC] =	sst s3  }
0xc: {  	[smem:$0x3FAD] =	sst s4  }
0xd: {  	[smem:$0x3FAE] =	sst s5  }
0xe: {  	[smem:$0x3FAF] =	sst s6  }
0xf: {  	[smem:$0x3FB0] =	sst s7  }
0x10: {  	[smem:$0x3FB1] =	sst s8  }
0x11: {  	[smem:$0x3FB2] =	sst s9;
	s0 =	simm.s32 @!p0 $0x0  }
0x12: {  	s1 =	sld [smem:$0x3F98];
	s0 =	simm.s32 @p0 $0x1  }
0x13: {  	[smem:$0x3FB3] =	sst s0;
	s0 =	simm.s32 @!p1 $0x0  }
0x14: {  	s2 =	sld [smem:$0x3F97];
	s0 =	simm.s32 @p1 $0x1  }
0x15: {  	[smem:$0x3FB4] =	sst s0;
	s0 =	simm.s32 @!p2 $0x0  }
0x16: {  	s3 =	sld [smem:$0x3FDB];
	s0 =	simm.s32 @p2 $0x1  }
0x17: {  	s4 =	simm.s32 $0x1BF5;
	[smem:$0x3FB6] =	sst s0  }
0x18: {  	s0 =	sld [smem:$0x3F99];
	_ =	swait.ge [sflag:s4], $0x0  }
0x19: {  	s7 =	sld [smem:$0x3F9A]  }
0x1a: {  	s8 =	sadd.s32 $0xFFFFE003, lr  }
0x1b: {  	s9 =	sadd.s32 $0xFFFFFEF7, lr;
	s5 =	simm.s32 $0xFFFFFFFF;
	p2 =	slt.u32 s8, $0xFFFFF086  }
0x1c: {  	p1 =	slt.u32 s9, $0xF7A;
	s5 =	simm.s32 @!p2 $0x0  }
0x1d: {  	s5 =	simm.s32 @p1 $0x1;
	p0 =	seq.s32 s7, s2  }
0x1e: {  	s7 =	smul.u32 @!p0 $0xF7A, s2;
	p2 =	seq.s32 @!p0 s5, $0x0  }
0x1f: {  	s9 =	smul.u32 $0xF7A, s1;
	s8 =	simm.s32 @!p0 $0x1BF5;
	p2 =	por !p2, p0  }
0x20: {  	[sflag:s8] =	ssyncset.s32 @!p0 $0xFFFFF086;
	s6 =	sadd.s32 @!p0 s3, s7;
	s7 =	simm.s32 @!p0 $0x108  }
0x21: {  	s3 =	sadd.s32 s3, s9;
	s6 =	sadd.s32 @!p0 $0x88, s6;
	s7 =	simm.s32 @p2 $0x1082  }
0x22: {  	[simem:s7], [sflag:s8] =	dma.local @!p0 [hbm:s6], $0xF7A  }
0x23: {  	s9 =	sor.u32 $0xD0000000, s2;
	s6 =	simm.s32 $0x108;
	_ =	swait.ge @!p0 [sflag:s8], $0x0  }
0x24: {  	s3 =	sadd.s32 $0x88, s3;
	s6 =	simm.s32 @!p1 $0x1082;
	[sflag:s4] =	ssyncset.s32 $0xFFFFF086  }
0x25: {  	[simem:s6], [sflag:s4] =	dma.local [hbm:s3], $0xF7A  }
0x26: {  	[smem:$0x3F9A] =	sst s1;
	(tag) =	ssettag s2;
	_ =	strace s9  }
0x27: {  	s1 =	sld [smem:$0x3FAA]  }
0x28: {  	s2 =	sld [smem:$0x3FAB]  }
0x29: {  	s4 =	sld [smem:$0x3FAD]  }
0x2a: {  	p0 =	seq.s32 s5, $0x0;
	s5 =	sld [smem:$0x3FAE]  }
0x2b: {  	s6 =	sld [smem:$0x3FAF]  }
0x2c: {  	s7 =	sld [smem:$0x3FB0]  }
0x2d: {  	s3 =	simm.s32 $0x108;
	s8 =	sld [smem:$0x3FB1]  }
0x2e: {  	s3 =	simm.s32 @!p0 $0x1082;
	s9 =	sld [smem:$0x3FB2]  }
0x2f: {  	lr =	sadd.s32 s0, s3;
	s0 =	sld [smem:$0x3FA9]  }
0x30: {  	s3 =	sld [smem:$0x3FAC]  }
0x31: {  	[smem:$0x3FB5] =	sst s10  }
0x32: {  	s10 =	sld [smem:$0x3FB3];
	_ =	sdelay $0x3  }
0x33: {  	p0 =	seq.s32 s10, $0x1;
	s10 =	sld [smem:$0x3FB5];
	_ =	sdelay $0x3  }
0x34: {  	[smem:$0x3FB5] =	sst s10  }
0x35: {  	s10 =	sld [smem:$0x3FB4];
	_ =	sdelay $0x3  }
0x36: {  	p1 =	seq.s32 s10, $0x1;
	s10 =	sld [smem:$0x3FB5];
	_ =	sdelay $0x3  }
0x37: {  	[smem:$0x3FB5] =	sst s10  }
0x38: {  	s10 =	sld [smem:$0x3FB6]  }
0x39: {  	_ = 	snop;
	(pc) =	sbr.ind lr, $3  }
0x3a: {  	_ = 	snop  }
0x3b: {  	_ = 	snop  }
0x3c: {  	p2 =	seq.s32 s10, $0x1;
	s10 =	sld [smem:$0x3FB5]  }
0x3d: {  	_ =	shalt  }
0x3e: {  	_ =	shalt  }
0x3f: {  	_ =	shalt  }
0x40: {  	_ =	shalt  }
0x41: {  	_ =	shalt  }
0x42: {  	_ =	shalt  }
0x43: {  	_ =	shalt  }
0x44: {  	_ =	shalt  }
0x45: {  	_ =	shalt  }
0x46: {  	_ =	shalt  }
0x47: {  	_ =	shalt  }
0x48: {  	_ =	shalt  }
0x49: {  	_ =	shalt  }
0x4a: {  	_ =	shalt  }
0x4b: {  	_ =	shalt  }
0x4c: {  	_ =	shalt  }
0x4d: {  	_ =	shalt  }
0x4e: {  	_ =	shalt  }
0x4f: {  	_ =	shalt  }
0x50: {  	_ =	shalt  }
0x51: {  	_ =	shalt  }
0x52: {  	_ =	shalt  }
0x53: {  	_ =	shalt  }
0x54: {  	_ =	shalt  }
0x55: {  	_ =	shalt  }
0x56: {  	_ =	shalt  }
0x57: {  	_ =	shalt  }
0x58: {  	_ =	shalt  }
0x59: {  	_ =	shalt  }
0x5a: {  	_ =	shalt  }
0x5b: {  	_ =	shalt  }
0x5c: {  	_ =	shalt  }
0x5d: {  	_ =	shalt  }
0x5e: {  	_ =	shalt  }
0x5f: {  	_ =	shalt  }
0x60: {  	_ =	shalt  }
0x61: {  	_ =	shalt  }
0x62: {  	_ =	shalt  }
0x63: {  	_ =	shalt  }
0x64: {  	_ =	shalt  }
0x65: {  	_ =	shalt  }
0x66: {  	_ =	shalt  }
0x67: {  	_ =	shalt  }
0x68: {  	_ =	shalt  }
0x69: {  	_ =	shalt  }
0x6a: {  	_ =	shalt  }
0x6b: {  	_ =	shalt  }
0x6c: {  	_ =	shalt  }
0x6d: {  	_ =	shalt  }
0x6e: {  	_ =	shalt  }
0x6f: {  	_ =	shalt  }
0x70: {  	_ =	shalt  }
0x71: {  	_ =	shalt  }
0x72: {  	_ =	shalt  }
0x73: {  	_ =	shalt  }
0x74: {  	_ =	shalt  }
0x75: {  	_ =	shalt  }
0x76: {  	_ =	shalt  }
0x77: {  	_ =	shalt  }
0x78: {  	_ =	shalt  }
0x79: {  	_ =	shalt  }
0x7a: {  	_ =	shalt  }
0x7b: {  	_ =	shalt  }
0x7c: {  	_ =	shalt  }
0x7d: {  	_ =	shalt  }
0x7e: {  	_ =	shalt  }
0x7f: {  	_ =	shalt  }
0x80: {  	_ =	shalt  }
0x81: {  	_ =	shalt  }
0x82: {  	_ =	shalt  }
0x83: {  	_ =	shalt  }
0x84: {  	_ =	shalt  }
0x85: {  	_ =	shalt  }
0x86: {  	_ =	shalt  }
0x87: {  	_ =	shalt  }
.Lfunc_end0:
.L_simem_size_0:
called_computation.1_lowered:
.L_overlay_start_0:
0x88: {  	s2 =	sld [smem:$0x3FD9]  }
0x89: {  	s3 =	sld [smem:$0x3FFE];
	_ =	sdelay $0x1  }
0x8a: {  	s1 =	srdreg.scid  }
0x8b: {  	s0 =	sand.u32 $0x1, s1  }
0x8c: {  	s16 =	sshll.u32 s0, $0xA;
	s2 =	sadd.s32 s3, s2  }
0x8d: {  	s2 =	sadd.s32 s2, s16  }
0x8e: {  	[smem:$0x3FC1] =	sst s2  }
0x8f: {  	_ = 	snop  }
0x90: {  	(tm) =	ssettm $0x1  }
0x91: {  	s17 =	sld [smem:$0x3FFB];
	_ =	sdelay $0x3  }
0x92: {  	_ =	strace s17  }
0x93: {  	s2 =	sld [smem:$0x3FFC];
	_ =	sdelay $0x3  }
0x94: {  	_ =	strace s2  }
0x95: {  	s2 =	sld [smem:$0x3FFD];
	_ =	sdelay $0x3  }
0x96: {  	_ =	strace s2  }
0x97: {  	_ =	strace $0x8FFFFFFF  }
0x98: {  	s18 =	sld [smem:$0x3FDB];
	_ =	sdelay $0x1  }
0x99: {  	s19 =	simm.s32 $_scs_section_size  }
0x9a: {  	s4 =	simm.s32 $_size__tile_overlayer_lowered;
	s5 =	simm.s32 $_tile_overlayer_lowered  }
0x9b: {  	s22 =	simm.s32 $0x1BFF;
	s21 =	sshll.u32 s5, $0x1;
	s2 =	sadd.s32 s19, s18  }
0x9c: {  	s6 =	simm.s32 $0x0;
	s20 =	sshll.u32 s4, $0x1;
	s4 =	sadd.s32 s21, s2  }
0x9d: {  	[timem:s6], [sflag:s22] =	dma.local [hbm:s4], s20  }
0x9e: {  	_ =	swait.ge [sflag:s22], s20  }
0x9f: {  	s3 =	ssub.s32 $0x0, s20;
	[sflag:s22] =	ssyncset.done $0x0  }
0xa0: {  	[sflag:s22] =	ssyncadd.s32 s3;
	_ =	sdelay $0x1  }
0xa1: {  	s23 =	simm.s32 $0x1B8B  }
0xa2: {  	_ =	swait.ge [sflag:s23], $0x1  }
0xa3: {  	[sflag:s23] =	ssyncset.done $0x0  }
0xa4: {  	s25 =	simm.s32 $0x1B8E;
	s24 =	sld [smem:$0x3FFE];
	[sflag:s23] =	ssyncadd.s32 $0xFFFFFFFF  }
0xa5: {  	s26 =	simm.s32 $execute0_lowered;
	[smem:$0x3FD2] =	sst s25  }
0xa6: {  	s4 =	sshll.u32 s26, $0x1;
	_ =	strace $0x80000049;
	[dreg:$0x1] =	wrdreg $0xFFFFFFFF  }
0xa7: {  	s28 =	simm.s32 $_size_execute0_lowered;
	s2 =	sadd.s32 s2, s4;
	[dreg:$0x0] =	wrdreg $0x0  }
0xa8: {  	s4 =	sshll.u32 s28, $0x1;
	[dreg:$0x2] =	wrdreg s2  }
0xa9: {  	[dreg:$0x3] =	wrdreg s4  }
0xaa: {  	[dreg:$0x4] =	wrdreg $0xC0  }
0xab: {  	_ =	task [dreg:s6], $0x5FFFF  }
0xac: {  	[dreg:$0x1] =	wrdreg $0xFFFFFFFF  }
0xad: {  	[dreg:$0x0] =	wrdreg $0x60  }
0xae: {  	[dreg:$0x2] =	wrdreg s24  }
0xaf: {  	[dreg:$0x3] =	wrdreg $0x10DA00  }
0xb0: {  	[dreg:$0x4] =	wrdreg $0x9  }
0xb1: {  	_ =	task.clear_ibuf [dreg:s6], $0x5FFFF;
	_ =	strace $0x90000049  }
0xb2: {  	s29 =	simm.s32 $0x9;
	_ =	strace $0x8000004B  }
0xb3: {  	_ =	swait.ge [sflag:s29], $0x1  }
0xb4: {  	[sflag:s29] =	ssyncadd.s32 $0xFFFFFFFF  }
0xb5: {  	_ =	strace $0x9000004B  }
0xb6: {  	_ =	sfence  }
0xb7: {  	s30 =	sld [smem:$0x0];
	_ =	sdelay $0x2  }
0xb8: {  	s31 =	sshll.u32 s1, $0xD;
	s1 =	sshrl.u32 s1, $0x2  }
0xb9: {  	s3 =	sand.u32 $0x4000, s31;
	s1 =	sadd.s32 s1, s30  }
0xba: {  	s0 =	sor.u32 s3, s0;
	s1 =	sshll.u32 s1, $0x11  }
0xbb: {  	s0 =	sor.u32 s1, s0  }
0xbc: {  	s0 =	sadd.s32 $0x8F2B, s0  }
0xbd: {  	[sflag:s0] =	ssyncadd.remote.s32 $0x1  }
0xbe: {  	_ =	sfence.sel $0xFFFF  }
0xbf: {  	[dreg:$0x0] =	wrdreg $0xFFFFFFFF;
	(pc) =	sbr.abs _section_cstart, $3  }
0xc0: {  	[dreg:$0x1] =	wrdreg $0xFFFFFFFF  }
0xc1: {  	_ =	task.clear_ibuf [dreg:s6], $0x2FFFF;
	_ =	strace $0x9FFFFFFF  }
0xc2: {  	(tm) =	ssettm $0x7FFFFFFF  }
0xc3: {  	_ =	shalt  }
tec
execute0_lowered:
.L_overlay_start_1:
0x0: {  	(tag) =	ssettag $0x1  }
0x1: {  	s0 =	rddreg [dreg:$0x0]  }
0x2: {  	s2 =	rddreg [dreg:$0x1]  }
0x3: {  	s1 =	srdreg.scid;
	s12 =	stileid.u32  }
0x4: {  	s3 =	simm.s32 $0x0;
	s31 =	simm.s32 $0x2710;
	s28 =	simm.s32 $0x4E20  }
0x5: {  	s29 =	simm.s32 $0x5;
	s30 =	simm.s32 $0x1;
	s6 =	smul.u32 $0x2800, s12  }
0x6: {  	s1 =	sand.u32 $0x1, s1;
	[smem:$0x7FF] =	sst s3;
	s23 =	smul.u32 $0xA000, s12  }
0x7: {  	s5 =	sshll.u32 s12, $0x1;
	s7 =	sadd.s32 $0x2200, s0;
	s4 =	smul.u32 $0x28000, s1  }
0x8: {  	_ =	strace $0x8000004A;
	s5 =	sor.u32 s1, s5;
	s13 =	ssub.s32 $0x2, s1  }
0x9: {  	p0 =	sne.s32 s1, $0x0;
	s1 =	simm.s32 $0x2EE0;
	s9 =	smul.u32 $0x2710, s5  }
0xa: {  	s14 =	sshrl.u32 s13, $0x1;
	s25 =	sshrl.u32 s23, $0x2;
	s26 =	sshrl.u32 s6, $0x3  }
0xb: {  	s8 =	sadd.s32 s6, s4;
	s4 =	sadd.s32 $0x15C00, s0;
	s12 =	sadd.s32 s25, s2  }
0xc: {  	s11 =	sshrl.u32 s8, $0x3;
	s10 =	sshrl.u32 s9, $0x3;
	s8 =	ssub.s32 s13, s14  }
0xd: {  	s15 =	sadd.s32 $0x4E5E8, s9;
	s16 =	sadd.s32 $0x4EDB8, s9;
	s18 =	sadd.s32 $0x4F588, s9  }
0xe: {  	s21 =	sadd.s32 $0x4FD58, s9;
	s9 =	sadd.s32 $0x50528, s9;
	s14 =	sadd.s32 $0x400, s12  }
0xf: {  	s23 =	sadd.s32 $0x1800, s12;
	s25 =	sadd.s32 $0x2000, s12;
	[dreg:$0xc] =	wrdreg s12  }
0x10: {  	s0 =	sadd.s32 s11, s0;
	s5 =	sadd.s32 s7, s10;
	[dreg:$0xe] =	wrdreg s14  }
0x11: {  	s10 =	sshrl.u32 s15, $0x3;
	s17 =	sshrl.u32 s16, $0x3;
	[dreg:$0x13] =	wrdreg s23  }
0x12: {  	s19 =	sshrl.u32 s18, $0x3;
	s16 =	sadd.s32 $0x800, s12;
	[dreg:$0x15] =	wrdreg s25  }
0x13: {  	s9 =	sshrl.u32 s9, $0x3;
	s11 =	sadd.s32 $0x9C40, s5;
	[dreg:$0xf] =	wrdreg s16  }
0x14: {  	s18 =	sadd.s32 s6, s2;
	s10 =	sadd.s32 s7, s10;
	[dreg:$0x3] =	wrdreg s11  }
0x15: {  	s23 =	simm.s32 $0x3E80;
	s13 =	sadd.s32 $0x9D3A, s5;
	[dreg:$0x4] =	wrdreg s10  }
0x16: {  	s25 =	simm.s32 $0x4650;
	s20 =	sadd.s32 $0x9E34, s5;
	[dreg:$0x5] =	wrdreg s13  }
0x17: {  	s6 =	simm.s32 $0x8CA0;
	s22 =	sadd.s32 $0x9F2E, s5;
	[dreg:$0x7] =	wrdreg s20  }
0x18: {  	s24 =	sadd.s32 $0xA028, s5;
	s15 =	sadd.s32 s7, s9;
	[dreg:$0x9] =	wrdreg s22  }
0x19: {  	s16 =	simm.s32 $0x3E8;
	s10 =	sadd.s32 s7, s17;
	[dreg:$0xb] =	wrdreg s24  }
0x1a: {  	s9 =	simm.s32 $0x3;
	s13 =	sadd.s32 s4, s26;
	[dreg:$0x6] =	wrdreg s10  }
0x1b: {  	s20 =	smax.u32 s8, $0x1;
	s17 =	sadd.s32 $0xC00, s12;
	[dreg:$0xd] =	wrdreg s13  }
0x1c: {  	s22 =	sadd.s32 $0x1400, s12;
	s24 =	sadd.s32 $0x1C00, s12;
	[dreg:$0x10] =	wrdreg s17  }
0x1d: {  	s26 =	sadd.s32 $0x2400, s12;
	s8 =	simm.s32 $0x2;
	[dreg:$0x12] =	wrdreg s22  }
0x1e: {  	s11 =	simm.s32 $0x109A0;
	s10 =	sadd.s32 s7, s19;
	[dreg:$0x14] =	wrdreg s24  }
0x1f: {  	s19 =	sadd.s32 $0x1AC00, s0;
	[dreg:$0x16] =	wrdreg s26;
	s0 =	simm.s32 $0x2AF8  }
.Ltmp0:
0x20: {  	s17 =	simm.s32 $0x32C8;
	s22 =	simm.s32 $0x3A98;
	(pc) =	sbr.rel .LBB2_1-.Ltmp0, $4  }
0x21: {  	s24 =	simm.s32 $0x4268;
	s26 =	simm.s32 $0x4A38;
	[dreg:$0x8] =	wrdreg s10  }
0x22: {  	s10 =	sshrl.u32 s21, $0x3;
	s21 =	sadd.s32 $0x1000, s12;
	s12 =	simm.s32 $0x0  }
0x23: {  	s10 =	sadd.s32 s7, s10;
	[dreg:$0x11] =	wrdreg s21;
	s21 =	simm.s32 $0x36B0  }
0x24: {  	v0 =	vimm.f32 $0.0e+00;
	s7 =	simm.s32 $0xCB20;
	[dreg:$0xa] =	wrdreg s10;
	s10 =	simm.s32 $0x4  }
.LBB2_2:
0x25: {  	s13 =	rddreg [dreg:$0xd]  }
0x26: {  	[tilespmem:s28], [sflag:$0x5] =	stream.linear.gather [hbm4b:s13+s3], $0x2800, $0x38;
	[tilespmem:$0x135A0] =	vst v63  }
0x27: {  	_ =	swait.ge [sflag:s29], $0x2800  }
0x28: {  	[sflag:s29] =	ssyncset.done $0x0  }
0x29: {  	[sflag:s29] =	ssyncadd.s32 $0xFFFFD800  }
0x2a: {  	[spmem:s18] =	stream.linear.scatter [tilespmem:s28], [sflag:$0x5], $0x2800, $0x38;
	[tilespmem:$0x135A0] =	vst v63  }
0x2b: {  	_ =	swait.ge [sflag:s29], $0x2800  }
0x2c: {  	[sflag:s29] =	ssyncset.done $0x0  }
0x2d: {  	[sflag:s29] =	ssyncadd.s32 $0xFFFFD800  }
.LBB2_6:
0x2e: {  	_ =	swait.ge [sflag:s30], $0x2710  }
0x2f: {  	[sflag:s30] =	ssyncset.done $0x0  }
0x30: {  	[sflag:s30] =	ssyncadd.s32 $0xFFFFD8F0  }
0x31: {  	_ =	swait.ge [sflag:s30], $0x3E8  }
0x32: {  	[sflag:s30] =	ssyncset.done $0x0  }
0x33: {  	[sflag:s30] =	ssyncadd.s32 $0xFFFFFC18  }
0x34: {  	_ =	swait.ge [sflag:s30], $0x3E8  }
0x35: {  	[sflag:s30] =	ssyncset.done $0x0  }
0x36: {  	[sflag:s30] =	ssyncadd.s32 $0xFFFFFC18  }
0x37: {  	_ =	swait.ge [sflag:s30], $0x3E8  }
0x38: {  	[sflag:s30] =	ssyncset.done $0x0  }
0x39: {  	[sflag:s30] =	ssyncadd.s32 $0xFFFFFC18  }
0x3a: {  	_ =	swait.ge [sflag:s30], $0x3E8  }
0x3b: {  	[sflag:s30] =	ssyncset.done $0x0  }
0x3c: {  	[sflag:s30] =	ssyncadd.s32 $0xFFFFFC18  }
0x3d: {  	_ =	swait.ge [sflag:s30], $0x3E8  }
0x3e: {  	[sflag:s30] =	ssyncset.done $0x0  }
0x3f: {  	[sflag:s30] =	ssyncadd.s32 $0xFFFFFC18  }
0x40: {  	_ =	swait.ge [sflag:s30], $0x3E8  }
0x41: {  	[sflag:s30] =	ssyncset.done $0x0  }
0x42: {  	[sflag:s30] =	ssyncadd.s32 $0xFFFFFC18  }
0x43: {  	_ =	swait.ge [sflag:s30], $0x3E8  }
0x44: {  	[sflag:s30] =	ssyncset.done $0x0  }
0x45: {  	[sflag:s30] =	ssyncadd.s32 $0xFFFFFC18  }
0x46: {  	_ =	swait.ge [sflag:s30], $0x3E8  }
0x47: {  	[sflag:s30] =	ssyncset.done $0x0  }
0x48: {  	[sflag:s30] =	ssyncadd.s32 $0xFFFFFC18  }
0x49: {  	_ =	swait.ge [sflag:s30], $0x3E8  }
0x4a: {  	[sflag:s30] =	ssyncset.done $0x0  }
0x4b: {  	[sflag:s30] =	ssyncadd.s32 $0xFFFFFC18  }
0x4c: {  	_ =	swait.ge [sflag:s30], $0x3E8  }
0x4d: {  	[sflag:s30] =	ssyncset.done $0x0  }
0x4e: {  	[sflag:s30] =	ssyncadd.s32 $0xFFFFFC18  }
0x4f: {  	[bflag:$0x0] =	sbarrier.arrive $0xFFFF  }
0x50: {  	[tilespmem:s28], [sflag:$0x2] =	stream.indirect.gather [hbm4b:s4+s16], $0x10, s3, s16, $0xb8;
	[tilespmem:$0x135A0] =	vst v63  }
0x51: {  	_ = 	snop  }
0x52: {  	[tilespmem:s6], [sflag:$0x3] =	stream.indirect.gather [hbm4b:s4+s16], $0x10, s16, s16, $0xb8;
	[tilespmem:$0x135A0] =	vst v63  }
0x53: {  	s13 =	simm.s32 $0x7D0  }
0x54: {  	[tilespmem:s7], [sflag:$0x4] =	stream.indirect.gather [hbm4b:s4+s16], $0x10, s13, s16, $0xb8;
	[tilespmem:$0x135A0] =	vst v63  }
0x55: {  	_ =	swait.ge [sflag:s8], $0x3E80  }
0x56: {  	[sflag:s8] =	ssyncset.done $0x0  }
0x57: {  	[sflag:s8] =	ssyncadd.s32 $0xFFFFC180  }
0x58: {  	[spmem:s2] =	stream.indirect.scatter.add.f32 [tilespmem:s28], [sflag:$0x5], $0x10, s31, s16, $0xb8;
	[tilespmem:$0x135A0] =	vst v63  }
0x59: {  	_ =	swait.ge [sflag:s29], $0x3E80  }
0x5a: {  	[sflag:s29] =	ssyncset.done $0x0  }
0x5b: {  	s14 =	simm.s32 $0xBB8;
	[sflag:s29] =	ssyncadd.s32 $0xFFFFC180  }
0x5c: {  	[tilespmem:s28], [sflag:$0x2] =	stream.indirect.gather [hbm4b:s4+s16], $0x10, s14, s16, $0xb8;
	[tilespmem:$0x135A0] =	vst v63  }
0x5d: {  	_ =	swait.ge [sflag:s9], $0x3E80  }
0x5e: {  	[sflag:s9] =	ssyncset.done $0x0  }
0x5f: {  	[sflag:s9] =	ssyncadd.s32 $0xFFFFC180  }
0x60: {  	[spmem:s2] =	stream.indirect.scatter.add.f32 [tilespmem:s6], [sflag:$0x5], $0x10, s0, s16, $0xb8;
	[tilespmem:$0x135A0] =	vst v63  }
0x61: {  	_ =	swait.ge [sflag:s29], $0x3E80  }
0x62: {  	[sflag:s29] =	ssyncset.done $0x0  }
0x63: {  	s14 =	simm.s32 $0xFA0;
	[sflag:s29] =	ssyncadd.s32 $0xFFFFC180  }
0x64: {  	[tilespmem:s6], [sflag:$0x3] =	stream.indirect.gather [hbm4b:s4+s16], $0x10, s14, s16, $0xb8;
	[tilespmem:$0x135A0] =	vst v63  }
0x65: {  	_ =	swait.ge [sflag:s10], $0x3E80  }
0x66: {  	[sflag:s10] =	ssyncset.done $0x0  }
0x67: {  	[sflag:s10] =	ssyncadd.s32 $0xFFFFC180  }
0x68: {  	[spmem:s2] =	stream.indirect.scatter.add.f32 [tilespmem:s7], [sflag:$0x5], $0x10, s1, s16, $0xb8;
	[tilespmem:$0x135A0] =	vst v63  }
0x69: {  	_ =	swait.ge [sflag:s29], $0x3E80  }
0x6a: {  	[sflag:s29] =	ssyncset.done $0x0  }
0x6b: {  	s14 =	simm.s32 $0x1388;
	[sflag:s29] =	ssyncadd.s32 $0xFFFFC180  }
0x6c: {  	[tilespmem:s7], [sflag:$0x4] =	stream.indirect.gather [hbm4b:s4+s16], $0x10, s14, s16, $0xb8;
	[tilespmem:$0x135A0] =	vst v63  }
0x6d: {  	_ =	swait.ge [sflag:s8], $0x3E80  }
0x6e: {  	[sflag:s8] =	ssyncset.done $0x0  }
0x6f: {  	[sflag:s8] =	ssyncadd.s32 $0xFFFFC180  }
0x70: {  	[spmem:s2] =	stream.indirect.scatter.add.f32 [tilespmem:s28], [sflag:$0x5], $0x10, s17, s16, $0xb8;
	[tilespmem:$0x135A0] =	vst v63  }
0x71: {  	_ =	swait.ge [sflag:s29], $0x3E80  }
0x72: {  	[sflag:s29] =	ssyncset.done $0x0  }
0x73: {  	s14 =	simm.s32 $0x1770;
	[sflag:s29] =	ssyncadd.s32 $0xFFFFC180  }
0x74: {  	[tilespmem:s28], [sflag:$0x2] =	stream.indirect.gather [hbm4b:s4+s16], $0x10, s14, s16, $0xb8;
	[tilespmem:$0x135A0] =	vst v63  }
0x75: {  	_ =	swait.ge [sflag:s9], $0x3E80  }
0x76: {  	[sflag:s9] =	ssyncset.done $0x0  }
0x77: {  	[sflag:s9] =	ssyncadd.s32 $0xFFFFC180  }
0x78: {  	[spmem:s2] =	stream.indirect.scatter.add.f32 [tilespmem:s6], [sflag:$0x5], $0x10, s21, s16, $0xb8;
	[tilespmem:$0x135A0] =	vst v63  }
0x79: {  	_ =	swait.ge [sflag:s29], $0x3E80  }
0x7a: {  	[sflag:s29] =	ssyncset.done $0x0  }
0x7b: {  	s14 =	simm.s32 $0x1B58;
	[sflag:s29] =	ssyncadd.s32 $0xFFFFC180  }
0x7c: {  	[tilespmem:s6], [sflag:$0x3] =	stream.indirect.gather [hbm4b:s4+s16], $0x10, s14, s16, $0xb8;
	[tilespmem:$0x135A0] =	vst v63  }
0x7d: {  	_ =	swait.ge [sflag:s10], $0x3E80  }
0x7e: {  	[sflag:s10] =	ssyncset.done $0x0  }
0x7f: {  	[sflag:s10] =	ssyncadd.s32 $0xFFFFC180  }
0x80: {  	[spmem:s2] =	stream.indirect.scatter.add.f32 [tilespmem:s7], [sflag:$0x5], $0x10, s22, s16, $0xb8;
	[tilespmem:$0x135A0] =	vst v63  }
0x81: {  	_ =	swait.ge [sflag:s29], $0x3E80  }
0x82: {  	[sflag:s29] =	ssyncset.done $0x0  }
0x83: {  	s14 =	simm.s32 $0x1F40;
	[sflag:s29] =	ssyncadd.s32 $0xFFFFC180  }
0x84: {  	[tilespmem:s7], [sflag:$0x4] =	stream.indirect.gather [hbm4b:s4+s16], $0x10, s14, s16, $0xb8;
	[tilespmem:$0x135A0] =	vst v63  }
0x85: {  	_ =	swait.ge [sflag:s8], $0x3E80  }
0x86: {  	[sflag:s8] =	ssyncset.done $0x0  }
0x87: {  	[sflag:s8] =	ssyncadd.s32 $0xFFFFC180  }
0x88: {  	[spmem:s2] =	stream.indirect.scatter.add.f32 [tilespmem:s28], [sflag:$0x5], $0x10, s23, s16, $0xb8;
	[tilespmem:$0x135A0] =	vst v63  }
0x89: {  	_ =	swait.ge [sflag:s29], $0x3E80  }
0x8a: {  	[sflag:s29] =	ssyncset.done $0x0  }
0x8b: {  	s14 =	simm.s32 $0x2328;
	[sflag:s29] =	ssyncadd.s32 $0xFFFFC180  }
0x8c: {  	[tilespmem:s28], [sflag:$0x2] =	stream.indirect.gather [hbm4b:s4+s16], $0x10, s14, s16, $0xb8;
	[tilespmem:$0x135A0] =	vst v63  }
0x8d: {  	_ =	swait.ge [sflag:s9], $0x3E80  }
0x8e: {  	[sflag:s9] =	ssyncset.done $0x0  }
0x8f: {  	[sflag:s9] =	ssyncadd.s32 $0xFFFFC180  }
0x90: {  	[spmem:s2] =	stream.indirect.scatter.add.f32 [tilespmem:s6], [sflag:$0x5], $0x10, s24, s16, $0xb8;
	[tilespmem:$0x135A0] =	vst v63  }
0x91: {  	_ =	swait.ge [sflag:s29], $0x3E80  }
0x92: {  	[sflag:s29] =	ssyncset.done $0x0  }
0x93: {  	[sflag:s29] =	ssyncadd.s32 $0xFFFFC180  }
0x94: {  	_ =	swait.ge [sflag:s10], $0x3E80  }
0x95: {  	[sflag:s10] =	ssyncset.done $0x0  }
0x96: {  	[sflag:s10] =	ssyncadd.s32 $0xFFFFC180  }
0x97: {  	[spmem:s2] =	stream.indirect.scatter.add.f32 [tilespmem:s7], [sflag:$0x5], $0x10, s25, s16, $0xb8;
	[tilespmem:$0x135A0] =	vst v63  }
0x98: {  	_ =	swait.ge [sflag:s29], $0x3E80  }
0x99: {  	[sflag:s29] =	ssyncset.done $0x0  }
0x9a: {  	[sflag:s29] =	ssyncadd.s32 $0xFFFFC180  }
0x9b: {  	_ =	swait.ge [sflag:s8], $0x3E80  }
0x9c: {  	[sflag:s8] =	ssyncset.done $0x0  }
0x9d: {  	[sflag:s8] =	ssyncadd.s32 $0xFFFFC180  }
0x9e: {  	[spmem:s2] =	stream.indirect.scatter.add.f32 [tilespmem:s28], [sflag:$0x5], $0x10, s26, s16, $0xb8;
	[tilespmem:$0x135A0] =	vst v63  }
0x9f: {  	s12 =	sadd.s32 $0x1, s12;
	_ =	swait.ge [sflag:s29], $0x3E80  }
0xa0: {  	p1 =	sne.s32 s12, s20;
	s14 =	stileid.u32;
	[sflag:s29] =	ssyncset.done $0x0  }
0xa1: {  	s13 =	sshll.u32 s14, $0x6;
	s14 =	sshrl.u32 s18, $0x3;
	[sflag:s29] =	ssyncadd.s32 $0xFFFFC180  }
.Ltmp1:
0xa2: {  	s13 =	sor.u32 $0x1C05, s13;
	[bflag:$0x0] =	sbarrier.arrive $0xFFFF;
	(pc) =	sbr.rel @!p1 .LBB2_7-.Ltmp1, $4  }
0xa3: {  	[hbm:s19], [sflag:s13] =	dma.local [spmem:s14], $0x500  }
0xa4: {  	_ =	swait.ge [sflag:s29], $0x500  }
0xa5: {  	[sflag:s29] =	ssyncset.done $0x0  }
0xa6: {  	[sflag:s29] =	ssyncadd.s32 $0xFFFFFB00  }
.LBB2_1:
0xa7: {  	[tilespmem:s3], [sflag:$0x1] =	stream.linear.gather [hbm4b:s5+s3], $0x2710, $0x38;
	[tilespmem:$0x135A0] =	vst v63  }
0xa8: {  	s13 =	rddreg [dreg:$0x3]  }
0xa9: {  	[tilespmem:s31], [sflag:$0x1] =	stream.linear.gather [hbm4b:s13+s3], $0x3E8, $0x38;
	[tilespmem:$0x135A0] =	vst v63  }
0xaa: {  	s14 =	rddreg [dreg:$0x4]  }
0xab: {  	[tilespmem:s0], [sflag:$0x1] =	stream.linear.gather [hbm4b:s14+s3], $0x3E8, $0x38;
	[tilespmem:$0x135A0] =	vst v63  }
0xac: {  	s14 =	rddreg [dreg:$0x5]  }
0xad: {  	[tilespmem:s1], [sflag:$0x1] =	stream.linear.gather [hbm4b:s14+s3], $0x3E8, $0x38;
	[tilespmem:$0x135A0] =	vst v63  }
0xae: {  	s14 =	rddreg [dreg:$0x6]  }
0xaf: {  	[tilespmem:s17], [sflag:$0x1] =	stream.linear.gather [hbm4b:s14+s3], $0x3E8, $0x38;
	[tilespmem:$0x135A0] =	vst v63  }
0xb0: {  	s14 =	rddreg [dreg:$0x7]  }
0xb1: {  	[tilespmem:s21], [sflag:$0x1] =	stream.linear.gather [hbm4b:s14+s3], $0x3E8, $0x38;
	[tilespmem:$0x135A0] =	vst v63  }
0xb2: {  	s14 =	rddreg [dreg:$0x8]  }
0xb3: {  	[tilespmem:s22], [sflag:$0x1] =	stream.linear.gather [hbm4b:s14+s3], $0x3E8, $0x38;
	[tilespmem:$0x135A0] =	vst v63  }
0xb4: {  	s14 =	rddreg [dreg:$0x9]  }
0xb5: {  	[tilespmem:s23], [sflag:$0x1] =	stream.linear.gather [hbm4b:s14+s3], $0x3E8, $0x38;
	[tilespmem:$0x135A0] =	vst v63  }
0xb6: {  	s14 =	rddreg [dreg:$0xa]  }
0xb7: {  	[tilespmem:s24], [sflag:$0x1] =	stream.linear.gather [hbm4b:s14+s3], $0x3E8, $0x38;
	[tilespmem:$0x135A0] =	vst v63  }
.Ltmp2:
0xb8: {  	_ = 	snop;
	(pc) =	sbr.rel @!p0 .LBB2_2-.Ltmp2, $4  }
0xb9: {  	s14 =	rddreg [dreg:$0xb]  }
0xba: {  	[tilespmem:s25], [sflag:$0x1] =	stream.linear.gather [hbm4b:s14+s3], $0x3E8, $0x38;
	[tilespmem:$0x135A0] =	vst v63  }
0xbb: {  	_ = 	snop  }
0xbc: {  	[tilespmem:s26], [sflag:$0x1] =	stream.linear.gather [hbm4b:s15+s3], $0x3E8, $0x38;
	[tilespmem:$0x135A0] =	vst v63  }
0xbd: {  	s13 =	simm.s32 $0x40;
	s14 =	simm.s32 $0x0  }
.LBB2_4:
0xbe: {  	p1 =	seq.s32 s13, $0xFC0;
	[tilespmem:s14+$0x109A0] =	vst v0;
	s14 =	smov.u32 s13;
	s13 =	sadd.s32 $0x40, s13  }
.Ltmp3:
0xbf: {  	(pc) =	sbr.rel @!p1 .LBB2_4-.Ltmp3, $2  }
0xc0: {  	_ =	sdelay $0x2  }
0xc1: {  	s14 =	sshra.s32 s14, $0x2  }
0xc2: {  	[tilespmem:s14+$0x109A0] =	vst v0;
	s13 =	rddreg [dreg:$0xc]  }
0xc3: {  	[spmem:s13] =	stream.linear.scatter [tilespmem:s11], [sflag:$0x5], $0x400, $0x38;
	[tilespmem:$0x135A0] =	vst v63  }
0xc4: {  	_ =	swait.ge [sflag:s29], $0x400  }
0xc5: {  	[sflag:s29] =	ssyncset.done $0x0  }
0xc6: {  	s14 =	rddreg [dreg:$0xe];
	[sflag:s29] =	ssyncadd.s32 $0xFFFFFC00  }
0xc7: {  	[spmem:s14] =	stream.linear.scatter [tilespmem:s11], [sflag:$0x5], $0x400, $0x38;
	[tilespmem:$0x135A0] =	vst v63  }
0xc8: {  	_ =	swait.ge [sflag:s29], $0x400  }
0xc9: {  	[sflag:s29] =	ssyncset.done $0x0  }
0xca: {  	s14 =	rddreg [dreg:$0xf];
	[sflag:s29] =	ssyncadd.s32 $0xFFFFFC00  }
0xcb: {  	[spmem:s14] =	stream.linear.scatter [tilespmem:s11], [sflag:$0x5], $0x400, $0x38;
	[tilespmem:$0x135A0] =	vst v63  }
0xcc: {  	_ =	swait.ge [sflag:s29], $0x400  }
0xcd: {  	[sflag:s29] =	ssyncset.done $0x0  }
0xce: {  	s14 =	rddreg [dreg:$0x10];
	[sflag:s29] =	ssyncadd.s32 $0xFFFFFC00  }
0xcf: {  	[spmem:s14] =	stream.linear.scatter [tilespmem:s11], [sflag:$0x5], $0x400, $0x38;
	[tilespmem:$0x135A0] =	vst v63  }
0xd0: {  	_ =	swait.ge [sflag:s29], $0x400  }
0xd1: {  	[sflag:s29] =	ssyncset.done $0x0  }
0xd2: {  	s14 =	rddreg [dreg:$0x11];
	[sflag:s29] =	ssyncadd.s32 $0xFFFFFC00  }
0xd3: {  	[spmem:s14] =	stream.linear.scatter [tilespmem:s11], [sflag:$0x5], $0x400, $0x38;
	[tilespmem:$0x135A0] =	vst v63  }
0xd4: {  	_ =	swait.ge [sflag:s29], $0x400  }
0xd5: {  	[sflag:s29] =	ssyncset.done $0x0  }
0xd6: {  	s14 =	rddreg [dreg:$0x12];
	[sflag:s29] =	ssyncadd.s32 $0xFFFFFC00  }
0xd7: {  	[spmem:s14] =	stream.linear.scatter [tilespmem:s11], [sflag:$0x5], $0x400, $0x38;
	[tilespmem:$0x135A0] =	vst v63  }
0xd8: {  	_ =	swait.ge [sflag:s29], $0x400  }
0xd9: {  	[sflag:s29] =	ssyncset.done $0x0  }
0xda: {  	s14 =	rddreg [dreg:$0x13];
	[sflag:s29] =	ssyncadd.s32 $0xFFFFFC00  }
0xdb: {  	[spmem:s14] =	stream.linear.scatter [tilespmem:s11], [sflag:$0x5], $0x400, $0x38;
	[tilespmem:$0x135A0] =	vst v63  }
0xdc: {  	_ =	swait.ge [sflag:s29], $0x400  }
0xdd: {  	[sflag:s29] =	ssyncset.done $0x0  }
0xde: {  	s14 =	rddreg [dreg:$0x14];
	[sflag:s29] =	ssyncadd.s32 $0xFFFFFC00  }
0xdf: {  	[spmem:s14] =	stream.linear.scatter [tilespmem:s11], [sflag:$0x5], $0x400, $0x38;
	[tilespmem:$0x135A0] =	vst v63  }
0xe0: {  	_ =	swait.ge [sflag:s29], $0x400  }
0xe1: {  	[sflag:s29] =	ssyncset.done $0x0  }
0xe2: {  	s14 =	rddreg [dreg:$0x15];
	[sflag:s29] =	ssyncadd.s32 $0xFFFFFC00  }
0xe3: {  	[spmem:s14] =	stream.linear.scatter [tilespmem:s11], [sflag:$0x5], $0x400, $0x38;
	[tilespmem:$0x135A0] =	vst v63  }
0xe4: {  	_ =	swait.ge [sflag:s29], $0x400  }
0xe5: {  	[sflag:s29] =	ssyncset.done $0x0  }
.Ltmp4:
0xe6: {  	s14 =	rddreg [dreg:$0x16];
	[sflag:s29] =	ssyncadd.s32 $0xFFFFFC00;
	(pc) =	sbr.rel .LBB2_6-.Ltmp4, $4  }
0xe7: {  	[spmem:s14] =	stream.linear.scatter [tilespmem:s11], [sflag:$0x5], $0x400, $0x38;
	[tilespmem:$0x135A0] =	vst v63  }
0xe8: {  	_ =	swait.ge [sflag:s29], $0x400  }
0xe9: {  	[sflag:s29] =	ssyncset.done $0x0  }
0xea: {  	[sflag:s29] =	ssyncadd.s32 $0xFFFFFC00  }
.LBB2_7:
0xeb: {  	_ =	sfence.sel $0x180000  }
0xec: {  	[bflag:$0x0] =	sbarrier.arrive $0xFFFF  }
0xed: {  	_ =	strace $0x9000004A  }
0xee: {  	s0 =	stileid.u32;
	[bflag:$0x2] =	sbarrier.arrive $0xFFFF  }
0xef: {  	p0 =	sne.s32 s0, $0x0;
	s0 =	rddreg [dreg:$0x2]  }
0xf0: {  	s0 =	sadd.s32 @!p0 $0x100000, s0  }
0xf1: {  	[sflag:s0] =	ssyncadd.tile.s32 @!p0 $0x1;
	_ =	shalt  }
.Lfunc_end2:
_tile_overlayer_lowered:
.L_overlay_start_2:
0xf2: {  	(tag) =	ssettag $0x2  }
0xf3: {  	s0 =	rddreg [dreg:$0x0];
	s2 =	stileid.u32  }
0xf4: {  	s1 =	rddreg [dreg:$0x1];
	p0 =	sne.s32 s2, $0x0  }
0xf5: {  	s3 =	rddreg [dreg:$0x2];
	[bflag:$0x3] =	sbarrier.arrive $0xFFFF;
	s2 =	simm.s32 @!p0 $0x1C05  }
0xf6: {  	[timem:s3], [sflag:s2] =	dma.local @!p0 [hbm:s0], s1  }
0xf7: {  	s0 =	simm.s32 @!p0 $0x5  }
0xf8: {  	_ =	swait.ge @!p0 [sflag:s0], s1  }
0xf9: {  	s1 =	ssub.s32 @!p0 $0x0, s1;
	[sflag:s0] =	ssyncset.done @!p0 $0x0  }
0xfa: {  	[sflag:s0] =	ssyncadd.s32 @!p0 s1  }
0xfb: {  	[bflag:$0x3] =	sbarrier.arrive $0xFFFF  }
0xfc: {  	_ =	shalt  }

// kernel: kernel.14.cloned.1.call-start
scs
__scs_entry_jumppad:
0x0: {  	(pc) =	sbr.rel $0x88, $3  }
0x1: {  	(tag) =	ssettag $0x0;
	lr =	simm.s32 $0x1  }
0x2: {  	[smem:$0x3F9A] =	sst lr;
	_ =	strace $0xD0000000  }
0x3: {  	_ = 	snop  }
0x4: {  	_ = 	snop  }
0x5: {  	_ = 	snop  }
0x6: {  	_ = 	snop  }
0x7: {  	_ = 	snop  }
__scs_overlays_trampoline_lowered:
0x8: {  	[smem:$0x3FA9] =	sst s0  }
0x9: {  	[smem:$0x3FAA] =	sst s1  }
0xa: {  	[smem:$0x3FAB] =	sst s2  }
0xb: {  	[smem:$0x3FAC] =	sst s3  }
0xc: {  	[smem:$0x3FAD] =	sst s4  }
0xd: {  	[smem:$0x3FAE] =	sst s5  }
0xe: {  	[smem:$0x3FAF] =	sst s6  }
0xf: {  	[smem:$0x3FB0] =	sst s7  }
0x10: {  	[smem:$0x3FB1] =	sst s8  }
0x11: {  	[smem:$0x3FB2] =	sst s9;
	s0 =	simm.s32 @!p0 $0x0  }
0x12: {  	s1 =	sld [smem:$0x3F98];
	s0 =	simm.s32 @p0 $0x1  }
0x13: {  	[smem:$0x3FB3] =	sst s0;
	s0 =	simm.s32 @!p1 $0x0  }
0x14: {  	s2 =	sld [smem:$0x3F97];
	s0 =	simm.s32 @p1 $0x1  }
0x15: {  	[smem:$0x3FB4] =	sst s0;
	s0 =	simm.s32 @!p2 $0x0  }
0x16: {  	s3 =	sld [smem:$0x3FDB];
	s0 =	simm.s32 @p2 $0x1  }
0x17: {  	s4 =	simm.s32 $0x1BF5;
	[smem:$0x3FB6] =	sst s0  }
0x18: {  	s0 =	sld [smem:$0x3F99];
	_ =	swait.ge [sflag:s4], $0x0  }
0x19: {  	s7 =	sld [smem:$0x3F9A]  }
0x1a: {  	s8 =	sadd.s32 $0xFFFFE003, lr  }
0x1b: {  	s9 =	sadd.s32 $0xFFFFFEF7, lr;
	s5 =	simm.s32 $0xFFFFFFFF;
	p2 =	slt.u32 s8, $0xFFFFF086  }
0x1c: {  	p1 =	slt.u32 s9, $0xF7A;
	s5 =	simm.s32 @!p2 $0x0  }
0x1d: {  	s5 =	simm.s32 @p1 $0x1;
	p0 =	seq.s32 s7, s2  }
0x1e: {  	s7 =	smul.u32 @!p0 $0xF7A, s2;
	p2 =	seq.s32 @!p0 s5, $0x0  }
0x1f: {  	s9 =	smul.u32 $0xF7A, s1;
	s8 =	simm.s32 @!p0 $0x1BF5;
	p2 =	por !p2, p0  }
0x20: {  	[sflag:s8] =	ssyncset.s32 @!p0 $0xFFFFF086;
	s6 =	sadd.s32 @!p0 s3, s7;
	s7 =	simm.s32 @!p0 $0x108  }
0x21: {  	s3 =	sadd.s32 s3, s9;
	s6 =	sadd.s32 @!p0 $0x88, s6;
	s7 =	simm.s32 @p2 $0x1082  }
0x22: {  	[simem:s7], [sflag:s8] =	dma.local @!p0 [hbm:s6], $0xF7A  }
0x23: {  	s9 =	sor.u32 $0xD0000000, s2;
	s6 =	simm.s32 $0x108;
	_ =	swait.ge @!p0 [sflag:s8], $0x0  }
0x24: {  	s3 =	sadd.s32 $0x88, s3;
	s6 =	simm.s32 @!p1 $0x1082;
	[sflag:s4] =	ssyncset.s32 $0xFFFFF086  }
0x25: {  	[simem:s6], [sflag:s4] =	dma.local [hbm:s3], $0xF7A  }
0x26: {  	[smem:$0x3F9A] =	sst s1;
	(tag) =	ssettag s2;
	_ =	strace s9  }
0x27: {  	s1 =	sld [smem:$0x3FAA]  }
0x28: {  	s2 =	sld [smem:$0x3FAB]  }
0x29: {  	s4 =	sld [smem:$0x3FAD]  }
0x2a: {  	p0 =	seq.s32 s5, $0x0;
	s5 =	sld [smem:$0x3FAE]  }
0x2b: {  	s6 =	sld [smem:$0x3FAF]  }
0x2c: {  	s7 =	sld [smem:$0x3FB0]  }
0x2d: {  	s3 =	simm.s32 $0x108;
	s8 =	sld [smem:$0x3FB1]  }
0x2e: {  	s3 =	simm.s32 @!p0 $0x1082;
	s9 =	sld [smem:$0x3FB2]  }
0x2f: {  	lr =	sadd.s32 s0, s3;
	s0 =	sld [smem:$0x3FA9]  }
0x30: {  	s3 =	sld [smem:$0x3FAC]  }
0x31: {  	[smem:$0x3FB5] =	sst s10  }
0x32: {  	s10 =	sld [smem:$0x3FB3];
	_ =	sdelay $0x3  }
0x33: {  	p0 =	seq.s32 s10, $0x1;
	s10 =	sld [smem:$0x3FB5];
	_ =	sdelay $0x3  }
0x34: {  	[smem:$0x3FB5] =	sst s10  }
0x35: {  	s10 =	sld [smem:$0x3FB4];
	_ =	sdelay $0x3  }
0x36: {  	p1 =	seq.s32 s10, $0x1;
	s10 =	sld [smem:$0x3FB5];
	_ =	sdelay $0x3  }
0x37: {  	[smem:$0x3FB5] =	sst s10  }
0x38: {  	s10 =	sld [smem:$0x3FB6]  }
0x39: {  	_ = 	snop;
	(pc) =	sbr.ind lr, $3  }
0x3a: {  	_ = 	snop  }
0x3b: {  	_ = 	snop  }
0x3c: {  	p2 =	seq.s32 s10, $0x1;
	s10 =	sld [smem:$0x3FB5]  }
0x3d: {  	_ =	shalt  }
0x3e: {  	_ =	shalt  }
0x3f: {  	_ =	shalt  }
0x40: {  	_ =	shalt  }
0x41: {  	_ =	shalt  }
0x42: {  	_ =	shalt  }
0x43: {  	_ =	shalt  }
0x44: {  	_ =	shalt  }
0x45: {  	_ =	shalt  }
0x46: {  	_ =	shalt  }
0x47: {  	_ =	shalt  }
0x48: {  	_ =	shalt  }
0x49: {  	_ =	shalt  }
0x4a: {  	_ =	shalt  }
0x4b: {  	_ =	shalt  }
0x4c: {  	_ =	shalt  }
0x4d: {  	_ =	shalt  }
0x4e: {  	_ =	shalt  }
0x4f: {  	_ =	shalt  }
0x50: {  	_ =	shalt  }
0x51: {  	_ =	shalt  }
0x52: {  	_ =	shalt  }
0x53: {  	_ =	shalt  }
0x54: {  	_ =	shalt  }
0x55: {  	_ =	shalt  }
0x56: {  	_ =	shalt  }
0x57: {  	_ =	shalt  }
0x58: {  	_ =	shalt  }
0x59: {  	_ =	shalt  }
0x5a: {  	_ =	shalt  }
0x5b: {  	_ =	shalt  }
0x5c: {  	_ =	shalt  }
0x5d: {  	_ =	shalt  }
0x5e: {  	_ =	shalt  }
0x5f: {  	_ =	shalt  }
0x60: {  	_ =	shalt  }
0x61: {  	_ =	shalt  }
0x62: {  	_ =	shalt  }
0x63: {  	_ =	shalt  }
0x64: {  	_ =	shalt  }
0x65: {  	_ =	shalt  }
0x66: {  	_ =	shalt  }
0x67: {  	_ =	shalt  }
0x68: {  	_ =	shalt  }
0x69: {  	_ =	shalt  }
0x6a: {  	_ =	shalt  }
0x6b: {  	_ =	shalt  }
0x6c: {  	_ =	shalt  }
0x6d: {  	_ =	shalt  }
0x6e: {  	_ =	shalt  }
0x6f: {  	_ =	shalt  }
0x70: {  	_ =	shalt  }
0x71: {  	_ =	shalt  }
0x72: {  	_ =	shalt  }
0x73: {  	_ =	shalt  }
0x74: {  	_ =	shalt  }
0x75: {  	_ =	shalt  }
0x76: {  	_ =	shalt  }
0x77: {  	_ =	shalt  }
0x78: {  	_ =	shalt  }
0x79: {  	_ =	shalt  }
0x7a: {  	_ =	shalt  }
0x7b: {  	_ =	shalt  }
0x7c: {  	_ =	shalt  }
0x7d: {  	_ =	shalt  }
0x7e: {  	_ =	shalt  }
0x7f: {  	_ =	shalt  }
0x80: {  	_ =	shalt  }
0x81: {  	_ =	shalt  }
0x82: {  	_ =	shalt  }
0x83: {  	_ =	shalt  }
0x84: {  	_ =	shalt  }
0x85: {  	_ =	shalt  }
0x86: {  	_ =	shalt  }
0x87: {  	_ =	shalt  }
.Lfunc_end0:
.L_simem_size_0:
called_computation.2_lowered:
.L_overlay_start_0:
0x88: {  	s2 =	sld [smem:$0x3FD9]  }
0x89: {  	s3 =	sld [smem:$0x3FFE];
	_ =	sdelay $0x1  }
0x8a: {  	s1 =	srdreg.scid  }
0x8b: {  	s0 =	sand.u32 $0x1, s1  }
0x8c: {  	s16 =	sshll.u32 s0, $0xA;
	s2 =	sadd.s32 s3, s2  }
0x8d: {  	s2 =	sadd.s32 s2, s16  }
0x8e: {  	[smem:$0x3FC1] =	sst s2  }
0x8f: {  	_ = 	snop  }
0x90: {  	(tm) =	ssettm $0x1  }
0x91: {  	s17 =	sld [smem:$0x3FFB];
	_ =	sdelay $0x3  }
0x92: {  	_ =	strace s17  }
0x93: {  	s2 =	sld [smem:$0x3FFC];
	_ =	sdelay $0x3  }
0x94: {  	_ =	strace s2  }
0x95: {  	s2 =	sld [smem:$0x3FFD];
	_ =	sdelay $0x3  }
0x96: {  	_ =	strace s2  }
0x97: {  	_ =	strace $0x8FFFFFFF  }
0x98: {  	s18 =	sld [smem:$0x3FDB];
	_ =	sdelay $0x1  }
0x99: {  	s19 =	simm.s32 $_scs_section_size  }
0x9a: {  	s4 =	simm.s32 $_size__tile_overlayer_lowered;
	s5 =	simm.s32 $_tile_overlayer_lowered  }
0x9b: {  	s22 =	simm.s32 $0x1BFF;
	s21 =	sshll.u32 s5, $0x1;
	s2 =	sadd.s32 s19, s18  }
0x9c: {  	s6 =	simm.s32 $0x0;
	s20 =	sshll.u32 s4, $0x1;
	s4 =	sadd.s32 s21, s2  }
0x9d: {  	[timem:s6], [sflag:s22] =	dma.local [hbm:s4], s20  }
0x9e: {  	_ =	swait.ge [sflag:s22], s20  }
0x9f: {  	s3 =	ssub.s32 $0x0, s20;
	[sflag:s22] =	ssyncset.done $0x0  }
0xa0: {  	[sflag:s22] =	ssyncadd.s32 s3;
	_ =	sdelay $0x1  }
0xa1: {  	s23 =	simm.s32 $0x1B8B  }
0xa2: {  	_ =	swait.ge [sflag:s23], $0x1  }
0xa3: {  	[sflag:s23] =	ssyncset.done $0x0  }
0xa4: {  	s25 =	simm.s32 $0x1B8E;
	s24 =	sld [smem:$0x3FFE];
	[sflag:s23] =	ssyncadd.s32 $0xFFFFFFFF  }
0xa5: {  	s26 =	simm.s32 $execute0_lowered;
	[smem:$0x3FD2] =	sst s25  }
0xa6: {  	s4 =	sshll.u32 s26, $0x1;
	_ =	strace $0x8000004C;
	[dreg:$0x1] =	wrdreg $0xFFFFFFFF  }
0xa7: {  	s28 =	simm.s32 $_size_execute0_lowered;
	s2 =	sadd.s32 s2, s4;
	[dreg:$0x0] =	wrdreg $0x0  }
0xa8: {  	s4 =	sshll.u32 s28, $0x1;
	[dreg:$0x2] =	wrdreg s2  }
0xa9: {  	[dreg:$0x3] =	wrdreg s4  }
0xaa: {  	[dreg:$0x4] =	wrdreg $0xC0  }
0xab: {  	_ =	task [dreg:s6], $0x5FFFF  }
0xac: {  	[dreg:$0x1] =	wrdreg $0xFFFFFFFF  }
0xad: {  	[dreg:$0x0] =	wrdreg $0x60  }
0xae: {  	[dreg:$0x2] =	wrdreg s24  }
0xaf: {  	[dreg:$0x3] =	wrdreg $0x9EC00  }
0xb0: {  	[dreg:$0x4] =	wrdreg $0x9  }
0xb1: {  	_ =	task.clear_ibuf [dreg:s6], $0x5FFFF;
	_ =	strace $0x9000004C  }
0xb2: {  	s29 =	simm.s32 $0x9;
	_ =	strace $0x8000004E  }
0xb3: {  	_ =	swait.ge [sflag:s29], $0x1  }
0xb4: {  	[sflag:s29] =	ssyncadd.s32 $0xFFFFFFFF  }
0xb5: {  	_ =	strace $0x9000004E  }
0xb6: {  	_ =	sfence  }
0xb7: {  	s30 =	sld [smem:$0x0];
	_ =	sdelay $0x2  }
0xb8: {  	s31 =	sshll.u32 s1, $0xD;
	s1 =	sshrl.u32 s1, $0x2  }
0xb9: {  	s3 =	sand.u32 $0x4000, s31;
	s1 =	sadd.s32 s1, s30  }
0xba: {  	s0 =	sor.u32 s3, s0;
	s1 =	sshll.u32 s1, $0x11  }
0xbb: {  	s0 =	sor.u32 s1, s0  }
0xbc: {  	s0 =	sadd.s32 $0x8F2B, s0  }
0xbd: {  	[sflag:s0] =	ssyncadd.remote.s32 $0x1  }
0xbe: {  	_ =	sfence.sel $0xFFFF  }
0xbf: {  	[dreg:$0x0] =	wrdreg $0xFFFFFFFF;
	(pc) =	sbr.abs _section_cstart, $3  }
0xc0: {  	[dreg:$0x1] =	wrdreg $0xFFFFFFFF  }
0xc1: {  	_ =	task.clear_ibuf [dreg:s6], $0x2FFFF;
	_ =	strace $0x9FFFFFFF  }
0xc2: {  	(tm) =	ssettm $0x7FFFFFFF  }
0xc3: {  	_ =	shalt  }
tec
execute0_lowered:
.L_overlay_start_1:
0x0: {  	(tag) =	ssettag $0x1  }
0x1: {  	s1 =	srdreg.scid;
	s5 =	rddreg [dreg:$0x0]  }
0x2: {  	s0 =	stileid.u32;
	s2 =	rddreg [dreg:$0x1]  }
0x3: {  	s3 =	simm.s32 $0x0;
	s15 =	simm.s32 $0x1;
	s16 =	simm.s32 $0x4E20  }
0x4: {  	s19 =	simm.s32 $0x0;
	s12 =	sand.u32 $0x1, s1;
	s9 =	smul.u32 $0x280, s0  }
0x5: {  	s29 =	sshll.u32 s0, $0x1;
	[smem:$0x7FF] =	sst s3;
	s11 =	smul.u32 $0xA00, s0  }
0x6: {  	s17 =	sshll.u32 s0, $0x6;
	s1 =	sor.u32 s12, s29;
	s6 =	smul.u32 $0x2800, s12  }
0x7: {  	s8 =	ssub.s32 $0x2, s12;
	p0 =	seq.s32 s12, $0x0;
	s12 =	simm.s32 $0x2710  }
0x8: {  	s17 =	sor.u32 $0x1C02, s17;
	s4 =	smul.u32 $0x2710, s1;
	s1 =	rddreg [dreg:$0x2]  }
0x9: {  	_ =	strace $0x8000004D;
	s10 =	sshrl.u32 s8, $0x1;
	s30 =	sshrl.u32 s11, $0x2  }
0xa: {  	s31 =	sshrl.u32 s9, $0x3;
	s6 =	sadd.s32 s9, s6;
	s14 =	ssub.s32 s8, s10  }
0xb: {  	s9 =	sadd.s32 s9, s2;
	s4 =	sshrl.u32 s4, $0x3;
	s6 =	sshrl.u32 s6, $0x3  }
0xc: {  	s11 =	smax.u32 s14, $0x1;
	s14 =	simm.s32 $0x2;
	s18 =	sshrl.u32 s9, $0x3  }
0xd: {  	s7 =	sadd.s32 s4, s5;
	s4 =	sadd.s32 $0x15C00, s5;
	s13 =	sadd.s32 s6, s5  }
0xe: {  	s5 =	sadd.s32 $0x2200, s7;
	s6 =	sadd.s32 $0xBE40, s7;
	s7 =	sadd.s32 s30, s2  }
0xf: {  	s8 =	sadd.s32 s4, s31;
	s10 =	sadd.s32 $0x16200, s13;
	s13 =	simm.s32 $0x7530  }
.LBB2_1:
0x10: {  	[tilespmem:s3], [sflag:$0x1] =	stream.linear.gather [hbm4b:s5+s3], $0x2710, $0x38;
	[tilespmem:$0xA140] =	vst v63  }
0x11: {  	_ = 	snop  }
0x12: {  	[tilespmem:s12], [sflag:$0x1] =	stream.linear.gather [hbm4b:s6+s3], $0x2710, $0x38;
	[tilespmem:$0xA140] =	vst v63  }
0x13: {  	_ = 	snop  }
0x14: {  	[tilespmem:s13], [sflag:$0x1] =	stream.linear.gather [hbm4b:s4+s3], $0x2710, $0x38;
	[tilespmem:$0xA140] =	vst v63  }
0x15: {  	s20 =	simm.s32 @p0 $0x0;
	s21 =	simm.s32 @p0 $0x4E20  }
0x16: {  	[tilespmem:s21], [sflag:$0x2] =	stream.linear.gather @p0 [hbm4b:s8+s20], $0x280, $0x38;
	[tilespmem:$0xA140] =	vst v63  }
0x17: {  	s20 =	simm.s32 @p0 $0x2  }
0x18: {  	_ =	swait.ge @p0 [sflag:s20], $0x280  }
0x19: {  	[sflag:s20] =	ssyncset.done @p0 $0x0  }
0x1a: {  	[sflag:s20] =	ssyncadd.s32 @p0 $0xFFFFFD80  }
0x1b: {  	v0 =	vimm.f32 @!p0 $0.0e+00;
	[spmem:s9] =	stream.linear.scatter @p0 [tilespmem:s21], [sflag:$0x2], $0x280, $0x38;
	[tilespmem:$0xA140] =	vst v63  }
0x1c: {  	[tilespmem:$0x9C40] =	vst @!p0 v0  }
0x1d: {  	[tilespmem:$0x9C50] =	vst @!p0 v0  }
0x1e: {  	[tilespmem:$0x9C60] =	vst @!p0 v0  }
0x1f: {  	[tilespmem:$0x9C70] =	vst @!p0 v0  }
0x20: {  	[tilespmem:$0x9C80] =	vst @!p0 v0  }
0x21: {  	[tilespmem:$0x9C90] =	vst @!p0 v0  }
0x22: {  	[tilespmem:$0x9CA0] =	vst @!p0 v0  }
0x23: {  	[tilespmem:$0x9CB0] =	vst @!p0 v0  }
0x24: {  	[tilespmem:$0x9CC0] =	vst @!p0 v0  }
0x25: {  	[tilespmem:$0x9CD0] =	vst @!p0 v0  }
0x26: {  	[tilespmem:$0x9CE0] =	vst @!p0 v0  }
0x27: {  	[tilespmem:$0x9CF0] =	vst @!p0 v0  }
0x28: {  	[tilespmem:$0x9D00] =	vst @!p0 v0  }
0x29: {  	[tilespmem:$0x9D10] =	vst @!p0 v0  }
0x2a: {  	[tilespmem:$0x9D20] =	vst @!p0 v0  }
0x2b: {  	[tilespmem:$0x9D30] =	vst @!p0 v0  }
0x2c: {  	[tilespmem:$0x9D40] =	vst @!p0 v0  }
0x2d: {  	[tilespmem:$0x9D50] =	vst @!p0 v0  }
0x2e: {  	[tilespmem:$0x9D60] =	vst @!p0 v0  }
0x2f: {  	[tilespmem:$0x9D70] =	vst @!p0 v0  }
0x30: {  	[tilespmem:$0x9D80] =	vst @!p0 v0  }
0x31: {  	[tilespmem:$0x9D90] =	vst @!p0 v0  }
0x32: {  	[tilespmem:$0x9DA0] =	vst @!p0 v0  }
0x33: {  	[tilespmem:$0x9DB0] =	vst @!p0 v0  }
0x34: {  	[tilespmem:$0x9DC0] =	vst @!p0 v0  }
0x35: {  	[tilespmem:$0x9DD0] =	vst @!p0 v0  }
0x36: {  	[tilespmem:$0x9DE0] =	vst @!p0 v0  }
0x37: {  	[tilespmem:$0x9DF0] =	vst @!p0 v0  }
0x38: {  	[tilespmem:$0x9E00] =	vst @!p0 v0  }
0x39: {  	[tilespmem:$0x9E10] =	vst @!p0 v0  }
0x3a: {  	[tilespmem:$0x9E20] =	vst @!p0 v0  }
0x3b: {  	[tilespmem:$0x9E30] =	vst @!p0 v0  }
0x3c: {  	[tilespmem:$0x9E40] =	vst @!p0 v0  }
0x3d: {  	[tilespmem:$0x9E50] =	vst @!p0 v0  }
0x3e: {  	[tilespmem:$0x9E60] =	vst @!p0 v0  }
0x3f: {  	[tilespmem:$0x9E70] =	vst @!p0 v0  }
0x40: {  	[tilespmem:$0x9E80] =	vst @!p0 v0  }
0x41: {  	[tilespmem:$0x9E90] =	vst @!p0 v0  }
0x42: {  	[tilespmem:$0x9EA0] =	vst @!p0 v0  }
0x43: {  	s20 =	simm.s32 @!p0 $0x9C40;
	[tilespmem:$0x9EB0] =	vst @!p0 v0  }
0x44: {  	[spmem:s7] =	stream.linear.scatter @!p0 [tilespmem:s20], [sflag:$0x2], $0x280, $0x38;
	[tilespmem:$0xA140] =	vst v63  }
0x45: {  	_ =	swait.ge [sflag:s14], $0x280  }
0x46: {  	[sflag:s14] =	ssyncset.done $0x0  }
0x47: {  	[sflag:s14] =	ssyncadd.s32 $0xFFFFFD80  }
0x48: {  	_ =	swait.ge [sflag:s15], $0x2710  }
0x49: {  	[sflag:s15] =	ssyncset.done $0x0  }
0x4a: {  	[sflag:s15] =	ssyncadd.s32 $0xFFFFD8F0  }
0x4b: {  	_ =	swait.ge [sflag:s15], $0x2710  }
0x4c: {  	[sflag:s15] =	ssyncset.done $0x0  }
0x4d: {  	[sflag:s15] =	ssyncadd.s32 $0xFFFFD8F0  }
0x4e: {  	_ =	swait.ge [sflag:s15], $0x2710  }
0x4f: {  	[sflag:s15] =	ssyncset.done $0x0  }
0x50: {  	[sflag:s15] =	ssyncadd.s32 $0xFFFFD8F0  }
0x51: {  	s20 =	simm.s32 $0x0;
	[bflag:$0x0] =	sbarrier.arrive $0xFFFF  }
0x52: {  	v0 =	vld [tilespmem:s20+$0x0];
	_ =	sdelay $0x7  }
0x53: {  	s22 =	simm.s32 $0x80;
	s21 =	simm.s32 $0x10;
	v0 =	vld.idx.msk [tilespmem:v0+s13+$0x0], $0xffff  }
.LBB2_2:
0x54: {  	p1 =	sne.s32 s22, $0x9C00;
	v1 =	vld [tilespmem:s21+$0x0];
	_ =	sdelay $0x3  }
.Ltmp0:
0x55: {  	(pc) =	sbr.rel @p1 .LBB2_2-.Ltmp0, $2  }
0x56: {  	[tilespmem:s20+$0x4E20] =	vst v0;
	s20 =	smov.u32 s21;
	_ =	sdelay $0x2  }
0x57: {  	s21 =	sshra.s32 s22, $0x2;
	s22 =	sadd.s32 $0x40, s22;
	v0 =	vld.idx.msk [tilespmem:v1+s13+$0x0], $0xffff  }
0x58: {  	v1 =	vld [tilespmem:s21+$0x0];
	_ =	sdelay $0x6  }
0x59: {  	[tilespmem:s20+$0x4E20] =	vst v0  }
0x5a: {  	v0 =	vld.idx.msk [tilespmem:v1+s13+$0x0], $0xffff;
	_ =	sdelay $0x4  }
0x5b: {  	[tilespmem:s21+$0x4E20] =	vst v0  }
0x5c: {  	[spmem:s2] =	stream.indirect.scatter.add.f32 [tilespmem:s16], [sflag:$0x2], $0x1, s12, s12, $0xb8;
	[tilespmem:$0xA140] =	vst v63  }
0x5d: {  	_ =	swait.ge [sflag:s14], $0x2710  }
0x5e: {  	s19 =	sadd.s32 $0x1, s19;
	[sflag:s14] =	ssyncset.done $0x0  }
0x5f: {  	p1 =	sne.s32 s19, s11;
	[sflag:s14] =	ssyncadd.s32 $0xFFFFD8F0  }
.Ltmp1:
0x60: {  	[bflag:$0x0] =	sbarrier.arrive $0xFFFF;
	(pc) =	sbr.rel @p1 .LBB2_1-.Ltmp1, $4  }
0x61: {  	[hbm:s10], [sflag:s17] =	dma.local [spmem:s18], $0x50  }
0x62: {  	_ =	swait.ge [sflag:s14], $0x50  }
0x63: {  	[sflag:s14] =	ssyncset.done $0x0  }
0x64: {  	[sflag:s14] =	ssyncadd.s32 $0xFFFFFFB0  }
0x65: {  	_ =	sfence.sel $0x180000  }
0x66: {  	[bflag:$0x0] =	sbarrier.arrive $0xFFFF  }
0x67: {  	p0 =	sne.s32 s0, $0x0;
	_ =	strace $0x9000004D  }
0x68: {  	s0 =	sadd.s32 @!p0 $0x100000, s1;
	[bflag:$0x2] =	sbarrier.arrive $0xFFFF  }
0x69: {  	[sflag:s0] =	ssyncadd.tile.s32 @!p0 $0x1;
	_ =	shalt  }
.Lfunc_end2:
_tile_overlayer_lowered:
.L_overlay_start_2:
0x6a: {  	(tag) =	ssettag $0x2  }
0x6b: {  	s0 =	rddreg [dreg:$0x0];
	s2 =	stileid.u32  }
0x6c: {  	s1 =	rddreg [dreg:$0x1];
	p0 =	sne.s32 s2, $0x0  }
0x6d: {  	s3 =	rddreg [dreg:$0x2];
	[bflag:$0x3] =	sbarrier.arrive $0xFFFF;
	s2 =	simm.s32 @!p0 $0x1C02  }
0x6e: {  	[timem:s3], [sflag:s2] =	dma.local @!p0 [hbm:s0], s1  }
0x6f: {  	s0 =	simm.s32 @!p0 $0x2  }
0x70: {  	_ =	swait.ge @!p0 [sflag:s0], s1  }
0x71: {  	s1 =	ssub.s32 @!p0 $0x0, s1;
	[sflag:s0] =	ssyncset.done @!p0 $0x0  }
0x72: {  	[sflag:s0] =	ssyncadd.s32 @!p0 s1  }
0x73: {  	[bflag:$0x3] =	sbarrier.arrive $0xFFFF  }
0x74: {  	_ =	shalt  }

// kernel: kernel.8.cloned.1.call-start
scs
__scs_entry_jumppad:
0x0: {  	(pc) =	sbr.rel $0x88, $3  }
0x1: {  	(tag) =	ssettag $0x0;
	lr =	simm.s32 $0x1  }
0x2: {  	[smem:$0x3F9A] =	sst lr;
	_ =	strace $0xD0000000  }
0x3: {  	_ = 	snop  }
0x4: {  	_ = 	snop  }
0x5: {  	_ = 	snop  }
0x6: {  	_ = 	snop  }
0x7: {  	_ = 	snop  }
__scs_overlays_trampoline_lowered:
0x8: {  	[smem:$0x3FA9] =	sst s0  }
0x9: {  	[smem:$0x3FAA] =	sst s1  }
0xa: {  	[smem:$0x3FAB] =	sst s2  }
0xb: {  	[smem:$0x3FAC] =	sst s3  }
0xc: {  	[smem:$0x3FAD] =	sst s4  }
0xd: {  	[smem:$0x3FAE] =	sst s5  }
0xe: {  	[smem:$0x3FAF] =	sst s6  }
0xf: {  	[smem:$0x3FB0] =	sst s7  }
0x10: {  	[smem:$0x3FB1] =	sst s8  }
0x11: {  	[smem:$0x3FB2] =	sst s9;
	s0 =	simm.s32 @!p0 $0x0  }
0x12: {  	s1 =	sld [smem:$0x3F98];
	s0 =	simm.s32 @p0 $0x1  }
0x13: {  	[smem:$0x3FB3] =	sst s0;
	s0 =	simm.s32 @!p1 $0x0  }
0x14: {  	s2 =	sld [smem:$0x3F97];
	s0 =	simm.s32 @p1 $0x1  }
0x15: {  	[smem:$0x3FB4] =	sst s0;
	s0 =	simm.s32 @!p2 $0x0  }
0x16: {  	s3 =	sld [smem:$0x3FDB];
	s0 =	simm.s32 @p2 $0x1  }
0x17: {  	s4 =	simm.s32 $0x1BF5;
	[smem:$0x3FB6] =	sst s0  }
0x18: {  	s0 =	sld [smem:$0x3F99];
	_ =	swait.ge [sflag:s4], $0x0  }
0x19: {  	s7 =	sld [smem:$0x3F9A]  }
0x1a: {  	s8 =	sadd.s32 $0xFFFFE003, lr  }
0x1b: {  	s9 =	sadd.s32 $0xFFFFFEF7, lr;
	s5 =	simm.s32 $0xFFFFFFFF;
	p2 =	slt.u32 s8, $0xFFFFF086  }
0x1c: {  	p1 =	slt.u32 s9, $0xF7A;
	s5 =	simm.s32 @!p2 $0x0  }
0x1d: {  	s5 =	simm.s32 @p1 $0x1;
	p0 =	seq.s32 s7, s2  }
0x1e: {  	s7 =	smul.u32 @!p0 $0xF7A, s2;
	p2 =	seq.s32 @!p0 s5, $0x0  }
0x1f: {  	s9 =	smul.u32 $0xF7A, s1;
	s8 =	simm.s32 @!p0 $0x1BF5;
	p2 =	por !p2, p0  }
0x20: {  	[sflag:s8] =	ssyncset.s32 @!p0 $0xFFFFF086;
	s6 =	sadd.s32 @!p0 s3, s7;
	s7 =	simm.s32 @!p0 $0x108  }
0x21: {  	s3 =	sadd.s32 s3, s9;
	s6 =	sadd.s32 @!p0 $0x88, s6;
	s7 =	simm.s32 @p2 $0x1082  }
0x22: {  	[simem:s7], [sflag:s8] =	dma.local @!p0 [hbm:s6], $0xF7A  }
0x23: {  	s9 =	sor.u32 $0xD0000000, s2;
	s6 =	simm.s32 $0x108;
	_ =	swait.ge @!p0 [sflag:s8], $0x0  }
0x24: {  	s3 =	sadd.s32 $0x88, s3;
	s6 =	simm.s32 @!p1 $0x1082;
	[sflag:s4] =	ssyncset.s32 $0xFFFFF086  }
0x25: {  	[simem:s6], [sflag:s4] =	dma.local [hbm:s3], $0xF7A  }
0x26: {  	[smem:$0x3F9A] =	sst s1;
	(tag) =	ssettag s2;
	_ =	strace s9  }
0x27: {  	s1 =	sld [smem:$0x3FAA]  }
0x28: {  	s2 =	sld [smem:$0x3FAB]  }
0x29: {  	s4 =	sld [smem:$0x3FAD]  }
0x2a: {  	p0 =	seq.s32 s5, $0x0;
	s5 =	sld [smem:$0x3FAE]  }
0x2b: {  	s6 =	sld [smem:$0x3FAF]  }
0x2c: {  	s7 =	sld [smem:$0x3FB0]  }
0x2d: {  	s3 =	simm.s32 $0x108;
	s8 =	sld [smem:$0x3FB1]  }
0x2e: {  	s3 =	simm.s32 @!p0 $0x1082;
	s9 =	sld [smem:$0x3FB2]  }
0x2f: {  	lr =	sadd.s32 s0, s3;
	s0 =	sld [smem:$0x3FA9]  }
0x30: {  	s3 =	sld [smem:$0x3FAC]  }
0x31: {  	[smem:$0x3FB5] =	sst s10  }
0x32: {  	s10 =	sld [smem:$0x3FB3];
	_ =	sdelay $0x3  }
0x33: {  	p0 =	seq.s32 s10, $0x1;
	s10 =	sld [smem:$0x3FB5];
	_ =	sdelay $0x3  }
0x34: {  	[smem:$0x3FB5] =	sst s10  }
0x35: {  	s10 =	sld [smem:$0x3FB4];
	_ =	sdelay $0x3  }
0x36: {  	p1 =	seq.s32 s10, $0x1;
	s10 =	sld [smem:$0x3FB5];
	_ =	sdelay $0x3  }
0x37: {  	[smem:$0x3FB5] =	sst s10  }
0x38: {  	s10 =	sld [smem:$0x3FB6]  }
0x39: {  	_ = 	snop;
	(pc) =	sbr.ind lr, $3  }
0x3a: {  	_ = 	snop  }
0x3b: {  	_ = 	snop  }
0x3c: {  	p2 =	seq.s32 s10, $0x1;
	s10 =	sld [smem:$0x3FB5]  }
0x3d: {  	_ =	shalt  }
0x3e: {  	_ =	shalt  }
0x3f: {  	_ =	shalt  }
0x40: {  	_ =	shalt  }
0x41: {  	_ =	shalt  }
0x42: {  	_ =	shalt  }
0x43: {  	_ =	shalt  }
0x44: {  	_ =	shalt  }
0x45: {  	_ =	shalt  }
0x46: {  	_ =	shalt  }
0x47: {  	_ =	shalt  }
0x48: {  	_ =	shalt  }
0x49: {  	_ =	shalt  }
0x4a: {  	_ =	shalt  }
0x4b: {  	_ =	shalt  }
0x4c: {  	_ =	shalt  }
0x4d: {  	_ =	shalt  }
0x4e: {  	_ =	shalt  }
0x4f: {  	_ =	shalt  }
0x50: {  	_ =	shalt  }
0x51: {  	_ =	shalt  }
0x52: {  	_ =	shalt  }
0x53: {  	_ =	shalt  }
0x54: {  	_ =	shalt  }
0x55: {  	_ =	shalt  }
0x56: {  	_ =	shalt  }
0x57: {  	_ =	shalt  }
0x58: {  	_ =	shalt  }
0x59: {  	_ =	shalt  }
0x5a: {  	_ =	shalt  }
0x5b: {  	_ =	shalt  }
0x5c: {  	_ =	shalt  }
0x5d: {  	_ =	shalt  }
0x5e: {  	_ =	shalt  }
0x5f: {  	_ =	shalt  }
0x60: {  	_ =	shalt  }
0x61: {  	_ =	shalt  }
0x62: {  	_ =	shalt  }
0x63: {  	_ =	shalt  }
0x64: {  	_ =	shalt  }
0x65: {  	_ =	shalt  }
0x66: {  	_ =	shalt  }
0x67: {  	_ =	shalt  }
0x68: {  	_ =	shalt  }
0x69: {  	_ =	shalt  }
0x6a: {  	_ =	shalt  }
0x6b: {  	_ =	shalt  }
0x6c: {  	_ =	shalt  }
0x6d: {  	_ =	shalt  }
0x6e: {  	_ =	shalt  }
0x6f: {  	_ =	shalt  }
0x70: {  	_ =	shalt  }
0x71: {  	_ =	shalt  }
0x72: {  	_ =	shalt  }
0x73: {  	_ =	shalt  }
0x74: {  	_ =	shalt  }
0x75: {  	_ =	shalt  }
0x76: {  	_ =	shalt  }
0x77: {  	_ =	shalt  }
0x78: {  	_ =	shalt  }
0x79: {  	_ =	shalt  }
0x7a: {  	_ =	shalt  }
0x7b: {  	_ =	shalt  }
0x7c: {  	_ =	shalt  }
0x7d: {  	_ =	shalt  }
0x7e: {  	_ =	shalt  }
0x7f: {  	_ =	shalt  }
0x80: {  	_ =	shalt  }
0x81: {  	_ =	shalt  }
0x82: {  	_ =	shalt  }
0x83: {  	_ =	shalt  }
0x84: {  	_ =	shalt  }
0x85: {  	_ =	shalt  }
0x86: {  	_ =	shalt  }
0x87: {  	_ =	shalt  }
.Lfunc_end0:
.L_simem_size_0:
called_computation_lowered:
.L_overlay_start_0:
0x88: {  	s2 =	sld [smem:$0x3FD9]  }
0x89: {  	s3 =	sld [smem:$0x3FFE];
	_ =	sdelay $0x1  }
0x8a: {  	s1 =	srdreg.scid  }
0x8b: {  	s0 =	sand.u32 $0x1, s1  }
0x8c: {  	s16 =	sshll.u32 s0, $0xA;
	s2 =	sadd.s32 s3, s2  }
0x8d: {  	s2 =	sadd.s32 s2, s16  }
0x8e: {  	[smem:$0x3FC1] =	sst s2  }
0x8f: {  	_ = 	snop  }
0x90: {  	(tm) =	ssettm $0x1  }
0x91: {  	s17 =	sld [smem:$0x3FFB];
	_ =	sdelay $0x3  }
0x92: {  	_ =	strace s17  }
0x93: {  	s2 =	sld [smem:$0x3FFC];
	_ =	sdelay $0x3  }
0x94: {  	_ =	strace s2  }
0x95: {  	s2 =	sld [smem:$0x3FFD];
	_ =	sdelay $0x3  }
0x96: {  	_ =	strace s2  }
0x97: {  	_ =	strace $0x8FFFFFFF  }
0x98: {  	s18 =	sld [smem:$0x3FDB];
	_ =	sdelay $0x1  }
0x99: {  	s19 =	simm.s32 $_scs_section_size  }
0x9a: {  	s4 =	simm.s32 $_size__tile_overlayer_lowered;
	s5 =	simm.s32 $_tile_overlayer_lowered  }
0x9b: {  	s22 =	simm.s32 $0x1BFF;
	s21 =	sshll.u32 s5, $0x1;
	s2 =	sadd.s32 s19, s18  }
0x9c: {  	s6 =	simm.s32 $0x0;
	s20 =	sshll.u32 s4, $0x1;
	s4 =	sadd.s32 s21, s2  }
0x9d: {  	[timem:s6], [sflag:s22] =	dma.local [hbm:s4], s20  }
0x9e: {  	_ =	swait.ge [sflag:s22], s20  }
0x9f: {  	s3 =	ssub.s32 $0x0, s20;
	[sflag:s22] =	ssyncset.done $0x0  }
0xa0: {  	[sflag:s22] =	ssyncadd.s32 s3;
	_ =	sdelay $0x1  }
0xa1: {  	s23 =	simm.s32 $0x1B8B  }
0xa2: {  	_ =	swait.ge [sflag:s23], $0x1  }
0xa3: {  	[sflag:s23] =	ssyncset.done $0x0  }
0xa4: {  	s25 =	simm.s32 $0x1B8E;
	s24 =	sld [smem:$0x3FFE];
	[sflag:s23] =	ssyncadd.s32 $0xFFFFFFFF  }
0xa5: {  	s26 =	simm.s32 $execute0_lowered;
	[smem:$0x3FD2] =	sst s25  }
0xa6: {  	s4 =	sshll.u32 s26, $0x1;
	_ =	strace $0x80000046;
	[dreg:$0x1] =	wrdreg $0xFFFFFFFF  }
0xa7: {  	s28 =	simm.s32 $_size_execute0_lowered;
	s2 =	sadd.s32 s2, s4;
	[dreg:$0x0] =	wrdreg $0x0  }
0xa8: {  	s4 =	sshll.u32 s28, $0x1;
	[dreg:$0x2] =	wrdreg s2  }
0xa9: {  	[dreg:$0x3] =	wrdreg s4  }
0xaa: {  	[dreg:$0x4] =	wrdreg $0xC0  }
0xab: {  	_ =	task [dreg:s6], $0x5FFFF  }
0xac: {  	[dreg:$0x1] =	wrdreg $0xFFFFFFFF  }
0xad: {  	[dreg:$0x0] =	wrdreg $0x60  }
0xae: {  	[dreg:$0x2] =	wrdreg s24  }
0xaf: {  	[dreg:$0x3] =	wrdreg $0x50A00  }
0xb0: {  	[dreg:$0x4] =	wrdreg $0x9  }
0xb1: {  	_ =	task.clear_ibuf [dreg:s6], $0x5FFFF;
	_ =	strace $0x90000046  }
0xb2: {  	s29 =	simm.s32 $0x9;
	_ =	strace $0x80000048  }
0xb3: {  	_ =	swait.ge [sflag:s29], $0x1  }
0xb4: {  	[sflag:s29] =	ssyncadd.s32 $0xFFFFFFFF  }
0xb5: {  	_ =	strace $0x90000048  }
0xb6: {  	_ =	sfence  }
0xb7: {  	s30 =	sld [smem:$0x0];
	_ =	sdelay $0x2  }
0xb8: {  	s31 =	sshll.u32 s1, $0xD;
	s1 =	sshrl.u32 s1, $0x2  }
0xb9: {  	s3 =	sand.u32 $0x4000, s31;
	s1 =	sadd.s32 s1, s30  }
0xba: {  	s0 =	sor.u32 s3, s0;
	s1 =	sshll.u32 s1, $0x11  }
0xbb: {  	s0 =	sor.u32 s1, s0  }
0xbc: {  	s0 =	sadd.s32 $0x8F2B, s0  }
0xbd: {  	[sflag:s0] =	ssyncadd.remote.s32 $0x1  }
0xbe: {  	_ =	sfence.sel $0xFFFF  }
0xbf: {  	[dreg:$0x0] =	wrdreg $0xFFFFFFFF;
	(pc) =	sbr.abs _section_cstart, $3  }
0xc0: {  	[dreg:$0x1] =	wrdreg $0xFFFFFFFF  }
0xc1: {  	_ =	task.clear_ibuf [dreg:s6], $0x2FFFF;
	_ =	strace $0x9FFFFFFF  }
0xc2: {  	(tm) =	ssettm $0x7FFFFFFF  }
0xc3: {  	_ =	shalt  }
tec
execute0_lowered:
.L_overlay_start_1:
0x0: {  	(tag) =	ssettag $0x1  }
0x1: {  	s4 =	rddreg [dreg:$0x0]  }
0x2: {  	s2 =	rddreg [dreg:$0x1];
	s1 =	srdreg.scid  }
0x3: {  	s0 =	rddreg [dreg:$0x2];
	s3 =	simm.s32 $0x0;
	s5 =	sand.u32 $0x1, s1  }
0x4: {  	s14 =	simm.s32 $0x0;
	s1 =	stileid.u32;
	s6 =	smul.u32 $0x2800, s5  }
0x5: {  	[smem:$0x7FF] =	sst s3;
	s7 =	smul.u32 $0x280, s1;
	s8 =	sshll.u32 s1, $0x1  }
0x6: {  	_ =	strace $0x80000047;
	s9 =	ssub.s32 $0x2, s5;
	s10 =	smul.u32 $0xA00, s1  }
0x7: {  	p0 =	seq.s32 s5, $0x0;
	s12 =	sshll.u32 s1, $0x6;
	s8 =	sor.u32 s5, s8  }
0x8: {  	s11 =	sshrl.u32 s9, $0x1;
	s12 =	sor.u32 $0x1C02, s12;
	s6 =	sadd.s32 s7, s6  }
0x9: {  	s8 =	smul.u32 $0x2710, s8;
	s9 =	ssub.s32 s9, s11;
	s31 =	sshrl.u32 s10, $0x2  }
0xa: {  	s13 =	sadd.s32 s7, s2;
	s7 =	simm.s32 $0x2710;
	s10 =	simm.s32 $0x2  }
0xb: {  	s11 =	simm.s32 $0x1;
	s6 =	sshrl.u32 s6, $0x3;
	s5 =	sadd.s32 s31, s2  }
0xc: {  	s7 =	simm.s32 @!p0 $0x4E20;
	s6 =	sadd.s32 s6, s4;
	s8 =	sshrl.u32 s8, $0x3  }
0xd: {  	s13 =	sshrl.u32 s13, $0x3;
	s4 =	sadd.s32 s4, s8;
	s6 =	sadd.s32 $0x15C00, s6  }
0xe: {  	v0 =	vimm.f32 $1.000000000e+00;
	v1 =	vimm.f32 $0.0e+00;
	s8 =	smax.u32 s9, $0x1;
	s9 =	simm.s32 $0x2710;
	s4 =	sadd.s32 $0xBE40, s4  }
.LBB2_1:
0xf: {  	[tilespmem:s3], [sflag:$0x1] =	stream.linear.gather [hbm4b:s4+s3], $0x2710, $0x38;
	[tilespmem:$0x5320] =	vst v63  }
0x10: {  	s15 =	simm.s32 $0x40;
	s16 =	simm.s32 $0x0  }
.LBB2_2:
0x11: {  	p0 =	sne.s32 s15, $0x9C00;
	[tilespmem:s16+$0x2710] =	vst v0;
	s16 =	smov.u32 s15;
	s15 =	sadd.s32 $0x40, s15  }
.Ltmp0:
0x12: {  	(pc) =	sbr.rel @p0 .LBB2_2-.Ltmp0, $2  }
0x13: {  	_ =	sdelay $0x2  }
0x14: {  	s16 =	sshra.s32 s16, $0x2  }
0x15: {  	[tilespmem:s16+$0x2710] =	vst v0  }
0x16: {  	[tilespmem:$0x4E20] =	vst v1  }
0x17: {  	[tilespmem:$0x4E30] =	vst v1  }
0x18: {  	[tilespmem:$0x4E40] =	vst v1  }
0x19: {  	[tilespmem:$0x4E50] =	vst v1  }
0x1a: {  	[tilespmem:$0x4E60] =	vst v1  }
0x1b: {  	[tilespmem:$0x4E70] =	vst v1  }
0x1c: {  	[tilespmem:$0x4E80] =	vst v1  }
0x1d: {  	[tilespmem:$0x4E90] =	vst v1  }
0x1e: {  	[tilespmem:$0x4EA0] =	vst v1  }
0x1f: {  	[tilespmem:$0x4EB0] =	vst v1  }
0x20: {  	[tilespmem:$0x4EC0] =	vst v1  }
0x21: {  	[tilespmem:$0x4ED0] =	vst v1  }
0x22: {  	[tilespmem:$0x4EE0] =	vst v1  }
0x23: {  	[tilespmem:$0x4EF0] =	vst v1  }
0x24: {  	[tilespmem:$0x4F00] =	vst v1  }
0x25: {  	[tilespmem:$0x4F10] =	vst v1  }
0x26: {  	[tilespmem:$0x4F20] =	vst v1  }
0x27: {  	[tilespmem:$0x4F30] =	vst v1  }
0x28: {  	[tilespmem:$0x4F40] =	vst v1  }
0x29: {  	[tilespmem:$0x4F50] =	vst v1  }
0x2a: {  	[tilespmem:$0x4F60] =	vst v1  }
0x2b: {  	[tilespmem:$0x4F70] =	vst v1  }
0x2c: {  	[tilespmem:$0x4F80] =	vst v1  }
0x2d: {  	[tilespmem:$0x4F90] =	vst v1  }
0x2e: {  	[tilespmem:$0x4FA0] =	vst v1  }
0x2f: {  	[tilespmem:$0x4FB0] =	vst v1  }
0x30: {  	[tilespmem:$0x4FC0] =	vst v1  }
0x31: {  	[tilespmem:$0x4FD0] =	vst v1  }
0x32: {  	[tilespmem:$0x4FE0] =	vst v1  }
0x33: {  	[tilespmem:$0x4FF0] =	vst v1  }
0x34: {  	[tilespmem:$0x5000] =	vst v1  }
0x35: {  	[tilespmem:$0x5010] =	vst v1  }
0x36: {  	[tilespmem:$0x5020] =	vst v1  }
0x37: {  	[tilespmem:$0x5030] =	vst v1  }
0x38: {  	[tilespmem:$0x5040] =	vst v1  }
0x39: {  	[tilespmem:$0x5050] =	vst v1  }
0x3a: {  	[tilespmem:$0x5060] =	vst v1  }
0x3b: {  	[tilespmem:$0x5070] =	vst v1  }
0x3c: {  	[tilespmem:$0x5080] =	vst v1  }
0x3d: {  	[tilespmem:$0x5090] =	vst v1  }
0x3e: {  	[spmem:s5] =	stream.linear.scatter [tilespmem:s7], [sflag:$0x2], $0x280, $0x38;
	[tilespmem:$0x5320] =	vst v63  }
0x3f: {  	_ =	swait.ge [sflag:s10], $0x280  }
0x40: {  	[sflag:s10] =	ssyncset.done $0x0  }
0x41: {  	[sflag:s10] =	ssyncadd.s32 $0xFFFFFD80  }
0x42: {  	_ =	swait.ge [sflag:s11], $0x2710  }
0x43: {  	[sflag:s11] =	ssyncset.done $0x0  }
0x44: {  	[sflag:s11] =	ssyncadd.s32 $0xFFFFD8F0  }
0x45: {  	[bflag:$0x0] =	sbarrier.arrive $0xFFFF  }
0x46: {  	[spmem:s2] =	stream.indirect.scatter.add.f32 [tilespmem:s9], [sflag:$0x2], $0x1, s3, s9, $0xb8;
	[tilespmem:$0x5320] =	vst v63  }
0x47: {  	_ =	swait.ge [sflag:s10], $0x2710  }
0x48: {  	s14 =	sadd.s32 $0x1, s14;
	[sflag:s10] =	ssyncset.done $0x0  }
0x49: {  	p0 =	sne.s32 s14, s8;
	[sflag:s10] =	ssyncadd.s32 $0xFFFFD8F0  }
.Ltmp1:
0x4a: {  	[bflag:$0x0] =	sbarrier.arrive $0xFFFF;
	(pc) =	sbr.rel @p0 .LBB2_1-.Ltmp1, $4  }
0x4b: {  	[hbm:s6], [sflag:s12] =	dma.local [spmem:s13], $0x50  }
0x4c: {  	_ =	swait.ge [sflag:s10], $0x50  }
0x4d: {  	[sflag:s10] =	ssyncset.done $0x0  }
0x4e: {  	[sflag:s10] =	ssyncadd.s32 $0xFFFFFFB0  }
0x4f: {  	_ =	sfence.sel $0x180000  }
0x50: {  	[bflag:$0x0] =	sbarrier.arrive $0xFFFF  }
0x51: {  	p0 =	sne.s32 s1, $0x0;
	_ =	strace $0x90000047  }
0x52: {  	s0 =	sadd.s32 @!p0 $0x100000, s0;
	[bflag:$0x2] =	sbarrier.arrive $0xFFFF  }
0x53: {  	[sflag:s0] =	ssyncadd.tile.s32 @!p0 $0x1;
	_ =	shalt  }
.Lfunc_end2:
_tile_overlayer_lowered:
.L_overlay_start_2:
0x54: {  	(tag) =	ssettag $0x2  }
0x55: {  	s0 =	rddreg [dreg:$0x0];
	s2 =	stileid.u32  }
0x56: {  	s1 =	rddreg [dreg:$0x1];
	p0 =	sne.s32 s2, $0x0  }
0x57: {  	s3 =	rddreg [dreg:$0x2];
	[bflag:$0x3] =	sbarrier.arrive $0xFFFF;
	s2 =	simm.s32 @!p0 $0x1C02  }
0x58: {  	[timem:s3], [sflag:s2] =	dma.local @!p0 [hbm:s0], s1  }
0x59: {  	s0 =	simm.s32 @!p0 $0x2  }
0x5a: {  	_ =	swait.ge @!p0 [sflag:s0], s1  }
0x5b: {  	s1 =	ssub.s32 @!p0 $0x0, s1;
	[sflag:s0] =	ssyncset.done @!p0 $0x0  }
0x5c: {  	[sflag:s0] =	ssyncadd.s32 @!p0 s1  }
0x5d: {  	[bflag:$0x3] =	sbarrier.arrive $0xFFFF  }
0x5e: {  	_ =	shalt  }

</sc_bundles>
